<compile_context>
chip_gen: v7x
topology: tpu7x:2x2x1
jax: 0.10.2.dev20260603
libtpu: 0.0.44.dev20260713+nightly
codegen_flags: <defaults>
</compile_context>

<pallas_src>
import functools
import jax
import jax.numpy as jnp
from jax import lax
from jax.experimental import pallas as pl
from jax.experimental.pallas import tpu as pltpu, tpu_sc as plsc

B = 256
N = 16384
NUM_WRITES = 4
NUM_READS = 8
LANES = 16

B_TC = 128

B_BLK = 32
N_BLK = 2048


def _tc_body(ww_ref, fg_ref, rw_ref, pu_ref, out_ref):
    pu = pu_ref[...]
    p = (1.0 - ww_ref[:, 0, :]) * (1.0 - ww_ref[:, 1, :])
    p = p * (1.0 - ww_ref[:, 2, :]) * (1.0 - ww_ref[:, 3, :])
    usage = 1.0 - (1.0 - pu) * p
    fg = fg_ref[...]
    phi = usage
    for r in range(NUM_READS):
        phi = phi * (1.0 - fg[:, r:r + 1] * rw_ref[:, r, :])
    out_ref[...] = phi


def _tc_part(ww, fg, rw, pu):
    grid = (B_TC // B_BLK, N // N_BLK)
    return pl.pallas_call(
        _tc_body,
        grid=grid,
        in_specs=[
            pl.BlockSpec((B_BLK, NUM_WRITES, N_BLK), lambda i, j: (i, 0, j)),
            pl.BlockSpec((B_BLK, NUM_READS), lambda i, j: (i, 0)),
            pl.BlockSpec((B_BLK, NUM_READS, N_BLK), lambda i, j: (i, 0, j)),
            pl.BlockSpec((B_BLK, N_BLK), lambda i, j: (i, j)),
        ],
        out_specs=pl.BlockSpec((B_BLK, N_BLK), lambda i, j: (i, j)),
        out_shape=jax.ShapeDtypeStruct((B_TC, N), jnp.float32),
    )(ww, fg, rw, pu)


B_SC = B - B_TC
NW = 32
BPW = B_SC // NW
CH = 2048
CPB = N // CH
T = BPW * CPB
DEPTH = 2


def _sc_body(ww_hbm, fg_hbm, rw_hbm, pu_hbm, out_hbm,
             ww_v, rw_v, pu_v, out_v, fg_v,
             sem_in0, sem_in1, sem_out0, sem_out1):
    cid = lax.axis_index("c")
    sid = lax.axis_index("s")
    wid = sid * 2 + cid
    b0 = wid * BPW

    sem_in = (sem_in0, sem_in1)
    sem_out = (sem_out0, sem_out1)

    pltpu.sync_copy(fg_hbm, fg_v)

    def tile_bn(t):
        b = b0 + t // CPB
        n0 = (t % CPB) * CH
        return b, n0

    def start_in(t, j):
        b, n0 = tile_bn(t)
        bg = b + B_TC
        pltpu.async_copy(ww_hbm.at[bg, :, pl.ds(n0, CH)], ww_v.at[j], sem_in[j])
        pltpu.async_copy(rw_hbm.at[bg, :, pl.ds(n0, CH)], rw_v.at[j], sem_in[j])
        pltpu.async_copy(pu_hbm.at[bg, pl.ds(n0, CH)], pu_v.at[j], sem_in[j])

    def wait_in(t, j):
        b, n0 = tile_bn(t)
        bg = b + B_TC
        pltpu.make_async_copy(ww_hbm.at[bg, :, pl.ds(n0, CH)], ww_v.at[j], sem_in[j]).wait()
        pltpu.make_async_copy(rw_hbm.at[bg, :, pl.ds(n0, CH)], rw_v.at[j], sem_in[j]).wait()
        pltpu.make_async_copy(pu_hbm.at[bg, pl.ds(n0, CH)], pu_v.at[j], sem_in[j]).wait()

    def start_out(t, j):
        b, n0 = tile_bn(t)
        pltpu.async_copy(out_v.at[j], out_hbm.at[b + B_TC, pl.ds(n0, CH)], sem_out[j])

    def wait_out(t, j):
        b, n0 = tile_bn(t)
        pltpu.make_async_copy(out_v.at[j], out_hbm.at[b + B_TC, pl.ds(n0, CH)], sem_out[j]).wait()

    def compute(t, j):
        b, _ = tile_bn(t)
        fg_vec = fg_v[b + B_TC, :]
        fgb = [jnp.broadcast_to(fg_vec[r], (LANES,)) for r in range(NUM_READS)]

        @plsc.parallel_loop(0, CH, step=LANES, unroll=8)
        def _loop(i):
            sl = pl.ds(i, LANES)
            pu16 = pu_v[j, sl]
            p = ((1.0 - ww_v[j, 0, sl]) * (1.0 - ww_v[j, 1, sl])) * (
                (1.0 - ww_v[j, 2, sl]) * (1.0 - ww_v[j, 3, sl]))
            q = 1.0 - (1.0 - pu16) * p
            ts = [1.0 - fgb[r] * rw_v[j, r, sl] for r in range(NUM_READS)]
            u = ((ts[0] * ts[1]) * (ts[2] * ts[3])) * (
                (ts[4] * ts[5]) * (ts[6] * ts[7]))
            out_v[j, sl] = q * u

    for t0 in range(DEPTH - 1):
        start_in(t0, t0)

    def outer(g, carry):
        for j in range(DEPTH):
            t = DEPTH * g + j

            @pl.when(t + DEPTH - 1 < T)
            def _():
                start_in(t + DEPTH - 1, (j + DEPTH - 1) % DEPTH)

            wait_in(t, j)

            @pl.when(t >= DEPTH)
            def _():
                wait_out(t - DEPTH, j)

            compute(t, j)
            start_out(t, j)
        return carry

    lax.fori_loop(0, T // DEPTH, outer, 0)

    for t0 in range(T - DEPTH, T):
        wait_out(t0, t0 % DEPTH)


def _sc_part(ww, fg_pad, rw, pu):
    mesh = plsc.VectorSubcoreMesh(core_axis_name="c", subcore_axis_name="s")
    f = functools.partial(
        pl.kernel,
        mesh=mesh,
        out_type=jax.ShapeDtypeStruct((B, N), jnp.float32),
        scratch_types=[
            pltpu.VMEM((DEPTH, NUM_WRITES, CH), jnp.float32),
            pltpu.VMEM((DEPTH, NUM_READS, CH), jnp.float32),
            pltpu.VMEM((DEPTH, CH), jnp.float32),
            pltpu.VMEM((DEPTH, CH), jnp.float32),
            pltpu.VMEM((B, LANES), jnp.float32),
        ] + [pltpu.SemaphoreType.DMA] * (2 * DEPTH),
    )(_sc_body)
    return f(ww, fg_pad, rw, pu)


def kernel(write_weights, free_gate, read_weights, prev_usage):
    fg_pad = jnp.pad(free_gate, ((0, 0), (0, LANES - NUM_READS)))
    out_sc = _sc_part(write_weights, fg_pad, read_weights, prev_usage)
    out_tc = _tc_part(write_weights, free_gate, read_weights, prev_usage)
    return lax.dynamic_update_slice(out_sc, out_tc, (0, 0))

# --- scband reference (transcript-rebuilt; emitter-appended) ---
"""Pipeline reference for scband-freeness-39118562132414 (READ-ONLY COPY).

The authoritative reference and input builder live on the scoring server;
editing this copy changes nothing except your own understanding.
"""

import jax, jax.numpy as jnp
import numpy as np

B = 256
N = 16384
NUM_WRITES = 4
NUM_READS = 8
EPS = 1e-06


def setup_inputs(seed: int = 0) -> dict:
    key = jax.random.key(seed)
    k1, k2, k3, k4 = jax.random.split(key, 4)
    write_weights = jax.random.uniform(k1, (B, NUM_WRITES, N), dtype=jnp.float32)
    free_gate = jax.random.uniform(k2, (B, NUM_READS), dtype=jnp.float32)
    read_weights = jax.random.uniform(k3, (B, NUM_READS, N), dtype=jnp.float32)
    prev_usage = jax.random.uniform(k4, (B, N), dtype=jnp.float32)
    return {
        "write_weights": write_weights,
        "free_gate": free_gate,
        "read_weights": read_weights,
        "prev_usage": prev_usage,
    }


def reference(write_weights, free_gate, read_weights, prev_usage):
    dtype = jnp.float32
    ww = jax.lax.stop_gradient(write_weights).astype(dtype)
    pu = prev_usage.astype(dtype)
    # _usage_after_write
    w = 1.0 - jnp.prod(1.0 - ww, axis=1)
    usage = pu + (1.0 - pu) * w
    # _usage_after_read
    fg = free_gate.astype(dtype)[..., None]
    free_read_weights = fg * read_weights.astype(dtype)
    phi = jnp.prod(1.0 - free_read_weights, axis=1)
    usage = usage * phi
    return usage

if __name__ == "__main__":
    import jax
    _d = setup_inputs()
    print(jax.jit(kernel)(*tuple(_d.values())))

</pallas_src>

<mosaic_0001>
#map = affine_map<(d0, d1) -> (0, 0, 0)>
#map1 = affine_map<(d0, d1) -> (0, 0)>
module attributes {stable_mosaic.version = 14 : i64} {
  func.func @_sc_body(%arg0: i32, %arg1: i32, %arg2: memref<256x4x16384xf32, #tpu.memory_space<hbm>>, %arg3: memref<256x16xf32, #tpu.memory_space<hbm>>, %arg4: memref<256x8x16384xf32, #tpu.memory_space<hbm>>, %arg5: memref<256x16384xf32, #tpu.memory_space<hbm>>, %arg6: memref<256x16384xf32, #tpu.memory_space<hbm>>, %arg7: memref<2x4x2048xf32, #tpu.memory_space<vmem>>, %arg8: memref<2x8x2048xf32, #tpu.memory_space<vmem>>, %arg9: memref<2x2048xf32, #tpu.memory_space<vmem>>, %arg10: memref<2x2048xf32, #tpu.memory_space<vmem>>, %arg11: memref<256x16xf32, #tpu.memory_space<vmem>>, %arg12: memref<!tpu.dma_semaphore, #tpu.memory_space<semaphore_mem>>, %arg13: memref<!tpu.dma_semaphore, #tpu.memory_space<semaphore_mem>>, %arg14: memref<!tpu.dma_semaphore, #tpu.memory_space<semaphore_mem>>, %arg15: memref<!tpu.dma_semaphore, #tpu.memory_space<semaphore_mem>>) attributes {dimension_semantics = [#tpu.dimension_semantics<core_parallel>, #tpu.dimension_semantics<subcore_parallel>], iteration_bounds = array<i64: 2, 16>, scalar_prefetch = 0 : i64, scratch_operands = 9 : i64, tpu.core_type = #tpu.core_type<sc_vector_subcore>, window_params = [{transform_indices = #map}, {transform_indices = #map1}, {transform_indices = #map}, {transform_indices = #map1}, {transform_indices = #map1}]} {
    %mul3A = arith.constant 2 : i32
    %mul3A_0 = arith.muli %arg1, %mul3A : i32
    %add3A = arith.addi %mul3A_0, %arg0 : i32
    %mul3A_1 = arith.constant 4 : i32
    %mul3A_2 = arith.muli %add3A, %mul3A_1 : i32
    "tpu.region"() ({
      %run_scoped3A = tpu.sem_alloc : memref<!tpu.dma_semaphore, #tpu.memory_space<semaphore_mem>>
      tpu.enqueue_dma source(%arg3 : memref<256x16xf32, #tpu.memory_space<hbm>>) target(%arg11 : memref<256x16xf32, #tpu.memory_space<vmem>>) target_semaphore(%run_scoped3A : memref<!tpu.dma_semaphore, #tpu.memory_space<semaphore_mem>>)
      tpu.wait_dma2 semaphore(%run_scoped3A : memref<!tpu.dma_semaphore, #tpu.memory_space<semaphore_mem>>) src(%arg3 : memref<256x16xf32, #tpu.memory_space<hbm>>) dst(%arg11 : memref<256x16xf32, #tpu.memory_space<vmem>>)
      tpu.yield
    }) : () -> ()
    %add3A_3 = arith.constant 0 : i32
    %add3A_4 = arith.addi %mul3A_2, %add3A_3 : i32
    %add3A_5 = arith.constant 128 : i32
    %add3A_6 = arith.addi %add3A_4, %add3A_5 : i32
    %dma_start3A = arith.constant 0 : i32
    %dma_start3A_7 = arith.constant 0 : i32
    %dma_start3A_8 = arith.constant 0 : i32
    %dma_start3A_9 = tpu.memref_slice %arg7[%dma_start3A, %dma_start3A_7, %dma_start3A_8] : memref<2x4x2048xf32, #tpu.memory_space<vmem>> -> memref<1x4x2048xf32, #tpu.memory_space<vmem>>
    %dma_start3A_10 = tpu.memref_squeeze %dma_start3A_9 : memref<1x4x2048xf32, #tpu.memory_space<vmem>> -> memref<4x2048xf32, #tpu.memory_space<vmem>>
    %dma_start3A_11 = arith.constant 0 : i32
    %dma_start3A_12 = arith.constant 0 : i32
    %dma_start3A_13 = tpu.memref_slice %arg2[%add3A_6, %dma_start3A_11, %dma_start3A_12] : memref<256x4x16384xf32, #tpu.memory_space<hbm>> -> memref<1x4x2048xf32, #tpu.memory_space<hbm>>
    %dma_start3A_14 = tpu.memref_squeeze %dma_start3A_13 : memref<1x4x2048xf32, #tpu.memory_space<hbm>> -> memref<4x2048xf32, #tpu.memory_space<hbm>>
    %dma_start3A_15 = arith.constant 0 : i32
    %dma_start3A_16 = arith.constant 0 : i32
    %dma_start3A_17 = tpu.memref_slice %arg7[%dma_start3A, %dma_start3A_15, %dma_start3A_16] : memref<2x4x2048xf32, #tpu.memory_space<vmem>> -> memref<1x4x2048xf32, #tpu.memory_space<vmem>>
    %dma_start3A_18 = tpu.memref_squeeze %dma_start3A_17 : memref<1x4x2048xf32, #tpu.memory_space<vmem>> -> memref<4x2048xf32, #tpu.memory_space<vmem>>
    %dma_start3A_19 = arith.constant 0 : i32
    %dma_start3A_20 = arith.constant 0 : i32
    %dma_start3A_21 = tpu.memref_slice %arg2[%add3A_6, %dma_start3A_19, %dma_start3A_20] : memref<256x4x16384xf32, #tpu.memory_space<hbm>> -> memref<1x4x2048xf32, #tpu.memory_space<hbm>>
    %dma_start3A_22 = tpu.memref_squeeze %dma_start3A_21 : memref<1x4x2048xf32, #tpu.memory_space<hbm>> -> memref<4x2048xf32, #tpu.memory_space<hbm>>
    tpu.enqueue_dma source(%dma_start3A_22 : memref<4x2048xf32, #tpu.memory_space<hbm>>) target(%dma_start3A_18 : memref<4x2048xf32, #tpu.memory_space<vmem>>) target_semaphore(%arg12 : memref<!tpu.dma_semaphore, #tpu.memory_space<semaphore_mem>>)
    %dma_start3A_23 = arith.constant 0 : i32
    %dma_start3A_24 = arith.constant 0 : i32
    %dma_start3A_25 = arith.constant 0 : i32
    %dma_start3A_26 = tpu.memref_slice %arg8[%dma_start3A_23, %dma_start3A_24, %dma_start3A_25] : memref<2x8x2048xf32, #tpu.memory_space<vmem>> -> memref<1x8x2048xf32, #tpu.memory_space<vmem>>
    %dma_start3A_27 = tpu.memref_squeeze %dma_start3A_26 : memref<1x8x2048xf32, #tpu.memory_space<vmem>> -> memref<8x2048xf32, #tpu.memory_space<vmem>>
    %dma_start3A_28 = arith.constant 0 : i32
    %dma_start3A_29 = arith.constant 0 : i32
    %dma_start3A_30 = tpu.memref_slice %arg4[%add3A_6, %dma_start3A_28, %dma_start3A_29] : memref<256x8x16384xf32, #tpu.memory_space<hbm>> -> memref<1x8x2048xf32, #tpu.memory_space<hbm>>
    %dma_start3A_31 = tpu.memref_squeeze %dma_start3A_30 : memref<1x8x2048xf32, #tpu.memory_space<hbm>> -> memref<8x2048xf32, #tpu.memory_space<hbm>>
    %dma_start3A_32 = arith.constant 0 : i32
    %dma_start3A_33 = arith.constant 0 : i32
    %dma_start3A_34 = tpu.memref_slice %arg8[%dma_start3A_23, %dma_start3A_32, %dma_start3A_33] : memref<2x8x2048xf32, #tpu.memory_space<vmem>> -> memref<1x8x2048xf32, #tpu.memory_space<vmem>>
    %dma_start3A_35 = tpu.memref_squeeze %dma_start3A_34 : memref<1x8x2048xf32, #tpu.memory_space<vmem>> -> memref<8x2048xf32, #tpu.memory_space<vmem>>
    %dma_start3A_36 = arith.constant 0 : i32
    %dma_start3A_37 = arith.constant 0 : i32
    %dma_start3A_38 = tpu.memref_slice %arg4[%add3A_6, %dma_start3A_36, %dma_start3A_37] : memref<256x8x16384xf32, #tpu.memory_space<hbm>> -> memref<1x8x2048xf32, #tpu.memory_space<hbm>>
    %dma_start3A_39 = tpu.memref_squeeze %dma_start3A_38 : memref<1x8x2048xf32, #tpu.memory_space<hbm>> -> memref<8x2048xf32, #tpu.memory_space<hbm>>
    tpu.enqueue_dma source(%dma_start3A_39 : memref<8x2048xf32, #tpu.memory_space<hbm>>) target(%dma_start3A_35 : memref<8x2048xf32, #tpu.memory_space<vmem>>) target_semaphore(%arg12 : memref<!tpu.dma_semaphore, #tpu.memory_space<semaphore_mem>>)
    %dma_start3A_40 = arith.constant 0 : i32
    %dma_start3A_41 = arith.constant 0 : i32
    %dma_start3A_42 = tpu.memref_slice %arg9[%dma_start3A_40, %dma_start3A_41] : memref<2x2048xf32, #tpu.memory_space<vmem>> -> memref<1x2048xf32, #tpu.memory_space<vmem>>
    %dma_start3A_43 = tpu.memref_squeeze %dma_start3A_42 : memref<1x2048xf32, #tpu.memory_space<vmem>> -> memref<2048xf32, #tpu.memory_space<vmem>>
    %dma_start3A_44 = arith.constant 0 : i32
    %dma_start3A_45 = tpu.memref_slice %arg5[%add3A_6, %dma_start3A_44] : memref<256x16384xf32, #tpu.memory_space<hbm>> -> memref<1x2048xf32, #tpu.memory_space<hbm>>
    %dma_start3A_46 = tpu.memref_squeeze %dma_start3A_45 : memref<1x2048xf32, #tpu.memory_space<hbm>> -> memref<2048xf32, #tpu.memory_space<hbm>>
    %dma_start3A_47 = arith.constant 0 : i32
    %dma_start3A_48 = tpu.memref_slice %arg9[%dma_start3A_40, %dma_start3A_47] : memref<2x2048xf32, #tpu.memory_space<vmem>> -> memref<1x2048xf32, #tpu.memory_space<vmem>>
    %dma_start3A_49 = tpu.memref_squeeze %dma_start3A_48 : memref<1x2048xf32, #tpu.memory_space<vmem>> -> memref<2048xf32, #tpu.memory_space<vmem>>
    %dma_start3A_50 = arith.constant 0 : i32
    %dma_start3A_51 = tpu.memref_slice %arg5[%add3A_6, %dma_start3A_50] : memref<256x16384xf32, #tpu.memory_space<hbm>> -> memref<1x2048xf32, #tpu.memory_space<hbm>>
    %dma_start3A_52 = tpu.memref_squeeze %dma_start3A_51 : memref<1x2048xf32, #tpu.memory_space<hbm>> -> memref<2048xf32, #tpu.memory_space<hbm>>
    tpu.enqueue_dma source(%dma_start3A_52 : memref<2048xf32, #tpu.memory_space<hbm>>) target(%dma_start3A_49 : memref<2048xf32, #tpu.memory_space<vmem>>) target_semaphore(%arg12 : memref<!tpu.dma_semaphore, #tpu.memory_space<semaphore_mem>>)
    %scan3A = arith.constant 0 : i32
    %scan3A_53 = arith.constant 0 : i32
    %scan3A_54 = arith.constant 16 : i32
    %scan3A_55 = arith.addi %scan3A_53, %scan3A_54 : i32
    %scan3A_56 = arith.constant 1 : i32
    scf.for %scan3A_91 = %scan3A_53 to %scan3A_55 step %scan3A_56  : i32 {
      %mul3A_92 = arith.constant 2 : i32
      %mul3A_93 = arith.muli %mul3A_92, %scan3A_91 : i32
      %add3A_94 = arith.constant 0 : i32
      %add3A_95 = arith.addi %mul3A_93, %add3A_94 : i32
      %add3A_96 = arith.constant 2 : i32
      %add3A_97 = arith.addi %add3A_95, %add3A_96 : i32
      %sub3A = arith.constant 1 : i32
      %sub3A_98 = arith.subi %add3A_97, %sub3A : i32
      %lt3A = arith.constant 32 : i32
      %lt3A_99 = arith.cmpi slt, %sub3A_98, %lt3A : i32
      %convert_element_type3A = arith.extui %lt3A_99 : i1 to i32
      %cond3A = arith.constant 0 : i32
      %cond3A_100 = arith.cmpi ne, %convert_element_type3A, %cond3A : i32
      scf.if %cond3A_100 {
        %add3A_546 = arith.constant 2 : i32
        %add3A_547 = arith.addi %add3A_95, %add3A_546 : i32
        %sub3A_548 = arith.constant 1 : i32
        %sub3A_549 = arith.subi %add3A_547, %sub3A_548 : i32
        %jit3A_550 = arith.constant 8 : i32
        %div3A_551 = arith.divsi %sub3A_549, %jit3A_550 : i32
        %sign3A_552 = arith.constant 0 : i32
        %sign3A_553 = arith.cmpi sgt, %sub3A_549, %sign3A_552 : i32
        %sign3A_554 = arith.extui %sign3A_553 : i1 to i32
        %sign3A_555 = arith.constant 0 : i32
        %sign3A_556 = arith.cmpi slt, %sub3A_549, %sign3A_555 : i32
        %sign3A_557 = arith.extui %sign3A_556 : i1 to i32
        %sign3A_558 = arith.subi %sign3A_554, %sign3A_557 : i32
        %sign3A_559 = arith.constant 0 : i32
        %sign3A_560 = arith.cmpi sgt, %jit3A_550, %sign3A_559 : i32
        %sign3A_561 = arith.extui %sign3A_560 : i1 to i32
        %sign3A_562 = arith.constant 0 : i32
        %sign3A_563 = arith.cmpi slt, %jit3A_550, %sign3A_562 : i32
        %sign3A_564 = arith.extui %sign3A_563 : i1 to i32
        %sign3A_565 = arith.subi %sign3A_561, %sign3A_564 : i32
        %ne3A_566 = arith.cmpi ne, %sign3A_558, %sign3A_565 : i32
        %rem3A_567 = arith.remsi %sub3A_549, %jit3A_550 : i32
        %ne3A_568 = arith.constant 0 : i32
        %ne3A_569 = arith.cmpi ne, %rem3A_567, %ne3A_568 : i32
        %and3A_570 = arith.andi %ne3A_566, %ne3A_569 : i1
        %sub3A_571 = arith.constant 1 : i32
        %sub3A_572 = arith.subi %div3A_551, %sub3A_571 : i32
        %select_n3A_573 = arith.select %and3A_570, %sub3A_572, %div3A_551 : i32
        %add3A_574 = arith.addi %mul3A_2, %select_n3A_573 : i32
        %jit3A_575 = arith.constant 8 : i32
        %eq3A_576 = arith.constant 0 : i32
        %eq3A_577 = arith.cmpi eq, %jit3A_575, %eq3A_576 : i32
        %jit3A_578 = arith.constant 1 : i32
        %select_n3A_579 = arith.select %eq3A_577, %jit3A_578, %jit3A_575 : i32
        %rem3A_580 = arith.remsi %sub3A_549, %select_n3A_579 : i32
        %ne3A_581 = arith.constant 0 : i32
        %ne3A_582 = arith.cmpi ne, %rem3A_580, %ne3A_581 : i32
        %lt3A_583 = arith.constant 0 : i32
        %lt3A_584 = arith.cmpi slt, %rem3A_580, %lt3A_583 : i32
        %lt3A_585 = arith.constant 0 : i32
        %lt3A_586 = arith.cmpi slt, %select_n3A_579, %lt3A_585 : i32
        %ne3A_587 = arith.xori %lt3A_584, %lt3A_586 : i1
        %and3A_588 = arith.andi %ne3A_587, %ne3A_582 : i1
        %add3A_589 = arith.addi %rem3A_580, %select_n3A_579 : i32
        %select_n3A_590 = arith.select %and3A_588, %add3A_589, %rem3A_580 : i32
        %mul3A_591 = arith.constant 2048 : i32
        %mul3A_592 = arith.muli %select_n3A_590, %mul3A_591 : i32
        %add3A_593 = arith.constant 128 : i32
        %add3A_594 = arith.addi %add3A_574, %add3A_593 : i32
        %dma_start3A_595 = arith.constant 1 : i32
        %dma_start3A_596 = arith.constant 0 : i32
        %dma_start3A_597 = arith.constant 0 : i32
        %dma_start3A_598 = tpu.memref_slice %arg7[%dma_start3A_595, %dma_start3A_596, %dma_start3A_597] : memref<2x4x2048xf32, #tpu.memory_space<vmem>> -> memref<1x4x2048xf32, #tpu.memory_space<vmem>>
        %dma_start3A_599 = tpu.memref_squeeze %dma_start3A_598 : memref<1x4x2048xf32, #tpu.memory_space<vmem>> -> memref<4x2048xf32, #tpu.memory_space<vmem>>
        %dma_start3A_600 = arith.constant 0 : i32
        %dma_start3A_601 = tpu.memref_slice %arg2[%add3A_594, %dma_start3A_600, %mul3A_592] : memref<256x4x16384xf32, #tpu.memory_space<hbm>> -> memref<1x4x2048xf32, #tpu.memory_space<hbm>>
        %dma_start3A_602 = tpu.memref_squeeze %dma_start3A_601 : memref<1x4x2048xf32, #tpu.memory_space<hbm>> -> memref<4x2048xf32, #tpu.memory_space<hbm>>
        %dma_start3A_603 = arith.constant 0 : i32
        %dma_start3A_604 = arith.constant 0 : i32
        %dma_start3A_605 = tpu.memref_slice %arg7[%dma_start3A_595, %dma_start3A_603, %dma_start3A_604] : memref<2x4x2048xf32, #tpu.memory_space<vmem>> -> memref<1x4x2048xf32, #tpu.memory_space<vmem>>
        %dma_start3A_606 = tpu.memref_squeeze %dma_start3A_605 : memref<1x4x2048xf32, #tpu.memory_space<vmem>> -> memref<4x2048xf32, #tpu.memory_space<vmem>>
        %dma_start3A_607 = arith.constant 0 : i32
        %dma_start3A_608 = tpu.memref_slice %arg2[%add3A_594, %dma_start3A_607, %mul3A_592] : memref<256x4x16384xf32, #tpu.memory_space<hbm>> -> memref<1x4x2048xf32, #tpu.memory_space<hbm>>
        %dma_start3A_609 = tpu.memref_squeeze %dma_start3A_608 : memref<1x4x2048xf32, #tpu.memory_space<hbm>> -> memref<4x2048xf32, #tpu.memory_space<hbm>>
        tpu.enqueue_dma source(%dma_start3A_609 : memref<4x2048xf32, #tpu.memory_space<hbm>>) target(%dma_start3A_606 : memref<4x2048xf32, #tpu.memory_space<vmem>>) target_semaphore(%arg13 : memref<!tpu.dma_semaphore, #tpu.memory_space<semaphore_mem>>)
        %dma_start3A_610 = arith.constant 1 : i32
        %dma_start3A_611 = arith.constant 0 : i32
        %dma_start3A_612 = arith.constant 0 : i32
        %dma_start3A_613 = tpu.memref_slice %arg8[%dma_start3A_610, %dma_start3A_611, %dma_start3A_612] : memref<2x8x2048xf32, #tpu.memory_space<vmem>> -> memref<1x8x2048xf32, #tpu.memory_space<vmem>>
        %dma_start3A_614 = tpu.memref_squeeze %dma_start3A_613 : memref<1x8x2048xf32, #tpu.memory_space<vmem>> -> memref<8x2048xf32, #tpu.memory_space<vmem>>
        %dma_start3A_615 = arith.constant 0 : i32
        %dma_start3A_616 = tpu.memref_slice %arg4[%add3A_594, %dma_start3A_615, %mul3A_592] : memref<256x8x16384xf32, #tpu.memory_space<hbm>> -> memref<1x8x2048xf32, #tpu.memory_space<hbm>>
        %dma_start3A_617 = tpu.memref_squeeze %dma_start3A_616 : memref<1x8x2048xf32, #tpu.memory_space<hbm>> -> memref<8x2048xf32, #tpu.memory_space<hbm>>
        %dma_start3A_618 = arith.constant 0 : i32
        %dma_start3A_619 = arith.constant 0 : i32
        %dma_start3A_620 = tpu.memref_slice %arg8[%dma_start3A_610, %dma_start3A_618, %dma_start3A_619] : memref<2x8x2048xf32, #tpu.memory_space<vmem>> -> memref<1x8x2048xf32, #tpu.memory_space<vmem>>
        %dma_start3A_621 = tpu.memref_squeeze %dma_start3A_620 : memref<1x8x2048xf32, #tpu.memory_space<vmem>> -> memref<8x2048xf32, #tpu.memory_space<vmem>>
        %dma_start3A_622 = arith.constant 0 : i32
        %dma_start3A_623 = tpu.memref_slice %arg4[%add3A_594, %dma_start3A_622, %mul3A_592] : memref<256x8x16384xf32, #tpu.memory_space<hbm>> -> memref<1x8x2048xf32, #tpu.memory_space<hbm>>
        %dma_start3A_624 = tpu.memref_squeeze %dma_start3A_623 : memref<1x8x2048xf32, #tpu.memory_space<hbm>> -> memref<8x2048xf32, #tpu.memory_space<hbm>>
        tpu.enqueue_dma source(%dma_start3A_624 : memref<8x2048xf32, #tpu.memory_space<hbm>>) target(%dma_start3A_621 : memref<8x2048xf32, #tpu.memory_space<vmem>>) target_semaphore(%arg13 : memref<!tpu.dma_semaphore, #tpu.memory_space<semaphore_mem>>)
        %dma_start3A_625 = arith.constant 1 : i32
        %dma_start3A_626 = arith.constant 0 : i32
        %dma_start3A_627 = tpu.memref_slice %arg9[%dma_start3A_625, %dma_start3A_626] : memref<2x2048xf32, #tpu.memory_space<vmem>> -> memref<1x2048xf32, #tpu.memory_space<vmem>>
        %dma_start3A_628 = tpu.memref_squeeze %dma_start3A_627 : memref<1x2048xf32, #tpu.memory_space<vmem>> -> memref<2048xf32, #tpu.memory_space<vmem>>
        %dma_start3A_629 = tpu.memref_slice %arg5[%add3A_594, %mul3A_592] : memref<256x16384xf32, #tpu.memory_space<hbm>> -> memref<1x2048xf32, #tpu.memory_space<hbm>>
        %dma_start3A_630 = tpu.memref_squeeze %dma_start3A_629 : memref<1x2048xf32, #tpu.memory_space<hbm>> -> memref<2048xf32, #tpu.memory_space<hbm>>
        %dma_start3A_631 = arith.constant 0 : i32
        %dma_start3A_632 = tpu.memref_slice %arg9[%dma_start3A_625, %dma_start3A_631] : memref<2x2048xf32, #tpu.memory_space<vmem>> -> memref<1x2048xf32, #tpu.memory_space<vmem>>
        %dma_start3A_633 = tpu.memref_squeeze %dma_start3A_632 : memref<1x2048xf32, #tpu.memory_space<vmem>> -> memref<2048xf32, #tpu.memory_space<vmem>>
        %dma_start3A_634 = tpu.memref_slice %arg5[%add3A_594, %mul3A_592] : memref<256x16384xf32, #tpu.memory_space<hbm>> -> memref<1x2048xf32, #tpu.memory_space<hbm>>
        %dma_start3A_635 = tpu.memref_squeeze %dma_start3A_634 : memref<1x2048xf32, #tpu.memory_space<hbm>> -> memref<2048xf32, #tpu.memory_space<hbm>>
        tpu.enqueue_dma source(%dma_start3A_635 : memref<2048xf32, #tpu.memory_space<hbm>>) target(%dma_start3A_633 : memref<2048xf32, #tpu.memory_space<vmem>>) target_semaphore(%arg13 : memref<!tpu.dma_semaphore, #tpu.memory_space<semaphore_mem>>)
      } else {
      }
      %jit3A = arith.constant 8 : i32
      %div3A = arith.divsi %add3A_95, %jit3A : i32
      %sign3A = arith.constant 0 : i32
      %sign3A_101 = arith.cmpi sgt, %add3A_95, %sign3A : i32
      %sign3A_102 = arith.extui %sign3A_101 : i1 to i32
      %sign3A_103 = arith.constant 0 : i32
      %sign3A_104 = arith.cmpi slt, %add3A_95, %sign3A_103 : i32
      %sign3A_105 = arith.extui %sign3A_104 : i1 to i32
      %sign3A_106 = arith.subi %sign3A_102, %sign3A_105 : i32
      %sign3A_107 = arith.constant 0 : i32
      %sign3A_108 = arith.cmpi sgt, %jit3A, %sign3A_107 : i32
      %sign3A_109 = arith.extui %sign3A_108 : i1 to i32
      %sign3A_110 = arith.constant 0 : i32
      %sign3A_111 = arith.cmpi slt, %jit3A, %sign3A_110 : i32
      %sign3A_112 = arith.extui %sign3A_111 : i1 to i32
      %sign3A_113 = arith.subi %sign3A_109, %sign3A_112 : i32
      %ne3A = arith.cmpi ne, %sign3A_106, %sign3A_113 : i32
      %rem3A = arith.remsi %add3A_95, %jit3A : i32
      %ne3A_114 = arith.constant 0 : i32
      %ne3A_115 = arith.cmpi ne, %rem3A, %ne3A_114 : i32
      %and3A = arith.andi %ne3A, %ne3A_115 : i1
      %sub3A_116 = arith.constant 1 : i32
      %sub3A_117 = arith.subi %div3A, %sub3A_116 : i32
      %select_n3A = arith.select %and3A, %sub3A_117, %div3A : i32
      %add3A_118 = arith.addi %mul3A_2, %select_n3A : i32
      %jit3A_119 = arith.constant 8 : i32
      %eq3A = arith.constant 0 : i32
      %eq3A_120 = arith.cmpi eq, %jit3A_119, %eq3A : i32
      %jit3A_121 = arith.constant 1 : i32
      %select_n3A_122 = arith.select %eq3A_120, %jit3A_121, %jit3A_119 : i32
      %rem3A_123 = arith.remsi %add3A_95, %select_n3A_122 : i32
      %ne3A_124 = arith.constant 0 : i32
      %ne3A_125 = arith.cmpi ne, %rem3A_123, %ne3A_124 : i32
      %lt3A_126 = arith.constant 0 : i32
      %lt3A_127 = arith.cmpi slt, %rem3A_123, %lt3A_126 : i32
      %lt3A_128 = arith.constant 0 : i32
      %lt3A_129 = arith.cmpi slt, %select_n3A_122, %lt3A_128 : i32
      %ne3A_130 = arith.xori %lt3A_127, %lt3A_129 : i1
      %and3A_131 = arith.andi %ne3A_130, %ne3A_125 : i1
      %add3A_132 = arith.addi %rem3A_123, %select_n3A_122 : i32
      %select_n3A_133 = arith.select %and3A_131, %add3A_132, %rem3A_123 : i32
      %mul3A_134 = arith.constant 2048 : i32
      %mul3A_135 = arith.muli %select_n3A_133, %mul3A_134 : i32
      %add3A_136 = arith.constant 128 : i32
      %add3A_137 = arith.addi %add3A_118, %add3A_136 : i32
      %dma_wait3A_138 = arith.constant 0 : i32
      %dma_wait3A_139 = arith.constant 0 : i32
      %dma_wait3A_140 = arith.constant 0 : i32
      %dma_wait3A_141 = tpu.memref_slice %arg7[%dma_wait3A_138, %dma_wait3A_139, %dma_wait3A_140] : memref<2x4x2048xf32, #tpu.memory_space<vmem>> -> memref<1x4x2048xf32, #tpu.memory_space<vmem>>
      %dma_wait3A_142 = tpu.memref_squeeze %dma_wait3A_141 : memref<1x4x2048xf32, #tpu.memory_space<vmem>> -> memref<4x2048xf32, #tpu.memory_space<vmem>>
      %dma_wait3A_143 = arith.constant 0 : i32
      %dma_wait3A_144 = tpu.memref_slice %arg2[%add3A_137, %dma_wait3A_143, %mul3A_135] : memref<256x4x16384xf32, #tpu.memory_space<hbm>> -> memref<1x4x2048xf32, #tpu.memory_space<hbm>>
      %dma_wait3A_145 = tpu.memref_squeeze %dma_wait3A_144 : memref<1x4x2048xf32, #tpu.memory_space<hbm>> -> memref<4x2048xf32, #tpu.memory_space<hbm>>
      %dma_wait3A_146 = arith.constant 0 : i32
      %dma_wait3A_147 = arith.constant 0 : i32
      %dma_wait3A_148 = tpu.memref_slice %arg7[%dma_wait3A_138, %dma_wait3A_146, %dma_wait3A_147] : memref<2x4x2048xf32, #tpu.memory_space<vmem>> -> memref<1x4x2048xf32, #tpu.memory_space<vmem>>
      %dma_wait3A_149 = tpu.memref_squeeze %dma_wait3A_148 : memref<1x4x2048xf32, #tpu.memory_space<vmem>> -> memref<4x2048xf32, #tpu.memory_space<vmem>>
      %dma_wait3A_150 = arith.constant 0 : i32
      %dma_wait3A_151 = tpu.memref_slice %arg2[%add3A_137, %dma_wait3A_150, %mul3A_135] : memref<256x4x16384xf32, #tpu.memory_space<hbm>> -> memref<1x4x2048xf32, #tpu.memory_space<hbm>>
      %dma_wait3A_152 = tpu.memref_squeeze %dma_wait3A_151 : memref<1x4x2048xf32, #tpu.memory_space<hbm>> -> memref<4x2048xf32, #tpu.memory_space<hbm>>
      tpu.wait_dma2 semaphore(%arg12 : memref<!tpu.dma_semaphore, #tpu.memory_space<semaphore_mem>>) src(%dma_wait3A_152 : memref<4x2048xf32, #tpu.memory_space<hbm>>) dst(%dma_wait3A_149 : memref<4x2048xf32, #tpu.memory_space<vmem>>)
      %dma_wait3A_153 = arith.constant 0 : i32
      %dma_wait3A_154 = arith.constant 0 : i32
      %dma_wait3A_155 = arith.constant 0 : i32
      %dma_wait3A_156 = tpu.memref_slice %arg8[%dma_wait3A_153, %dma_wait3A_154, %dma_wait3A_155] : memref<2x8x2048xf32, #tpu.memory_space<vmem>> -> memref<1x8x2048xf32, #tpu.memory_space<vmem>>
      %dma_wait3A_157 = tpu.memref_squeeze %dma_wait3A_156 : memref<1x8x2048xf32, #tpu.memory_space<vmem>> -> memref<8x2048xf32, #tpu.memory_space<vmem>>
      %dma_wait3A_158 = arith.constant 0 : i32
      %dma_wait3A_159 = tpu.memref_slice %arg4[%add3A_137, %dma_wait3A_158, %mul3A_135] : memref<256x8x16384xf32, #tpu.memory_space<hbm>> -> memref<1x8x2048xf32, #tpu.memory_space<hbm>>
      %dma_wait3A_160 = tpu.memref_squeeze %dma_wait3A_159 : memref<1x8x2048xf32, #tpu.memory_space<hbm>> -> memref<8x2048xf32, #tpu.memory_space<hbm>>
      %dma_wait3A_161 = arith.constant 0 : i32
      %dma_wait3A_162 = arith.constant 0 : i32
      %dma_wait3A_163 = tpu.memref_slice %arg8[%dma_wait3A_153, %dma_wait3A_161, %dma_wait3A_162] : memref<2x8x2048xf32, #tpu.memory_space<vmem>> -> memref<1x8x2048xf32, #tpu.memory_space<vmem>>
      %dma_wait3A_164 = tpu.memref_squeeze %dma_wait3A_163 : memref<1x8x2048xf32, #tpu.memory_space<vmem>> -> memref<8x2048xf32, #tpu.memory_space<vmem>>
      %dma_wait3A_165 = arith.constant 0 : i32
      %dma_wait3A_166 = tpu.memref_slice %arg4[%add3A_137, %dma_wait3A_165, %mul3A_135] : memref<256x8x16384xf32, #tpu.memory_space<hbm>> -> memref<1x8x2048xf32, #tpu.memory_space<hbm>>
      %dma_wait3A_167 = tpu.memref_squeeze %dma_wait3A_166 : memref<1x8x2048xf32, #tpu.memory_space<hbm>> -> memref<8x2048xf32, #tpu.memory_space<hbm>>
      tpu.wait_dma2 semaphore(%arg12 : memref<!tpu.dma_semaphore, #tpu.memory_space<semaphore_mem>>) src(%dma_wait3A_167 : memref<8x2048xf32, #tpu.memory_space<hbm>>) dst(%dma_wait3A_164 : memref<8x2048xf32, #tpu.memory_space<vmem>>)
      %dma_wait3A_168 = arith.constant 0 : i32
      %dma_wait3A_169 = arith.constant 0 : i32
      %dma_wait3A_170 = tpu.memref_slice %arg9[%dma_wait3A_168, %dma_wait3A_169] : memref<2x2048xf32, #tpu.memory_space<vmem>> -> memref<1x2048xf32, #tpu.memory_space<vmem>>
      %dma_wait3A_171 = tpu.memref_squeeze %dma_wait3A_170 : memref<1x2048xf32, #tpu.memory_space<vmem>> -> memref<2048xf32, #tpu.memory_space<vmem>>
      %dma_wait3A_172 = tpu.memref_slice %arg5[%add3A_137, %mul3A_135] : memref<256x16384xf32, #tpu.memory_space<hbm>> -> memref<1x2048xf32, #tpu.memory_space<hbm>>
      %dma_wait3A_173 = tpu.memref_squeeze %dma_wait3A_172 : memref<1x2048xf32, #tpu.memory_space<hbm>> -> memref<2048xf32, #tpu.memory_space<hbm>>
      %dma_wait3A_174 = arith.constant 0 : i32
      %dma_wait3A_175 = tpu.memref_slice %arg9[%dma_wait3A_168, %dma_wait3A_174] : memref<2x2048xf32, #tpu.memory_space<vmem>> -> memref<1x2048xf32, #tpu.memory_space<vmem>>
      %dma_wait3A_176 = tpu.memref_squeeze %dma_wait3A_175 : memref<1x2048xf32, #tpu.memory_space<vmem>> -> memref<2048xf32, #tpu.memory_space<vmem>>
      %dma_wait3A_177 = tpu.memref_slice %arg5[%add3A_137, %mul3A_135] : memref<256x16384xf32, #tpu.memory_space<hbm>> -> memref<1x2048xf32, #tpu.memory_space<hbm>>
      %dma_wait3A_178 = tpu.memref_squeeze %dma_wait3A_177 : memref<1x2048xf32, #tpu.memory_space<hbm>> -> memref<2048xf32, #tpu.memory_space<hbm>>
      tpu.wait_dma2 semaphore(%arg12 : memref<!tpu.dma_semaphore, #tpu.memory_space<semaphore_mem>>) src(%dma_wait3A_178 : memref<2048xf32, #tpu.memory_space<hbm>>) dst(%dma_wait3A_176 : memref<2048xf32, #tpu.memory_space<vmem>>)
      %ge3A = arith.constant 2 : i32
      %ge3A_179 = arith.cmpi sge, %add3A_95, %ge3A : i32
      %convert_element_type3A_180 = arith.extui %ge3A_179 : i1 to i32
      %cond3A_181 = arith.constant 0 : i32
      %cond3A_182 = arith.cmpi ne, %convert_element_type3A_180, %cond3A_181 : i32
      scf.if %cond3A_182 {
        %sub3A_546 = arith.constant 2 : i32
        %sub3A_547 = arith.subi %add3A_95, %sub3A_546 : i32
        %jit3A_548 = arith.constant 8 : i32
        %div3A_549 = arith.divsi %sub3A_547, %jit3A_548 : i32
        %sign3A_550 = arith.constant 0 : i32
        %sign3A_551 = arith.cmpi sgt, %sub3A_547, %sign3A_550 : i32
        %sign3A_552 = arith.extui %sign3A_551 : i1 to i32
        %sign3A_553 = arith.constant 0 : i32
        %sign3A_554 = arith.cmpi slt, %sub3A_547, %sign3A_553 : i32
        %sign3A_555 = arith.extui %sign3A_554 : i1 to i32
        %sign3A_556 = arith.subi %sign3A_552, %sign3A_555 : i32
        %sign3A_557 = arith.constant 0 : i32
        %sign3A_558 = arith.cmpi sgt, %jit3A_548, %sign3A_557 : i32
        %sign3A_559 = arith.extui %sign3A_558 : i1 to i32
        %sign3A_560 = arith.constant 0 : i32
        %sign3A_561 = arith.cmpi slt, %jit3A_548, %sign3A_560 : i32
        %sign3A_562 = arith.extui %sign3A_561 : i1 to i32
        %sign3A_563 = arith.subi %sign3A_559, %sign3A_562 : i32
        %ne3A_564 = arith.cmpi ne, %sign3A_556, %sign3A_563 : i32
        %rem3A_565 = arith.remsi %sub3A_547, %jit3A_548 : i32
        %ne3A_566 = arith.constant 0 : i32
        %ne3A_567 = arith.cmpi ne, %rem3A_565, %ne3A_566 : i32
        %and3A_568 = arith.andi %ne3A_564, %ne3A_567 : i1
        %sub3A_569 = arith.constant 1 : i32
        %sub3A_570 = arith.subi %div3A_549, %sub3A_569 : i32
        %select_n3A_571 = arith.select %and3A_568, %sub3A_570, %div3A_549 : i32
        %add3A_572 = arith.addi %mul3A_2, %select_n3A_571 : i32
        %jit3A_573 = arith.constant 8 : i32
        %eq3A_574 = arith.constant 0 : i32
        %eq3A_575 = arith.cmpi eq, %jit3A_573, %eq3A_574 : i32
        %jit3A_576 = arith.constant 1 : i32
        %select_n3A_577 = arith.select %eq3A_575, %jit3A_576, %jit3A_573 : i32
        %rem3A_578 = arith.remsi %sub3A_547, %select_n3A_577 : i32
        %ne3A_579 = arith.constant 0 : i32
        %ne3A_580 = arith.cmpi ne, %rem3A_578, %ne3A_579 : i32
        %lt3A_581 = arith.constant 0 : i32
        %lt3A_582 = arith.cmpi slt, %rem3A_578, %lt3A_581 : i32
        %lt3A_583 = arith.constant 0 : i32
        %lt3A_584 = arith.cmpi slt, %select_n3A_577, %lt3A_583 : i32
        %ne3A_585 = arith.xori %lt3A_582, %lt3A_584 : i1
        %and3A_586 = arith.andi %ne3A_585, %ne3A_580 : i1
        %add3A_587 = arith.addi %rem3A_578, %select_n3A_577 : i32
        %select_n3A_588 = arith.select %and3A_586, %add3A_587, %rem3A_578 : i32
        %mul3A_589 = arith.constant 2048 : i32
        %mul3A_590 = arith.muli %select_n3A_588, %mul3A_589 : i32
        %add3A_591 = arith.constant 128 : i32
        %add3A_592 = arith.addi %add3A_572, %add3A_591 : i32
        %dma_wait3A_593 = arith.constant 0 : i32
        %dma_wait3A_594 = arith.constant 0 : i32
        %dma_wait3A_595 = tpu.memref_slice %arg10[%dma_wait3A_593, %dma_wait3A_594] : memref<2x2048xf32, #tpu.memory_space<vmem>> -> memref<1x2048xf32, #tpu.memory_space<vmem>>
        %dma_wait3A_596 = tpu.memref_squeeze %dma_wait3A_595 : memref<1x2048xf32, #tpu.memory_space<vmem>> -> memref<2048xf32, #tpu.memory_space<vmem>>
        %dma_wait3A_597 = tpu.memref_slice %arg6[%add3A_592, %mul3A_590] : memref<256x16384xf32, #tpu.memory_space<hbm>> -> memref<1x2048xf32, #tpu.memory_space<hbm>>
        %dma_wait3A_598 = tpu.memref_squeeze %dma_wait3A_597 : memref<1x2048xf32, #tpu.memory_space<hbm>> -> memref<2048xf32, #tpu.memory_space<hbm>>
        %dma_wait3A_599 = tpu.memref_slice %arg6[%add3A_592, %mul3A_590] : memref<256x16384xf32, #tpu.memory_space<hbm>> -> memref<1x2048xf32, #tpu.memory_space<hbm>>
        %dma_wait3A_600 = tpu.memref_squeeze %dma_wait3A_599 : memref<1x2048xf32, #tpu.memory_space<hbm>> -> memref<2048xf32, #tpu.memory_space<hbm>>
        %dma_wait3A_601 = arith.constant 0 : i32
        %dma_wait3A_602 = tpu.memref_slice %arg10[%dma_wait3A_593, %dma_wait3A_601] : memref<2x2048xf32, #tpu.memory_space<vmem>> -> memref<1x2048xf32, #tpu.memory_space<vmem>>
        %dma_wait3A_603 = tpu.memref_squeeze %dma_wait3A_602 : memref<1x2048xf32, #tpu.memory_space<vmem>> -> memref<2048xf32, #tpu.memory_space<vmem>>
        tpu.wait_dma2 semaphore(%arg14 : memref<!tpu.dma_semaphore, #tpu.memory_space<semaphore_mem>>) src(%dma_wait3A_603 : memref<2048xf32, #tpu.memory_space<vmem>>) dst(%dma_wait3A_600 : memref<2048xf32, #tpu.memory_space<hbm>>)
      } else {
      }
      %jit3A_183 = arith.constant 8 : i32
      %div3A_184 = arith.divsi %add3A_95, %jit3A_183 : i32
      %sign3A_185 = arith.constant 0 : i32
      %sign3A_186 = arith.cmpi sgt, %add3A_95, %sign3A_185 : i32
      %sign3A_187 = arith.extui %sign3A_186 : i1 to i32
      %sign3A_188 = arith.constant 0 : i32
      %sign3A_189 = arith.cmpi slt, %add3A_95, %sign3A_188 : i32
      %sign3A_190 = arith.extui %sign3A_189 : i1 to i32
      %sign3A_191 = arith.subi %sign3A_187, %sign3A_190 : i32
      %sign3A_192 = arith.constant 0 : i32
      %sign3A_193 = arith.cmpi sgt, %jit3A_183, %sign3A_192 : i32
      %sign3A_194 = arith.extui %sign3A_193 : i1 to i32
      %sign3A_195 = arith.constant 0 : i32
      %sign3A_196 = arith.cmpi slt, %jit3A_183, %sign3A_195 : i32
      %sign3A_197 = arith.extui %sign3A_196 : i1 to i32
      %sign3A_198 = arith.subi %sign3A_194, %sign3A_197 : i32
      %ne3A_199 = arith.cmpi ne, %sign3A_191, %sign3A_198 : i32
      %rem3A_200 = arith.remsi %add3A_95, %jit3A_183 : i32
      %ne3A_201 = arith.constant 0 : i32
      %ne3A_202 = arith.cmpi ne, %rem3A_200, %ne3A_201 : i32
      %and3A_203 = arith.andi %ne3A_199, %ne3A_202 : i1
      %sub3A_204 = arith.constant 1 : i32
      %sub3A_205 = arith.subi %div3A_184, %sub3A_204 : i32
      %select_n3A_206 = arith.select %and3A_203, %sub3A_205, %div3A_184 : i32
      %add3A_207 = arith.addi %mul3A_2, %select_n3A_206 : i32
      %jit3A_208 = arith.constant 8 : i32
      %eq3A_209 = arith.constant 0 : i32
      %eq3A_210 = arith.cmpi eq, %jit3A_208, %eq3A_209 : i32
      %jit3A_211 = arith.constant 1 : i32
      %select_n3A_212 = arith.select %eq3A_210, %jit3A_211, %jit3A_208 : i32
      %rem3A_213 = arith.remsi %add3A_95, %select_n3A_212 : i32
      %ne3A_214 = arith.constant 0 : i32
      %ne3A_215 = arith.cmpi ne, %rem3A_213, %ne3A_214 : i32
      %lt3A_216 = arith.constant 0 : i32
      %lt3A_217 = arith.cmpi slt, %rem3A_213, %lt3A_216 : i32
      %lt3A_218 = arith.constant 0 : i32
      %lt3A_219 = arith.cmpi slt, %select_n3A_212, %lt3A_218 : i32
      %ne3A_220 = arith.xori %lt3A_217, %lt3A_219 : i1
      %and3A_221 = arith.andi %ne3A_220, %ne3A_215 : i1
      %add3A_222 = arith.addi %rem3A_213, %select_n3A_212 : i32
      %select_n3A_223 = arith.select %and3A_221, %add3A_222, %rem3A_213 : i32
      %mul3A_224 = arith.constant 2048 : i32
      %mul3A_225 = arith.muli %select_n3A_223, %mul3A_224 : i32
      %add3A_226 = arith.constant 128 : i32
      %add3A_227 = arith.addi %add3A_207, %add3A_226 : i32
      %get3A = arith.index_cast %add3A_227 : i32 to index
      %get3A_228 = arith.constant 0 : index
      %get3A_229 = tpu.vector_load %arg11[%get3A, %get3A_228] {strides = array<i32>} : memref<256x16xf32, #tpu.memory_space<vmem>>, vector<1x16xf32>,
      %get3A_230 = vector.shape_cast %get3A_229 : vector<1x16xf32> to vector<16xf32>
      %slice3A = vector.extract_strided_slice %get3A_230 {offsets = [0], sizes = [1], strides = [1]} : vector<16xf32> to vector<1xf32>
      %squeeze3A = vector.extract %slice3A[0] : f32 from vector<1xf32>
      %broadcast_in_dim3A = vector.broadcast %squeeze3A : f32 to vector<16xf32>
      %slice3A_231 = vector.extract_strided_slice %get3A_230 {offsets = [1], sizes = [1], strides = [1]} : vector<16xf32> to vector<1xf32>
      %squeeze3A_232 = vector.extract %slice3A_231[0] : f32 from vector<1xf32>
      %broadcast_in_dim3A_233 = vector.broadcast %squeeze3A_232 : f32 to vector<16xf32>
      %slice3A_234 = vector.extract_strided_slice %get3A_230 {offsets = [2], sizes = [1], strides = [1]} : vector<16xf32> to vector<1xf32>
      %squeeze3A_235 = vector.extract %slice3A_234[0] : f32 from vector<1xf32>
      %broadcast_in_dim3A_236 = vector.broadcast %squeeze3A_235 : f32 to vector<16xf32>
      %slice3A_237 = vector.extract_strided_slice %get3A_230 {offsets = [3], sizes = [1], strides = [1]} : vector<16xf32> to vector<1xf32>
      %squeeze3A_238 = vector.extract %slice3A_237[0] : f32 from vector<1xf32>
      %broadcast_in_dim3A_239 = vector.broadcast %squeeze3A_238 : f32 to vector<16xf32>
      %slice3A_240 = vector.extract_strided_slice %get3A_230 {offsets = [4], sizes = [1], strides = [1]} : vector<16xf32> to vector<1xf32>
      %squeeze3A_241 = vector.extract %slice3A_240[0] : f32 from vector<1xf32>
      %broadcast_in_dim3A_242 = vector.broadcast %squeeze3A_241 : f32 to vector<16xf32>
      %slice3A_243 = vector.extract_strided_slice %get3A_230 {offsets = [5], sizes = [1], strides = [1]} : vector<16xf32> to vector<1xf32>
      %squeeze3A_244 = vector.extract %slice3A_243[0] : f32 from vector<1xf32>
      %broadcast_in_dim3A_245 = vector.broadcast %squeeze3A_244 : f32 to vector<16xf32>
      %slice3A_246 = vector.extract_strided_slice %get3A_230 {offsets = [6], sizes = [1], strides = [1]} : vector<16xf32> to vector<1xf32>
      %squeeze3A_247 = vector.extract %slice3A_246[0] : f32 from vector<1xf32>
      %broadcast_in_dim3A_248 = vector.broadcast %squeeze3A_247 : f32 to vector<16xf32>
      %slice3A_249 = vector.extract_strided_slice %get3A_230 {offsets = [7], sizes = [1], strides = [1]} : vector<16xf32> to vector<1xf32>
      %squeeze3A_250 = vector.extract %slice3A_249[0] : f32 from vector<1xf32>
      %broadcast_in_dim3A_251 = vector.broadcast %squeeze3A_250 : f32 to vector<16xf32>
      %parallel_loop3A = arith.constant 0 : i32
      %parallel_loop3A_252 = arith.constant 2048 : i32
      %parallel_loop3A_253 = arith.constant 16 : i32
      scf.for %parallel_loop3A_546 = %parallel_loop3A to %parallel_loop3A_252 step %parallel_loop3A_253  : i32 {
        %parallel_loop3A_547 = arith.constant 0 : i32
        %parallel_loop3A_548 = arith.index_cast %parallel_loop3A_547 : i32 to index
        %parallel_loop3A_549 = arith.index_cast %parallel_loop3A_546 : i32 to index
        %parallel_loop3A_550 = tpu.vector_load %arg9[%parallel_loop3A_548, %parallel_loop3A_549] {strides = array<i32>} : memref<2x2048xf32, #tpu.memory_space<vmem>>, vector<1x16xf32>,
        %parallel_loop3A_551 = vector.shape_cast %parallel_loop3A_550 : vector<1x16xf32> to vector<16xf32>
        %parallel_loop3A_552 = arith.constant 0 : i32
        %parallel_loop3A_553 = arith.constant 0 : i32
        %parallel_loop3A_554 = arith.index_cast %parallel_loop3A_552 : i32 to index
        %parallel_loop3A_555 = arith.index_cast %parallel_loop3A_553 : i32 to index
        %parallel_loop3A_556 = arith.index_cast %parallel_loop3A_546 : i32 to index
        %parallel_loop3A_557 = tpu.vector_load %arg7[%parallel_loop3A_554, %parallel_loop3A_555, %parallel_loop3A_556] {strides = array<i32>} : memref<2x4x2048xf32, #tpu.memory_space<vmem>>, vector<1x1x16xf32>,
        %parallel_loop3A_558 = vector.shape_cast %parallel_loop3A_557 : vector<1x1x16xf32> to vector<16xf32>
        %parallel_loop3A_559 = arith.constant 1.000000e+00 : f32
        %parallel_loop3A_560 = vector.broadcast %parallel_loop3A_559 : f32 to vector<16xf32>
        %parallel_loop3A_561 = arith.subf %parallel_loop3A_560, %parallel_loop3A_558 : vector<16xf32>
        %parallel_loop3A_562 = arith.constant 0 : i32
        %parallel_loop3A_563 = arith.constant 1 : i32
        %parallel_loop3A_564 = arith.index_cast %parallel_loop3A_562 : i32 to index
        %parallel_loop3A_565 = arith.index_cast %parallel_loop3A_563 : i32 to index
        %parallel_loop3A_566 = arith.index_cast %parallel_loop3A_546 : i32 to index
        %parallel_loop3A_567 = tpu.vector_load %arg7[%parallel_loop3A_564, %parallel_loop3A_565, %parallel_loop3A_566] {strides = array<i32>} : memref<2x4x2048xf32, #tpu.memory_space<vmem>>, vector<1x1x16xf32>,
        %parallel_loop3A_568 = vector.shape_cast %parallel_loop3A_567 : vector<1x1x16xf32> to vector<16xf32>
        %parallel_loop3A_569 = arith.constant 1.000000e+00 : f32
        %parallel_loop3A_570 = vector.broadcast %parallel_loop3A_569 : f32 to vector<16xf32>
        %parallel_loop3A_571 = arith.subf %parallel_loop3A_570, %parallel_loop3A_568 : vector<16xf32>
        %parallel_loop3A_572 = arith.mulf %parallel_loop3A_561, %parallel_loop3A_571 : vector<16xf32>
        %parallel_loop3A_573 = arith.constant 0 : i32
        %parallel_loop3A_574 = arith.constant 2 : i32
        %parallel_loop3A_575 = arith.index_cast %parallel_loop3A_573 : i32 to index
        %parallel_loop3A_576 = arith.index_cast %parallel_loop3A_574 : i32 to index
        %parallel_loop3A_577 = arith.index_cast %parallel_loop3A_546 : i32 to index
        %parallel_loop3A_578 = tpu.vector_load %arg7[%parallel_loop3A_575, %parallel_loop3A_576, %parallel_loop3A_577] {strides = array<i32>} : memref<2x4x2048xf32, #tpu.memory_space<vmem>>, vector<1x1x16xf32>,
        %parallel_loop3A_579 = vector.shape_cast %parallel_loop3A_578 : vector<1x1x16xf32> to vector<16xf32>
        %parallel_loop3A_580 = arith.constant 1.000000e+00 : f32
        %parallel_loop3A_581 = vector.broadcast %parallel_loop3A_580 : f32 to vector<16xf32>
        %parallel_loop3A_582 = arith.subf %parallel_loop3A_581, %parallel_loop3A_579 : vector<16xf32>
        %parallel_loop3A_583 = arith.constant 0 : i32
        %parallel_loop3A_584 = arith.constant 3 : i32
        %parallel_loop3A_585 = arith.index_cast %parallel_loop3A_583 : i32 to index
        %parallel_loop3A_586 = arith.index_cast %parallel_loop3A_584 : i32 to index
        %parallel_loop3A_587 = arith.index_cast %parallel_loop3A_546 : i32 to index
        %parallel_loop3A_588 = tpu.vector_load %arg7[%parallel_loop3A_585, %parallel_loop3A_586, %parallel_loop3A_587] {strides = array<i32>} : memref<2x4x2048xf32, #tpu.memory_space<vmem>>, vector<1x1x16xf32>,
        %parallel_loop3A_589 = vector.shape_cast %parallel_loop3A_588 : vector<1x1x16xf32> to vector<16xf32>
        %parallel_loop3A_590 = arith.constant 1.000000e+00 : f32
        %parallel_loop3A_591 = vector.broadcast %parallel_loop3A_590 : f32 to vector<16xf32>
        %parallel_loop3A_592 = arith.subf %parallel_loop3A_591, %parallel_loop3A_589 : vector<16xf32>
        %parallel_loop3A_593 = arith.mulf %parallel_loop3A_582, %parallel_loop3A_592 : vector<16xf32>
        %parallel_loop3A_594 = arith.mulf %parallel_loop3A_572, %parallel_loop3A_593 : vector<16xf32>
        %parallel_loop3A_595 = arith.constant 1.000000e+00 : f32
        %parallel_loop3A_596 = vector.broadcast %parallel_loop3A_595 : f32 to vector<16xf32>
        %parallel_loop3A_597 = arith.subf %parallel_loop3A_596, %parallel_loop3A_551 : vector<16xf32>
        %parallel_loop3A_598 = arith.mulf %parallel_loop3A_597, %parallel_loop3A_594 : vector<16xf32>
        %parallel_loop3A_599 = arith.constant 1.000000e+00 : f32
        %parallel_loop3A_600 = vector.broadcast %parallel_loop3A_599 : f32 to vector<16xf32>
        %parallel_loop3A_601 = arith.subf %parallel_loop3A_600, %parallel_loop3A_598 : vector<16xf32>
        %parallel_loop3A_602 = arith.constant 0 : i32
        %parallel_loop3A_603 = arith.constant 0 : i32
        %parallel_loop3A_604 = arith.index_cast %parallel_loop3A_602 : i32 to index
        %parallel_loop3A_605 = arith.index_cast %parallel_loop3A_603 : i32 to index
        %parallel_loop3A_606 = arith.index_cast %parallel_loop3A_546 : i32 to index
        %parallel_loop3A_607 = tpu.vector_load %arg8[%parallel_loop3A_604, %parallel_loop3A_605, %parallel_loop3A_606] {strides = array<i32>} : memref<2x8x2048xf32, #tpu.memory_space<vmem>>, vector<1x1x16xf32>,
        %parallel_loop3A_608 = vector.shape_cast %parallel_loop3A_607 : vector<1x1x16xf32> to vector<16xf32>
        %parallel_loop3A_609 = arith.mulf %broadcast_in_dim3A, %parallel_loop3A_608 : vector<16xf32>
        %parallel_loop3A_610 = arith.constant 1.000000e+00 : f32
        %parallel_loop3A_611 = vector.broadcast %parallel_loop3A_610 : f32 to vector<16xf32>
        %parallel_loop3A_612 = arith.subf %parallel_loop3A_611, %parallel_loop3A_609 : vector<16xf32>
        %parallel_loop3A_613 = arith.constant 0 : i32
        %parallel_loop3A_614 = arith.constant 1 : i32
        %parallel_loop3A_615 = arith.index_cast %parallel_loop3A_613 : i32 to index
        %parallel_loop3A_616 = arith.index_cast %parallel_loop3A_614 : i32 to index
        %parallel_loop3A_617 = arith.index_cast %parallel_loop3A_546 : i32 to index
        %parallel_loop3A_618 = tpu.vector_load %arg8[%parallel_loop3A_615, %parallel_loop3A_616, %parallel_loop3A_617] {strides = array<i32>} : memref<2x8x2048xf32, #tpu.memory_space<vmem>>, vector<1x1x16xf32>,
        %parallel_loop3A_619 = vector.shape_cast %parallel_loop3A_618 : vector<1x1x16xf32> to vector<16xf32>
        %parallel_loop3A_620 = arith.mulf %broadcast_in_dim3A_233, %parallel_loop3A_619 : vector<16xf32>
        %parallel_loop3A_621 = arith.constant 1.000000e+00 : f32
        %parallel_loop3A_622 = vector.broadcast %parallel_loop3A_621 : f32 to vector<16xf32>
        %parallel_loop3A_623 = arith.subf %parallel_loop3A_622, %parallel_loop3A_620 : vector<16xf32>
        %parallel_loop3A_624 = arith.constant 0 : i32
        %parallel_loop3A_625 = arith.constant 2 : i32
        %parallel_loop3A_626 = arith.index_cast %parallel_loop3A_624 : i32 to index
        %parallel_loop3A_627 = arith.index_cast %parallel_loop3A_625 : i32 to index
        %parallel_loop3A_628 = arith.index_cast %parallel_loop3A_546 : i32 to index
        %parallel_loop3A_629 = tpu.vector_load %arg8[%parallel_loop3A_626, %parallel_loop3A_627, %parallel_loop3A_628] {strides = array<i32>} : memref<2x8x2048xf32, #tpu.memory_space<vmem>>, vector<1x1x16xf32>,
        %parallel_loop3A_630 = vector.shape_cast %parallel_loop3A_629 : vector<1x1x16xf32> to vector<16xf32>
        %parallel_loop3A_631 = arith.mulf %broadcast_in_dim3A_236, %parallel_loop3A_630 : vector<16xf32>
        %parallel_loop3A_632 = arith.constant 1.000000e+00 : f32
        %parallel_loop3A_633 = vector.broadcast %parallel_loop3A_632 : f32 to vector<16xf32>
        %parallel_loop3A_634 = arith.subf %parallel_loop3A_633, %parallel_loop3A_631 : vector<16xf32>
        %parallel_loop3A_635 = arith.constant 0 : i32
        %parallel_loop3A_636 = arith.constant 3 : i32
        %parallel_loop3A_637 = arith.index_cast %parallel_loop3A_635 : i32 to index
        %parallel_loop3A_638 = arith.index_cast %parallel_loop3A_636 : i32 to index
        %parallel_loop3A_639 = arith.index_cast %parallel_loop3A_546 : i32 to index
        %parallel_loop3A_640 = tpu.vector_load %arg8[%parallel_loop3A_637, %parallel_loop3A_638, %parallel_loop3A_639] {strides = array<i32>} : memref<2x8x2048xf32, #tpu.memory_space<vmem>>, vector<1x1x16xf32>,
        %parallel_loop3A_641 = vector.shape_cast %parallel_loop3A_640 : vector<1x1x16xf32> to vector<16xf32>
        %parallel_loop3A_642 = arith.mulf %broadcast_in_dim3A_239, %parallel_loop3A_641 : vector<16xf32>
        %parallel_loop3A_643 = arith.constant 1.000000e+00 : f32
        %parallel_loop3A_644 = vector.broadcast %parallel_loop3A_643 : f32 to vector<16xf32>
        %parallel_loop3A_645 = arith.subf %parallel_loop3A_644, %parallel_loop3A_642 : vector<16xf32>
        %parallel_loop3A_646 = arith.constant 0 : i32
        %parallel_loop3A_647 = arith.constant 4 : i32
        %parallel_loop3A_648 = arith.index_cast %parallel_loop3A_646 : i32 to index
        %parallel_loop3A_649 = arith.index_cast %parallel_loop3A_647 : i32 to index
        %parallel_loop3A_650 = arith.index_cast %parallel_loop3A_546 : i32 to index
        %parallel_loop3A_651 = tpu.vector_load %arg8[%parallel_loop3A_648, %parallel_loop3A_649, %parallel_loop3A_650] {strides = array<i32>} : memref<2x8x2048xf32, #tpu.memory_space<vmem>>, vector<1x1x16xf32>,
        %parallel_loop3A_652 = vector.shape_cast %parallel_loop3A_651 : vector<1x1x16xf32> to vector<16xf32>
        %parallel_loop3A_653 = arith.mulf %broadcast_in_dim3A_242, %parallel_loop3A_652 : vector<16xf32>
        %parallel_loop3A_654 = arith.constant 1.000000e+00 : f32
        %parallel_loop3A_655 = vector.broadcast %parallel_loop3A_654 : f32 to vector<16xf32>
        %parallel_loop3A_656 = arith.subf %parallel_loop3A_655, %parallel_loop3A_653 : vector<16xf32>
        %parallel_loop3A_657 = arith.constant 0 : i32
        %parallel_loop3A_658 = arith.constant 5 : i32
        %parallel_loop3A_659 = arith.index_cast %parallel_loop3A_657 : i32 to index
        %parallel_loop3A_660 = arith.index_cast %parallel_loop3A_658 : i32 to index
        %parallel_loop3A_661 = arith.index_cast %parallel_loop3A_546 : i32 to index
        %parallel_loop3A_662 = tpu.vector_load %arg8[%parallel_loop3A_659, %parallel_loop3A_660, %parallel_loop3A_661] {strides = array<i32>} : memref<2x8x2048xf32, #tpu.memory_space<vmem>>, vector<1x1x16xf32>,
        %parallel_loop3A_663 = vector.shape_cast %parallel_loop3A_662 : vector<1x1x16xf32> to vector<16xf32>
        %parallel_loop3A_664 = arith.mulf %broadcast_in_dim3A_245, %parallel_loop3A_663 : vector<16xf32>
        %parallel_loop3A_665 = arith.constant 1.000000e+00 : f32
        %parallel_loop3A_666 = vector.broadcast %parallel_loop3A_665 : f32 to vector<16xf32>
        %parallel_loop3A_667 = arith.subf %parallel_loop3A_666, %parallel_loop3A_664 : vector<16xf32>
        %parallel_loop3A_668 = arith.constant 0 : i32
        %parallel_loop3A_669 = arith.constant 6 : i32
        %parallel_loop3A_670 = arith.index_cast %parallel_loop3A_668 : i32 to index
        %parallel_loop3A_671 = arith.index_cast %parallel_loop3A_669 : i32 to index
        %parallel_loop3A_672 = arith.index_cast %parallel_loop3A_546 : i32 to index
        %parallel_loop3A_673 = tpu.vector_load %arg8[%parallel_loop3A_670, %parallel_loop3A_671, %parallel_loop3A_672] {strides = array<i32>} : memref<2x8x2048xf32, #tpu.memory_space<vmem>>, vector<1x1x16xf32>,
        %parallel_loop3A_674 = vector.shape_cast %parallel_loop3A_673 : vector<1x1x16xf32> to vector<16xf32>
        %parallel_loop3A_675 = arith.mulf %broadcast_in_dim3A_248, %parallel_loop3A_674 : vector<16xf32>
        %parallel_loop3A_676 = arith.constant 1.000000e+00 : f32
        %parallel_loop3A_677 = vector.broadcast %parallel_loop3A_676 : f32 to vector<16xf32>
        %parallel_loop3A_678 = arith.subf %parallel_loop3A_677, %parallel_loop3A_675 : vector<16xf32>
        %parallel_loop3A_679 = arith.constant 0 : i32
        %parallel_loop3A_680 = arith.constant 7 : i32
        %parallel_loop3A_681 = arith.index_cast %parallel_loop3A_679 : i32 to index
        %parallel_loop3A_682 = arith.index_cast %parallel_loop3A_680 : i32 to index
        %parallel_loop3A_683 = arith.index_cast %parallel_loop3A_546 : i32 to index
        %parallel_loop3A_684 = tpu.vector_load %arg8[%parallel_loop3A_681, %parallel_loop3A_682, %parallel_loop3A_683] {strides = array<i32>} : memref<2x8x2048xf32, #tpu.memory_space<vmem>>, vector<1x1x16xf32>,
        %parallel_loop3A_685 = vector.shape_cast %parallel_loop3A_684 : vector<1x1x16xf32> to vector<16xf32>
        %parallel_loop3A_686 = arith.mulf %broadcast_in_dim3A_251, %parallel_loop3A_685 : vector<16xf32>
        %parallel_loop3A_687 = arith.constant 1.000000e+00 : f32
        %parallel_loop3A_688 = vector.broadcast %parallel_loop3A_687 : f32 to vector<16xf32>
        %parallel_loop3A_689 = arith.subf %parallel_loop3A_688, %parallel_loop3A_686 : vector<16xf32>
        %parallel_loop3A_690 = arith.mulf %parallel_loop3A_612, %parallel_loop3A_623 : vector<16xf32>
        %parallel_loop3A_691 = arith.mulf %parallel_loop3A_634, %parallel_loop3A_645 : vector<16xf32>
        %parallel_loop3A_692 = arith.mulf %parallel_loop3A_690, %parallel_loop3A_691 : vector<16xf32>
        %parallel_loop3A_693 = arith.mulf %parallel_loop3A_656, %parallel_loop3A_667 : vector<16xf32>
        %parallel_loop3A_694 = arith.mulf %parallel_loop3A_678, %parallel_loop3A_689 : vector<16xf32>
        %parallel_loop3A_695 = arith.mulf %parallel_loop3A_693, %parallel_loop3A_694 : vector<16xf32>
        %parallel_loop3A_696 = arith.mulf %parallel_loop3A_692, %parallel_loop3A_695 : vector<16xf32>
        %parallel_loop3A_697 = arith.mulf %parallel_loop3A_601, %parallel_loop3A_696 : vector<16xf32>
        %parallel_loop3A_698 = arith.constant 0 : i32
        %parallel_loop3A_699 = arith.index_cast %parallel_loop3A_698 : i32 to index
        %parallel_loop3A_700 = arith.index_cast %parallel_loop3A_546 : i32 to index
        %parallel_loop3A_701 = tpu.vector_load %arg10[%parallel_loop3A_699, %parallel_loop3A_700] {strides = array<i32>} : memref<2x2048xf32, #tpu.memory_space<vmem>>, vector<1x16xf32>,
        %parallel_loop3A_702 = vector.shape_cast %parallel_loop3A_701 : vector<1x16xf32> to vector<16xf32>
        %parallel_loop3A_703 = vector.shape_cast %parallel_loop3A_697 : vector<16xf32> to vector<1x16xf32>
        tpu.vector_store %arg10[%parallel_loop3A_699, %parallel_loop3A_700], %parallel_loop3A_703 {strides = array<i32>} : memref<2x2048xf32, #tpu.memory_space<vmem>>, vector<1x16xf32>,
      } {sc.loop_unroll_factor = 8 : i64, sc.parallel_access}
      %jit3A_254 = arith.constant 8 : i32
      %div3A_255 = arith.divsi %add3A_95, %jit3A_254 : i32
      %sign3A_256 = arith.constant 0 : i32
      %sign3A_257 = arith.cmpi sgt, %add3A_95, %sign3A_256 : i32
      %sign3A_258 = arith.extui %sign3A_257 : i1 to i32
      %sign3A_259 = arith.constant 0 : i32
      %sign3A_260 = arith.cmpi slt, %add3A_95, %sign3A_259 : i32
      %sign3A_261 = arith.extui %sign3A_260 : i1 to i32
      %sign3A_262 = arith.subi %sign3A_258, %sign3A_261 : i32
      %sign3A_263 = arith.constant 0 : i32
      %sign3A_264 = arith.cmpi sgt, %jit3A_254, %sign3A_263 : i32
      %sign3A_265 = arith.extui %sign3A_264 : i1 to i32
      %sign3A_266 = arith.constant 0 : i32
      %sign3A_267 = arith.cmpi slt, %jit3A_254, %sign3A_266 : i32
      %sign3A_268 = arith.extui %sign3A_267 : i1 to i32
      %sign3A_269 = arith.subi %sign3A_265, %sign3A_268 : i32
      %ne3A_270 = arith.cmpi ne, %sign3A_262, %sign3A_269 : i32
      %rem3A_271 = arith.remsi %add3A_95, %jit3A_254 : i32
      %ne3A_272 = arith.constant 0 : i32
      %ne3A_273 = arith.cmpi ne, %rem3A_271, %ne3A_272 : i32
      %and3A_274 = arith.andi %ne3A_270, %ne3A_273 : i1
      %sub3A_275 = arith.constant 1 : i32
      %sub3A_276 = arith.subi %div3A_255, %sub3A_275 : i32
      %select_n3A_277 = arith.select %and3A_274, %sub3A_276, %div3A_255 : i32
      %add3A_278 = arith.addi %mul3A_2, %select_n3A_277 : i32
      %jit3A_279 = arith.constant 8 : i32
      %eq3A_280 = arith.constant 0 : i32
      %eq3A_281 = arith.cmpi eq, %jit3A_279, %eq3A_280 : i32
      %jit3A_282 = arith.constant 1 : i32
      %select_n3A_283 = arith.select %eq3A_281, %jit3A_282, %jit3A_279 : i32
      %rem3A_284 = arith.remsi %add3A_95, %select_n3A_283 : i32
      %ne3A_285 = arith.constant 0 : i32
      %ne3A_286 = arith.cmpi ne, %rem3A_284, %ne3A_285 : i32
      %lt3A_287 = arith.constant 0 : i32
      %lt3A_288 = arith.cmpi slt, %rem3A_284, %lt3A_287 : i32
      %lt3A_289 = arith.constant 0 : i32
      %lt3A_290 = arith.cmpi slt, %select_n3A_283, %lt3A_289 : i32
      %ne3A_291 = arith.xori %lt3A_288, %lt3A_290 : i1
      %and3A_292 = arith.andi %ne3A_291, %ne3A_286 : i1
      %add3A_293 = arith.addi %rem3A_284, %select_n3A_283 : i32
      %select_n3A_294 = arith.select %and3A_292, %add3A_293, %rem3A_284 : i32
      %mul3A_295 = arith.constant 2048 : i32
      %mul3A_296 = arith.muli %select_n3A_294, %mul3A_295 : i32
      %add3A_297 = arith.constant 128 : i32
      %add3A_298 = arith.addi %add3A_278, %add3A_297 : i32
      %dma_start3A_299 = arith.constant 0 : i32
      %dma_start3A_300 = arith.constant 0 : i32
      %dma_start3A_301 = tpu.memref_slice %arg10[%dma_start3A_299, %dma_start3A_300] : memref<2x2048xf32, #tpu.memory_space<vmem>> -> memref<1x2048xf32, #tpu.memory_space<vmem>>
      %dma_start3A_302 = tpu.memref_squeeze %dma_start3A_301 : memref<1x2048xf32, #tpu.memory_space<vmem>> -> memref<2048xf32, #tpu.memory_space<vmem>>
      %dma_start3A_303 = tpu.memref_slice %arg6[%add3A_298, %mul3A_296] : memref<256x16384xf32, #tpu.memory_space<hbm>> -> memref<1x2048xf32, #tpu.memory_space<hbm>>
      %dma_start3A_304 = tpu.memref_squeeze %dma_start3A_303 : memref<1x2048xf32, #tpu.memory_space<hbm>> -> memref<2048xf32, #tpu.memory_space<hbm>>
      %dma_start3A_305 = tpu.memref_slice %arg6[%add3A_298, %mul3A_296] : memref<256x16384xf32, #tpu.memory_space<hbm>> -> memref<1x2048xf32, #tpu.memory_space<hbm>>
      %dma_start3A_306 = tpu.memref_squeeze %dma_start3A_305 : memref<1x2048xf32, #tpu.memory_space<hbm>> -> memref<2048xf32, #tpu.memory_space<hbm>>
      %dma_start3A_307 = arith.constant 0 : i32
      %dma_start3A_308 = tpu.memref_slice %arg10[%dma_start3A_299, %dma_start3A_307] : memref<2x2048xf32, #tpu.memory_space<vmem>> -> memref<1x2048xf32, #tpu.memory_space<vmem>>
      %dma_start3A_309 = tpu.memref_squeeze %dma_start3A_308 : memref<1x2048xf32, #tpu.memory_space<vmem>> -> memref<2048xf32, #tpu.memory_space<vmem>>
      tpu.enqueue_dma source(%dma_start3A_309 : memref<2048xf32, #tpu.memory_space<vmem>>) target(%dma_start3A_306 : memref<2048xf32, #tpu.memory_space<hbm>>) target_semaphore(%arg14 : memref<!tpu.dma_semaphore, #tpu.memory_space<semaphore_mem>>)
      %mul3A_310 = arith.constant 2 : i32
      %mul3A_311 = arith.muli %mul3A_310, %scan3A_91 : i32
      %add3A_312 = arith.constant 1 : i32
      %add3A_313 = arith.addi %mul3A_311, %add3A_312 : i32
      %add3A_314 = arith.constant 2 : i32
      %add3A_315 = arith.addi %add3A_313, %add3A_314 : i32
      %sub3A_316 = arith.constant 1 : i32
      %sub3A_317 = arith.subi %add3A_315, %sub3A_316 : i32
      %lt3A_318 = arith.constant 32 : i32
      %lt3A_319 = arith.cmpi slt, %sub3A_317, %lt3A_318 : i32
      %convert_element_type3A_320 = arith.extui %lt3A_319 : i1 to i32
      %cond3A_321 = arith.constant 0 : i32
      %cond3A_322 = arith.cmpi ne, %convert_element_type3A_320, %cond3A_321 : i32
      scf.if %cond3A_322 {
        %add3A_546 = arith.constant 2 : i32
        %add3A_547 = arith.addi %add3A_313, %add3A_546 : i32
        %sub3A_548 = arith.constant 1 : i32
        %sub3A_549 = arith.subi %add3A_547, %sub3A_548 : i32
        %jit3A_550 = arith.constant 8 : i32
        %div3A_551 = arith.divsi %sub3A_549, %jit3A_550 : i32
        %sign3A_552 = arith.constant 0 : i32
        %sign3A_553 = arith.cmpi sgt, %sub3A_549, %sign3A_552 : i32
        %sign3A_554 = arith.extui %sign3A_553 : i1 to i32
        %sign3A_555 = arith.constant 0 : i32
        %sign3A_556 = arith.cmpi slt, %sub3A_549, %sign3A_555 : i32
        %sign3A_557 = arith.extui %sign3A_556 : i1 to i32
        %sign3A_558 = arith.subi %sign3A_554, %sign3A_557 : i32
        %sign3A_559 = arith.constant 0 : i32
        %sign3A_560 = arith.cmpi sgt, %jit3A_550, %sign3A_559 : i32
        %sign3A_561 = arith.extui %sign3A_560 : i1 to i32
        %sign3A_562 = arith.constant 0 : i32
        %sign3A_563 = arith.cmpi slt, %jit3A_550, %sign3A_562 : i32
        %sign3A_564 = arith.extui %sign3A_563 : i1 to i32
        %sign3A_565 = arith.subi %sign3A_561, %sign3A_564 : i32
        %ne3A_566 = arith.cmpi ne, %sign3A_558, %sign3A_565 : i32
        %rem3A_567 = arith.remsi %sub3A_549, %jit3A_550 : i32
        %ne3A_568 = arith.constant 0 : i32
        %ne3A_569 = arith.cmpi ne, %rem3A_567, %ne3A_568 : i32
        %and3A_570 = arith.andi %ne3A_566, %ne3A_569 : i1
        %sub3A_571 = arith.constant 1 : i32
        %sub3A_572 = arith.subi %div3A_551, %sub3A_571 : i32
        %select_n3A_573 = arith.select %and3A_570, %sub3A_572, %div3A_551 : i32
        %add3A_574 = arith.addi %mul3A_2, %select_n3A_573 : i32
        %jit3A_575 = arith.constant 8 : i32
        %eq3A_576 = arith.constant 0 : i32
        %eq3A_577 = arith.cmpi eq, %jit3A_575, %eq3A_576 : i32
        %jit3A_578 = arith.constant 1 : i32
        %select_n3A_579 = arith.select %eq3A_577, %jit3A_578, %jit3A_575 : i32
        %rem3A_580 = arith.remsi %sub3A_549, %select_n3A_579 : i32
        %ne3A_581 = arith.constant 0 : i32
        %ne3A_582 = arith.cmpi ne, %rem3A_580, %ne3A_581 : i32
        %lt3A_583 = arith.constant 0 : i32
        %lt3A_584 = arith.cmpi slt, %rem3A_580, %lt3A_583 : i32
        %lt3A_585 = arith.constant 0 : i32
        %lt3A_586 = arith.cmpi slt, %select_n3A_579, %lt3A_585 : i32
        %ne3A_587 = arith.xori %lt3A_584, %lt3A_586 : i1
        %and3A_588 = arith.andi %ne3A_587, %ne3A_582 : i1
        %add3A_589 = arith.addi %rem3A_580, %select_n3A_579 : i32
        %select_n3A_590 = arith.select %and3A_588, %add3A_589, %rem3A_580 : i32
        %mul3A_591 = arith.constant 2048 : i32
        %mul3A_592 = arith.muli %select_n3A_590, %mul3A_591 : i32
        %add3A_593 = arith.constant 128 : i32
        %add3A_594 = arith.addi %add3A_574, %add3A_593 : i32
        %dma_start3A_595 = arith.constant 0 : i32
        %dma_start3A_596 = arith.constant 0 : i32
        %dma_start3A_597 = arith.constant 0 : i32
        %dma_start3A_598 = tpu.memref_slice %arg7[%dma_start3A_595, %dma_start3A_596, %dma_start3A_597] : memref<2x4x2048xf32, #tpu.memory_space<vmem>> -> memref<1x4x2048xf32, #tpu.memory_space<vmem>>
        %dma_start3A_599 = tpu.memref_squeeze %dma_start3A_598 : memref<1x4x2048xf32, #tpu.memory_space<vmem>> -> memref<4x2048xf32, #tpu.memory_space<vmem>>
        %dma_start3A_600 = arith.constant 0 : i32
        %dma_start3A_601 = tpu.memref_slice %arg2[%add3A_594, %dma_start3A_600, %mul3A_592] : memref<256x4x16384xf32, #tpu.memory_space<hbm>> -> memref<1x4x2048xf32, #tpu.memory_space<hbm>>
        %dma_start3A_602 = tpu.memref_squeeze %dma_start3A_601 : memref<1x4x2048xf32, #tpu.memory_space<hbm>> -> memref<4x2048xf32, #tpu.memory_space<hbm>>
        %dma_start3A_603 = arith.constant 0 : i32
        %dma_start3A_604 = arith.constant 0 : i32
        %dma_start3A_605 = tpu.memref_slice %arg7[%dma_start3A_595, %dma_start3A_603, %dma_start3A_604] : memref<2x4x2048xf32, #tpu.memory_space<vmem>> -> memref<1x4x2048xf32, #tpu.memory_space<vmem>>
        %dma_start3A_606 = tpu.memref_squeeze %dma_start3A_605 : memref<1x4x2048xf32, #tpu.memory_space<vmem>> -> memref<4x2048xf32, #tpu.memory_space<vmem>>
        %dma_start3A_607 = arith.constant 0 : i32
        %dma_start3A_608 = tpu.memref_slice %arg2[%add3A_594, %dma_start3A_607, %mul3A_592] : memref<256x4x16384xf32, #tpu.memory_space<hbm>> -> memref<1x4x2048xf32, #tpu.memory_space<hbm>>
        %dma_start3A_609 = tpu.memref_squeeze %dma_start3A_608 : memref<1x4x2048xf32, #tpu.memory_space<hbm>> -> memref<4x2048xf32, #tpu.memory_space<hbm>>
        tpu.enqueue_dma source(%dma_start3A_609 : memref<4x2048xf32, #tpu.memory_space<hbm>>) target(%dma_start3A_606 : memref<4x2048xf32, #tpu.memory_space<vmem>>) target_semaphore(%arg12 : memref<!tpu.dma_semaphore, #tpu.memory_space<semaphore_mem>>)
        %dma_start3A_610 = arith.constant 0 : i32
        %dma_start3A_611 = arith.constant 0 : i32
        %dma_start3A_612 = arith.constant 0 : i32
        %dma_start3A_613 = tpu.memref_slice %arg8[%dma_start3A_610, %dma_start3A_611, %dma_start3A_612] : memref<2x8x2048xf32, #tpu.memory_space<vmem>> -> memref<1x8x2048xf32, #tpu.memory_space<vmem>>
        %dma_start3A_614 = tpu.memref_squeeze %dma_start3A_613 : memref<1x8x2048xf32, #tpu.memory_space<vmem>> -> memref<8x2048xf32, #tpu.memory_space<vmem>>
        %dma_start3A_615 = arith.constant 0 : i32
        %dma_start3A_616 = tpu.memref_slice %arg4[%add3A_594, %dma_start3A_615, %mul3A_592] : memref<256x8x16384xf32, #tpu.memory_space<hbm>> -> memref<1x8x2048xf32, #tpu.memory_space<hbm>>
        %dma_start3A_617 = tpu.memref_squeeze %dma_start3A_616 : memref<1x8x2048xf32, #tpu.memory_space<hbm>> -> memref<8x2048xf32, #tpu.memory_space<hbm>>
        %dma_start3A_618 = arith.constant 0 : i32
        %dma_start3A_619 = arith.constant 0 : i32
        %dma_start3A_620 = tpu.memref_slice %arg8[%dma_start3A_610, %dma_start3A_618, %dma_start3A_619] : memref<2x8x2048xf32, #tpu.memory_space<vmem>> -> memref<1x8x2048xf32, #tpu.memory_space<vmem>>
        %dma_start3A_621 = tpu.memref_squeeze %dma_start3A_620 : memref<1x8x2048xf32, #tpu.memory_space<vmem>> -> memref<8x2048xf32, #tpu.memory_space<vmem>>
        %dma_start3A_622 = arith.constant 0 : i32
        %dma_start3A_623 = tpu.memref_slice %arg4[%add3A_594, %dma_start3A_622, %mul3A_592] : memref<256x8x16384xf32, #tpu.memory_space<hbm>> -> memref<1x8x2048xf32, #tpu.memory_space<hbm>>
        %dma_start3A_624 = tpu.memref_squeeze %dma_start3A_623 : memref<1x8x2048xf32, #tpu.memory_space<hbm>> -> memref<8x2048xf32, #tpu.memory_space<hbm>>
        tpu.enqueue_dma source(%dma_start3A_624 : memref<8x2048xf32, #tpu.memory_space<hbm>>) target(%dma_start3A_621 : memref<8x2048xf32, #tpu.memory_space<vmem>>) target_semaphore(%arg12 : memref<!tpu.dma_semaphore, #tpu.memory_space<semaphore_mem>>)
        %dma_start3A_625 = arith.constant 0 : i32
        %dma_start3A_626 = arith.constant 0 : i32
        %dma_start3A_627 = tpu.memref_slice %arg9[%dma_start3A_625, %dma_start3A_626] : memref<2x2048xf32, #tpu.memory_space<vmem>> -> memref<1x2048xf32, #tpu.memory_space<vmem>>
        %dma_start3A_628 = tpu.memref_squeeze %dma_start3A_627 : memref<1x2048xf32, #tpu.memory_space<vmem>> -> memref<2048xf32, #tpu.memory_space<vmem>>
        %dma_start3A_629 = tpu.memref_slice %arg5[%add3A_594, %mul3A_592] : memref<256x16384xf32, #tpu.memory_space<hbm>> -> memref<1x2048xf32, #tpu.memory_space<hbm>>
        %dma_start3A_630 = tpu.memref_squeeze %dma_start3A_629 : memref<1x2048xf32, #tpu.memory_space<hbm>> -> memref<2048xf32, #tpu.memory_space<hbm>>
        %dma_start3A_631 = arith.constant 0 : i32
        %dma_start3A_632 = tpu.memref_slice %arg9[%dma_start3A_625, %dma_start3A_631] : memref<2x2048xf32, #tpu.memory_space<vmem>> -> memref<1x2048xf32, #tpu.memory_space<vmem>>
        %dma_start3A_633 = tpu.memref_squeeze %dma_start3A_632 : memref<1x2048xf32, #tpu.memory_space<vmem>> -> memref<2048xf32, #tpu.memory_space<vmem>>
        %dma_start3A_634 = tpu.memref_slice %arg5[%add3A_594, %mul3A_592] : memref<256x16384xf32, #tpu.memory_space<hbm>> -> memref<1x2048xf32, #tpu.memory_space<hbm>>
        %dma_start3A_635 = tpu.memref_squeeze %dma_start3A_634 : memref<1x2048xf32, #tpu.memory_space<hbm>> -> memref<2048xf32, #tpu.memory_space<hbm>>
        tpu.enqueue_dma source(%dma_start3A_635 : memref<2048xf32, #tpu.memory_space<hbm>>) target(%dma_start3A_633 : memref<2048xf32, #tpu.memory_space<vmem>>) target_semaphore(%arg12 : memref<!tpu.dma_semaphore, #tpu.memory_space<semaphore_mem>>)
      } else {
      }
      %jit3A_323 = arith.constant 8 : i32
      %div3A_324 = arith.divsi %add3A_313, %jit3A_323 : i32
      %sign3A_325 = arith.constant 0 : i32
      %sign3A_326 = arith.cmpi sgt, %add3A_313, %sign3A_325 : i32
      %sign3A_327 = arith.extui %sign3A_326 : i1 to i32
      %sign3A_328 = arith.constant 0 : i32
      %sign3A_329 = arith.cmpi slt, %add3A_313, %sign3A_328 : i32
      %sign3A_330 = arith.extui %sign3A_329 : i1 to i32
      %sign3A_331 = arith.subi %sign3A_327, %sign3A_330 : i32
      %sign3A_332 = arith.constant 0 : i32
      %sign3A_333 = arith.cmpi sgt, %jit3A_323, %sign3A_332 : i32
      %sign3A_334 = arith.extui %sign3A_333 : i1 to i32
      %sign3A_335 = arith.constant 0 : i32
      %sign3A_336 = arith.cmpi slt, %jit3A_323, %sign3A_335 : i32
      %sign3A_337 = arith.extui %sign3A_336 : i1 to i32
      %sign3A_338 = arith.subi %sign3A_334, %sign3A_337 : i32
      %ne3A_339 = arith.cmpi ne, %sign3A_331, %sign3A_338 : i32
      %rem3A_340 = arith.remsi %add3A_313, %jit3A_323 : i32
      %ne3A_341 = arith.constant 0 : i32
      %ne3A_342 = arith.cmpi ne, %rem3A_340, %ne3A_341 : i32
      %and3A_343 = arith.andi %ne3A_339, %ne3A_342 : i1
      %sub3A_344 = arith.constant 1 : i32
      %sub3A_345 = arith.subi %div3A_324, %sub3A_344 : i32
      %select_n3A_346 = arith.select %and3A_343, %sub3A_345, %div3A_324 : i32
      %add3A_347 = arith.addi %mul3A_2, %select_n3A_346 : i32
      %jit3A_348 = arith.constant 8 : i32
      %eq3A_349 = arith.constant 0 : i32
      %eq3A_350 = arith.cmpi eq, %jit3A_348, %eq3A_349 : i32
      %jit3A_351 = arith.constant 1 : i32
      %select_n3A_352 = arith.select %eq3A_350, %jit3A_351, %jit3A_348 : i32
      %rem3A_353 = arith.remsi %add3A_313, %select_n3A_352 : i32
      %ne3A_354 = arith.constant 0 : i32
      %ne3A_355 = arith.cmpi ne, %rem3A_353, %ne3A_354 : i32
      %lt3A_356 = arith.constant 0 : i32
      %lt3A_357 = arith.cmpi slt, %rem3A_353, %lt3A_356 : i32
      %lt3A_358 = arith.constant 0 : i32
      %lt3A_359 = arith.cmpi slt, %select_n3A_352, %lt3A_358 : i32
      %ne3A_360 = arith.xori %lt3A_357, %lt3A_359 : i1
      %and3A_361 = arith.andi %ne3A_360, %ne3A_355 : i1
      %add3A_362 = arith.addi %rem3A_353, %select_n3A_352 : i32
      %select_n3A_363 = arith.select %and3A_361, %add3A_362, %rem3A_353 : i32
      %mul3A_364 = arith.constant 2048 : i32
      %mul3A_365 = arith.muli %select_n3A_363, %mul3A_364 : i32
      %add3A_366 = arith.constant 128 : i32
      %add3A_367 = arith.addi %add3A_347, %add3A_366 : i32
      %dma_wait3A_368 = arith.constant 1 : i32
      %dma_wait3A_369 = arith.constant 0 : i32
      %dma_wait3A_370 = arith.constant 0 : i32
      %dma_wait3A_371 = tpu.memref_slice %arg7[%dma_wait3A_368, %dma_wait3A_369, %dma_wait3A_370] : memref<2x4x2048xf32, #tpu.memory_space<vmem>> -> memref<1x4x2048xf32, #tpu.memory_space<vmem>>
      %dma_wait3A_372 = tpu.memref_squeeze %dma_wait3A_371 : memref<1x4x2048xf32, #tpu.memory_space<vmem>> -> memref<4x2048xf32, #tpu.memory_space<vmem>>
      %dma_wait3A_373 = arith.constant 0 : i32
      %dma_wait3A_374 = tpu.memref_slice %arg2[%add3A_367, %dma_wait3A_373, %mul3A_365] : memref<256x4x16384xf32, #tpu.memory_space<hbm>> -> memref<1x4x2048xf32, #tpu.memory_space<hbm>>
      %dma_wait3A_375 = tpu.memref_squeeze %dma_wait3A_374 : memref<1x4x2048xf32, #tpu.memory_space<hbm>> -> memref<4x2048xf32, #tpu.memory_space<hbm>>
      %dma_wait3A_376 = arith.constant 0 : i32
      %dma_wait3A_377 = arith.constant 0 : i32
      %dma_wait3A_378 = tpu.memref_slice %arg7[%dma_wait3A_368, %dma_wait3A_376, %dma_wait3A_377] : memref<2x4x2048xf32, #tpu.memory_space<vmem>> -> memref<1x4x2048xf32, #tpu.memory_space<vmem>>
      %dma_wait3A_379 = tpu.memref_squeeze %dma_wait3A_378 : memref<1x4x2048xf32, #tpu.memory_space<vmem>> -> memref<4x2048xf32, #tpu.memory_space<vmem>>
      %dma_wait3A_380 = arith.constant 0 : i32
      %dma_wait3A_381 = tpu.memref_slice %arg2[%add3A_367, %dma_wait3A_380, %mul3A_365] : memref<256x4x16384xf32, #tpu.memory_space<hbm>> -> memref<1x4x2048xf32, #tpu.memory_space<hbm>>
      %dma_wait3A_382 = tpu.memref_squeeze %dma_wait3A_381 : memref<1x4x2048xf32, #tpu.memory_space<hbm>> -> memref<4x2048xf32, #tpu.memory_space<hbm>>
      tpu.wait_dma2 semaphore(%arg13 : memref<!tpu.dma_semaphore, #tpu.memory_space<semaphore_mem>>) src(%dma_wait3A_382 : memref<4x2048xf32, #tpu.memory_space<hbm>>) dst(%dma_wait3A_379 : memref<4x2048xf32, #tpu.memory_space<vmem>>)
      %dma_wait3A_383 = arith.constant 1 : i32
      %dma_wait3A_384 = arith.constant 0 : i32
      %dma_wait3A_385 = arith.constant 0 : i32
      %dma_wait3A_386 = tpu.memref_slice %arg8[%dma_wait3A_383, %dma_wait3A_384, %dma_wait3A_385] : memref<2x8x2048xf32, #tpu.memory_space<vmem>> -> memref<1x8x2048xf32, #tpu.memory_space<vmem>>
      %dma_wait3A_387 = tpu.memref_squeeze %dma_wait3A_386 : memref<1x8x2048xf32, #tpu.memory_space<vmem>> -> memref<8x2048xf32, #tpu.memory_space<vmem>>
      %dma_wait3A_388 = arith.constant 0 : i32
      %dma_wait3A_389 = tpu.memref_slice %arg4[%add3A_367, %dma_wait3A_388, %mul3A_365] : memref<256x8x16384xf32, #tpu.memory_space<hbm>> -> memref<1x8x2048xf32, #tpu.memory_space<hbm>>
      %dma_wait3A_390 = tpu.memref_squeeze %dma_wait3A_389 : memref<1x8x2048xf32, #tpu.memory_space<hbm>> -> memref<8x2048xf32, #tpu.memory_space<hbm>>
      %dma_wait3A_391 = arith.constant 0 : i32
      %dma_wait3A_392 = arith.constant 0 : i32
      %dma_wait3A_393 = tpu.memref_slice %arg8[%dma_wait3A_383, %dma_wait3A_391, %dma_wait3A_392] : memref<2x8x2048xf32, #tpu.memory_space<vmem>> -> memref<1x8x2048xf32, #tpu.memory_space<vmem>>
      %dma_wait3A_394 = tpu.memref_squeeze %dma_wait3A_393 : memref<1x8x2048xf32, #tpu.memory_space<vmem>> -> memref<8x2048xf32, #tpu.memory_space<vmem>>
      %dma_wait3A_395 = arith.constant 0 : i32
      %dma_wait3A_396 = tpu.memref_slice %arg4[%add3A_367, %dma_wait3A_395, %mul3A_365] : memref<256x8x16384xf32, #tpu.memory_space<hbm>> -> memref<1x8x2048xf32, #tpu.memory_space<hbm>>
      %dma_wait3A_397 = tpu.memref_squeeze %dma_wait3A_396 : memref<1x8x2048xf32, #tpu.memory_space<hbm>> -> memref<8x2048xf32, #tpu.memory_space<hbm>>
      tpu.wait_dma2 semaphore(%arg13 : memref<!tpu.dma_semaphore, #tpu.memory_space<semaphore_mem>>) src(%dma_wait3A_397 : memref<8x2048xf32, #tpu.memory_space<hbm>>) dst(%dma_wait3A_394 : memref<8x2048xf32, #tpu.memory_space<vmem>>)
      %dma_wait3A_398 = arith.constant 1 : i32
      %dma_wait3A_399 = arith.constant 0 : i32
      %dma_wait3A_400 = tpu.memref_slice %arg9[%dma_wait3A_398, %dma_wait3A_399] : memref<2x2048xf32, #tpu.memory_space<vmem>> -> memref<1x2048xf32, #tpu.memory_space<vmem>>
      %dma_wait3A_401 = tpu.memref_squeeze %dma_wait3A_400 : memref<1x2048xf32, #tpu.memory_space<vmem>> -> memref<2048xf32, #tpu.memory_space<vmem>>
      %dma_wait3A_402 = tpu.memref_slice %arg5[%add3A_367, %mul3A_365] : memref<256x16384xf32, #tpu.memory_space<hbm>> -> memref<1x2048xf32, #tpu.memory_space<hbm>>
      %dma_wait3A_403 = tpu.memref_squeeze %dma_wait3A_402 : memref<1x2048xf32, #tpu.memory_space<hbm>> -> memref<2048xf32, #tpu.memory_space<hbm>>
      %dma_wait3A_404 = arith.constant 0 : i32
      %dma_wait3A_405 = tpu.memref_slice %arg9[%dma_wait3A_398, %dma_wait3A_404] : memref<2x2048xf32, #tpu.memory_space<vmem>> -> memref<1x2048xf32, #tpu.memory_space<vmem>>
      %dma_wait3A_406 = tpu.memref_squeeze %dma_wait3A_405 : memref<1x2048xf32, #tpu.memory_space<vmem>> -> memref<2048xf32, #tpu.memory_space<vmem>>
      %dma_wait3A_407 = tpu.memref_slice %arg5[%add3A_367, %mul3A_365] : memref<256x16384xf32, #tpu.memory_space<hbm>> -> memref<1x2048xf32, #tpu.memory_space<hbm>>
      %dma_wait3A_408 = tpu.memref_squeeze %dma_wait3A_407 : memref<1x2048xf32, #tpu.memory_space<hbm>> -> memref<2048xf32, #tpu.memory_space<hbm>>
      tpu.wait_dma2 semaphore(%arg13 : memref<!tpu.dma_semaphore, #tpu.memory_space<semaphore_mem>>) src(%dma_wait3A_408 : memref<2048xf32, #tpu.memory_space<hbm>>) dst(%dma_wait3A_406 : memref<2048xf32, #tpu.memory_space<vmem>>)
      %ge3A_409 = arith.constant 2 : i32
      %ge3A_410 = arith.cmpi sge, %add3A_313, %ge3A_409 : i32
      %convert_element_type3A_411 = arith.extui %ge3A_410 : i1 to i32
      %cond3A_412 = arith.constant 0 : i32
      %cond3A_413 = arith.cmpi ne, %convert_element_type3A_411, %cond3A_412 : i32
      scf.if %cond3A_413 {
        %sub3A_546 = arith.constant 2 : i32
        %sub3A_547 = arith.subi %add3A_313, %sub3A_546 : i32
        %jit3A_548 = arith.constant 8 : i32
        %div3A_549 = arith.divsi %sub3A_547, %jit3A_548 : i32
        %sign3A_550 = arith.constant 0 : i32
        %sign3A_551 = arith.cmpi sgt, %sub3A_547, %sign3A_550 : i32
        %sign3A_552 = arith.extui %sign3A_551 : i1 to i32
        %sign3A_553 = arith.constant 0 : i32
        %sign3A_554 = arith.cmpi slt, %sub3A_547, %sign3A_553 : i32
        %sign3A_555 = arith.extui %sign3A_554 : i1 to i32
        %sign3A_556 = arith.subi %sign3A_552, %sign3A_555 : i32
        %sign3A_557 = arith.constant 0 : i32
        %sign3A_558 = arith.cmpi sgt, %jit3A_548, %sign3A_557 : i32
        %sign3A_559 = arith.extui %sign3A_558 : i1 to i32
        %sign3A_560 = arith.constant 0 : i32
        %sign3A_561 = arith.cmpi slt, %jit3A_548, %sign3A_560 : i32
        %sign3A_562 = arith.extui %sign3A_561 : i1 to i32
        %sign3A_563 = arith.subi %sign3A_559, %sign3A_562 : i32
        %ne3A_564 = arith.cmpi ne, %sign3A_556, %sign3A_563 : i32
        %rem3A_565 = arith.remsi %sub3A_547, %jit3A_548 : i32
        %ne3A_566 = arith.constant 0 : i32
        %ne3A_567 = arith.cmpi ne, %rem3A_565, %ne3A_566 : i32
        %and3A_568 = arith.andi %ne3A_564, %ne3A_567 : i1
        %sub3A_569 = arith.constant 1 : i32
        %sub3A_570 = arith.subi %div3A_549, %sub3A_569 : i32
        %select_n3A_571 = arith.select %and3A_568, %sub3A_570, %div3A_549 : i32
        %add3A_572 = arith.addi %mul3A_2, %select_n3A_571 : i32
        %jit3A_573 = arith.constant 8 : i32
        %eq3A_574 = arith.constant 0 : i32
        %eq3A_575 = arith.cmpi eq, %jit3A_573, %eq3A_574 : i32
        %jit3A_576 = arith.constant 1 : i32
        %select_n3A_577 = arith.select %eq3A_575, %jit3A_576, %jit3A_573 : i32
        %rem3A_578 = arith.remsi %sub3A_547, %select_n3A_577 : i32
        %ne3A_579 = arith.constant 0 : i32
        %ne3A_580 = arith.cmpi ne, %rem3A_578, %ne3A_579 : i32
        %lt3A_581 = arith.constant 0 : i32
        %lt3A_582 = arith.cmpi slt, %rem3A_578, %lt3A_581 : i32
        %lt3A_583 = arith.constant 0 : i32
        %lt3A_584 = arith.cmpi slt, %select_n3A_577, %lt3A_583 : i32
        %ne3A_585 = arith.xori %lt3A_582, %lt3A_584 : i1
        %and3A_586 = arith.andi %ne3A_585, %ne3A_580 : i1
        %add3A_587 = arith.addi %rem3A_578, %select_n3A_577 : i32
        %select_n3A_588 = arith.select %and3A_586, %add3A_587, %rem3A_578 : i32
        %mul3A_589 = arith.constant 2048 : i32
        %mul3A_590 = arith.muli %select_n3A_588, %mul3A_589 : i32
        %add3A_591 = arith.constant 128 : i32
        %add3A_592 = arith.addi %add3A_572, %add3A_591 : i32
        %dma_wait3A_593 = arith.constant 1 : i32
        %dma_wait3A_594 = arith.constant 0 : i32
        %dma_wait3A_595 = tpu.memref_slice %arg10[%dma_wait3A_593, %dma_wait3A_594] : memref<2x2048xf32, #tpu.memory_space<vmem>> -> memref<1x2048xf32, #tpu.memory_space<vmem>>
        %dma_wait3A_596 = tpu.memref_squeeze %dma_wait3A_595 : memref<1x2048xf32, #tpu.memory_space<vmem>> -> memref<2048xf32, #tpu.memory_space<vmem>>
        %dma_wait3A_597 = tpu.memref_slice %arg6[%add3A_592, %mul3A_590] : memref<256x16384xf32, #tpu.memory_space<hbm>> -> memref<1x2048xf32, #tpu.memory_space<hbm>>
        %dma_wait3A_598 = tpu.memref_squeeze %dma_wait3A_597 : memref<1x2048xf32, #tpu.memory_space<hbm>> -> memref<2048xf32, #tpu.memory_space<hbm>>
        %dma_wait3A_599 = tpu.memref_slice %arg6[%add3A_592, %mul3A_590] : memref<256x16384xf32, #tpu.memory_space<hbm>> -> memref<1x2048xf32, #tpu.memory_space<hbm>>
        %dma_wait3A_600 = tpu.memref_squeeze %dma_wait3A_599 : memref<1x2048xf32, #tpu.memory_space<hbm>> -> memref<2048xf32, #tpu.memory_space<hbm>>
        %dma_wait3A_601 = arith.constant 0 : i32
        %dma_wait3A_602 = tpu.memref_slice %arg10[%dma_wait3A_593, %dma_wait3A_601] : memref<2x2048xf32, #tpu.memory_space<vmem>> -> memref<1x2048xf32, #tpu.memory_space<vmem>>
        %dma_wait3A_603 = tpu.memref_squeeze %dma_wait3A_602 : memref<1x2048xf32, #tpu.memory_space<vmem>> -> memref<2048xf32, #tpu.memory_space<vmem>>
        tpu.wait_dma2 semaphore(%arg15 : memref<!tpu.dma_semaphore, #tpu.memory_space<semaphore_mem>>) src(%dma_wait3A_603 : memref<2048xf32, #tpu.memory_space<vmem>>) dst(%dma_wait3A_600 : memref<2048xf32, #tpu.memory_space<hbm>>)
      } else {
      }
      %jit3A_414 = arith.constant 8 : i32
      %div3A_415 = arith.divsi %add3A_313, %jit3A_414 : i32
      %sign3A_416 = arith.constant 0 : i32
      %sign3A_417 = arith.cmpi sgt, %add3A_313, %sign3A_416 : i32
      %sign3A_418 = arith.extui %sign3A_417 : i1 to i32
      %sign3A_419 = arith.constant 0 : i32
      %sign3A_420 = arith.cmpi slt, %add3A_313, %sign3A_419 : i32
      %sign3A_421 = arith.extui %sign3A_420 : i1 to i32
      %sign3A_422 = arith.subi %sign3A_418, %sign3A_421 : i32
      %sign3A_423 = arith.constant 0 : i32
      %sign3A_424 = arith.cmpi sgt, %jit3A_414, %sign3A_423 : i32
      %sign3A_425 = arith.extui %sign3A_424 : i1 to i32
      %sign3A_426 = arith.constant 0 : i32
      %sign3A_427 = arith.cmpi slt, %jit3A_414, %sign3A_426 : i32
      %sign3A_428 = arith.extui %sign3A_427 : i1 to i32
      %sign3A_429 = arith.subi %sign3A_425, %sign3A_428 : i32
      %ne3A_430 = arith.cmpi ne, %sign3A_422, %sign3A_429 : i32
      %rem3A_431 = arith.remsi %add3A_313, %jit3A_414 : i32
      %ne3A_432 = arith.constant 0 : i32
      %ne3A_433 = arith.cmpi ne, %rem3A_431, %ne3A_432 : i32
      %and3A_434 = arith.andi %ne3A_430, %ne3A_433 : i1
      %sub3A_435 = arith.constant 1 : i32
      %sub3A_436 = arith.subi %div3A_415, %sub3A_435 : i32
      %select_n3A_437 = arith.select %and3A_434, %sub3A_436, %div3A_415 : i32
      %add3A_438 = arith.addi %mul3A_2, %select_n3A_437 : i32
      %jit3A_439 = arith.constant 8 : i32
      %eq3A_440 = arith.constant 0 : i32
      %eq3A_441 = arith.cmpi eq, %jit3A_439, %eq3A_440 : i32
      %jit3A_442 = arith.constant 1 : i32
      %select_n3A_443 = arith.select %eq3A_441, %jit3A_442, %jit3A_439 : i32
      %rem3A_444 = arith.remsi %add3A_313, %select_n3A_443 : i32
      %ne3A_445 = arith.constant 0 : i32
      %ne3A_446 = arith.cmpi ne, %rem3A_444, %ne3A_445 : i32
      %lt3A_447 = arith.constant 0 : i32
      %lt3A_448 = arith.cmpi slt, %rem3A_444, %lt3A_447 : i32
      %lt3A_449 = arith.constant 0 : i32
      %lt3A_450 = arith.cmpi slt, %select_n3A_443, %lt3A_449 : i32
      %ne3A_451 = arith.xori %lt3A_448, %lt3A_450 : i1
      %and3A_452 = arith.andi %ne3A_451, %ne3A_446 : i1
      %add3A_453 = arith.addi %rem3A_444, %select_n3A_443 : i32
      %select_n3A_454 = arith.select %and3A_452, %add3A_453, %rem3A_444 : i32
      %mul3A_455 = arith.constant 2048 : i32
      %mul3A_456 = arith.muli %select_n3A_454, %mul3A_455 : i32
      %add3A_457 = arith.constant 128 : i32
      %add3A_458 = arith.addi %add3A_438, %add3A_457 : i32
      %get3A_459 = arith.index_cast %add3A_458 : i32 to index
      %get3A_460 = arith.constant 0 : index
      %get3A_461 = tpu.vector_load %arg11[%get3A_459, %get3A_460] {strides = array<i32>} : memref<256x16xf32, #tpu.memory_space<vmem>>, vector<1x16xf32>,
      %get3A_462 = vector.shape_cast %get3A_461 : vector<1x16xf32> to vector<16xf32>
      %slice3A_463 = vector.extract_strided_slice %get3A_462 {offsets = [0], sizes = [1], strides = [1]} : vector<16xf32> to vector<1xf32>
      %squeeze3A_464 = vector.extract %slice3A_463[0] : f32 from vector<1xf32>
      %broadcast_in_dim3A_465 = vector.broadcast %squeeze3A_464 : f32 to vector<16xf32>
      %slice3A_466 = vector.extract_strided_slice %get3A_462 {offsets = [1], sizes = [1], strides = [1]} : vector<16xf32> to vector<1xf32>
      %squeeze3A_467 = vector.extract %slice3A_466[0] : f32 from vector<1xf32>
      %broadcast_in_dim3A_468 = vector.broadcast %squeeze3A_467 : f32 to vector<16xf32>
      %slice3A_469 = vector.extract_strided_slice %get3A_462 {offsets = [2], sizes = [1], strides = [1]} : vector<16xf32> to vector<1xf32>
      %squeeze3A_470 = vector.extract %slice3A_469[0] : f32 from vector<1xf32>
      %broadcast_in_dim3A_471 = vector.broadcast %squeeze3A_470 : f32 to vector<16xf32>
      %slice3A_472 = vector.extract_strided_slice %get3A_462 {offsets = [3], sizes = [1], strides = [1]} : vector<16xf32> to vector<1xf32>
      %squeeze3A_473 = vector.extract %slice3A_472[0] : f32 from vector<1xf32>
      %broadcast_in_dim3A_474 = vector.broadcast %squeeze3A_473 : f32 to vector<16xf32>
      %slice3A_475 = vector.extract_strided_slice %get3A_462 {offsets = [4], sizes = [1], strides = [1]} : vector<16xf32> to vector<1xf32>
      %squeeze3A_476 = vector.extract %slice3A_475[0] : f32 from vector<1xf32>
      %broadcast_in_dim3A_477 = vector.broadcast %squeeze3A_476 : f32 to vector<16xf32>
      %slice3A_478 = vector.extract_strided_slice %get3A_462 {offsets = [5], sizes = [1], strides = [1]} : vector<16xf32> to vector<1xf32>
      %squeeze3A_479 = vector.extract %slice3A_478[0] : f32 from vector<1xf32>
      %broadcast_in_dim3A_480 = vector.broadcast %squeeze3A_479 : f32 to vector<16xf32>
      %slice3A_481 = vector.extract_strided_slice %get3A_462 {offsets = [6], sizes = [1], strides = [1]} : vector<16xf32> to vector<1xf32>
      %squeeze3A_482 = vector.extract %slice3A_481[0] : f32 from vector<1xf32>
      %broadcast_in_dim3A_483 = vector.broadcast %squeeze3A_482 : f32 to vector<16xf32>
      %slice3A_484 = vector.extract_strided_slice %get3A_462 {offsets = [7], sizes = [1], strides = [1]} : vector<16xf32> to vector<1xf32>
      %squeeze3A_485 = vector.extract %slice3A_484[0] : f32 from vector<1xf32>
      %broadcast_in_dim3A_486 = vector.broadcast %squeeze3A_485 : f32 to vector<16xf32>
      %parallel_loop3A_487 = arith.constant 0 : i32
      %parallel_loop3A_488 = arith.constant 2048 : i32
      %parallel_loop3A_489 = arith.constant 16 : i32
      scf.for %parallel_loop3A_546 = %parallel_loop3A_487 to %parallel_loop3A_488 step %parallel_loop3A_489  : i32 {
        %parallel_loop3A_547 = arith.constant 1 : i32
        %parallel_loop3A_548 = arith.index_cast %parallel_loop3A_547 : i32 to index
        %parallel_loop3A_549 = arith.index_cast %parallel_loop3A_546 : i32 to index
        %parallel_loop3A_550 = tpu.vector_load %arg9[%parallel_loop3A_548, %parallel_loop3A_549] {strides = array<i32>} : memref<2x2048xf32, #tpu.memory_space<vmem>>, vector<1x16xf32>,
        %parallel_loop3A_551 = vector.shape_cast %parallel_loop3A_550 : vector<1x16xf32> to vector<16xf32>
        %parallel_loop3A_552 = arith.constant 1 : i32
        %parallel_loop3A_553 = arith.constant 0 : i32
        %parallel_loop3A_554 = arith.index_cast %parallel_loop3A_552 : i32 to index
        %parallel_loop3A_555 = arith.index_cast %parallel_loop3A_553 : i32 to index
        %parallel_loop3A_556 = arith.index_cast %parallel_loop3A_546 : i32 to index
        %parallel_loop3A_557 = tpu.vector_load %arg7[%parallel_loop3A_554, %parallel_loop3A_555, %parallel_loop3A_556] {strides = array<i32>} : memref<2x4x2048xf32, #tpu.memory_space<vmem>>, vector<1x1x16xf32>,
        %parallel_loop3A_558 = vector.shape_cast %parallel_loop3A_557 : vector<1x1x16xf32> to vector<16xf32>
        %parallel_loop3A_559 = arith.constant 1.000000e+00 : f32
        %parallel_loop3A_560 = vector.broadcast %parallel_loop3A_559 : f32 to vector<16xf32>
        %parallel_loop3A_561 = arith.subf %parallel_loop3A_560, %parallel_loop3A_558 : vector<16xf32>
        %parallel_loop3A_562 = arith.constant 1 : i32
        %parallel_loop3A_563 = arith.constant 1 : i32
        %parallel_loop3A_564 = arith.index_cast %parallel_loop3A_562 : i32 to index
        %parallel_loop3A_565 = arith.index_cast %parallel_loop3A_563 : i32 to index
        %parallel_loop3A_566 = arith.index_cast %parallel_loop3A_546 : i32 to index
        %parallel_loop3A_567 = tpu.vector_load %arg7[%parallel_loop3A_564, %parallel_loop3A_565, %parallel_loop3A_566] {strides = array<i32>} : memref<2x4x2048xf32, #tpu.memory_space<vmem>>, vector<1x1x16xf32>,
        %parallel_loop3A_568 = vector.shape_cast %parallel_loop3A_567 : vector<1x1x16xf32> to vector<16xf32>
        %parallel_loop3A_569 = arith.constant 1.000000e+00 : f32
        %parallel_loop3A_570 = vector.broadcast %parallel_loop3A_569 : f32 to vector<16xf32>
        %parallel_loop3A_571 = arith.subf %parallel_loop3A_570, %parallel_loop3A_568 : vector<16xf32>
        %parallel_loop3A_572 = arith.mulf %parallel_loop3A_561, %parallel_loop3A_571 : vector<16xf32>
        %parallel_loop3A_573 = arith.constant 1 : i32
        %parallel_loop3A_574 = arith.constant 2 : i32
        %parallel_loop3A_575 = arith.index_cast %parallel_loop3A_573 : i32 to index
        %parallel_loop3A_576 = arith.index_cast %parallel_loop3A_574 : i32 to index
        %parallel_loop3A_577 = arith.index_cast %parallel_loop3A_546 : i32 to index
        %parallel_loop3A_578 = tpu.vector_load %arg7[%parallel_loop3A_575, %parallel_loop3A_576, %parallel_loop3A_577] {strides = array<i32>} : memref<2x4x2048xf32, #tpu.memory_space<vmem>>, vector<1x1x16xf32>,
        %parallel_loop3A_579 = vector.shape_cast %parallel_loop3A_578 : vector<1x1x16xf32> to vector<16xf32>
        %parallel_loop3A_580 = arith.constant 1.000000e+00 : f32
        %parallel_loop3A_581 = vector.broadcast %parallel_loop3A_580 : f32 to vector<16xf32>
        %parallel_loop3A_582 = arith.subf %parallel_loop3A_581, %parallel_loop3A_579 : vector<16xf32>
        %parallel_loop3A_583 = arith.constant 1 : i32
        %parallel_loop3A_584 = arith.constant 3 : i32
        %parallel_loop3A_585 = arith.index_cast %parallel_loop3A_583 : i32 to index
        %parallel_loop3A_586 = arith.index_cast %parallel_loop3A_584 : i32 to index
        %parallel_loop3A_587 = arith.index_cast %parallel_loop3A_546 : i32 to index
        %parallel_loop3A_588 = tpu.vector_load %arg7[%parallel_loop3A_585, %parallel_loop3A_586, %parallel_loop3A_587] {strides = array<i32>} : memref<2x4x2048xf32, #tpu.memory_space<vmem>>, vector<1x1x16xf32>,
        %parallel_loop3A_589 = vector.shape_cast %parallel_loop3A_588 : vector<1x1x16xf32> to vector<16xf32>
        %parallel_loop3A_590 = arith.constant 1.000000e+00 : f32
        %parallel_loop3A_591 = vector.broadcast %parallel_loop3A_590 : f32 to vector<16xf32>
        %parallel_loop3A_592 = arith.subf %parallel_loop3A_591, %parallel_loop3A_589 : vector<16xf32>
        %parallel_loop3A_593 = arith.mulf %parallel_loop3A_582, %parallel_loop3A_592 : vector<16xf32>
        %parallel_loop3A_594 = arith.mulf %parallel_loop3A_572, %parallel_loop3A_593 : vector<16xf32>
        %parallel_loop3A_595 = arith.constant 1.000000e+00 : f32
        %parallel_loop3A_596 = vector.broadcast %parallel_loop3A_595 : f32 to vector<16xf32>
        %parallel_loop3A_597 = arith.subf %parallel_loop3A_596, %parallel_loop3A_551 : vector<16xf32>
        %parallel_loop3A_598 = arith.mulf %parallel_loop3A_597, %parallel_loop3A_594 : vector<16xf32>
        %parallel_loop3A_599 = arith.constant 1.000000e+00 : f32
        %parallel_loop3A_600 = vector.broadcast %parallel_loop3A_599 : f32 to vector<16xf32>
        %parallel_loop3A_601 = arith.subf %parallel_loop3A_600, %parallel_loop3A_598 : vector<16xf32>
        %parallel_loop3A_602 = arith.constant 1 : i32
        %parallel_loop3A_603 = arith.constant 0 : i32
        %parallel_loop3A_604 = arith.index_cast %parallel_loop3A_602 : i32 to index
        %parallel_loop3A_605 = arith.index_cast %parallel_loop3A_603 : i32 to index
        %parallel_loop3A_606 = arith.index_cast %parallel_loop3A_546 : i32 to index
        %parallel_loop3A_607 = tpu.vector_load %arg8[%parallel_loop3A_604, %parallel_loop3A_605, %parallel_loop3A_606] {strides = array<i32>} : memref<2x8x2048xf32, #tpu.memory_space<vmem>>, vector<1x1x16xf32>,
        %parallel_loop3A_608 = vector.shape_cast %parallel_loop3A_607 : vector<1x1x16xf32> to vector<16xf32>
        %parallel_loop3A_609 = arith.mulf %broadcast_in_dim3A_465, %parallel_loop3A_608 : vector<16xf32>
        %parallel_loop3A_610 = arith.constant 1.000000e+00 : f32
        %parallel_loop3A_611 = vector.broadcast %parallel_loop3A_610 : f32 to vector<16xf32>
        %parallel_loop3A_612 = arith.subf %parallel_loop3A_611, %parallel_loop3A_609 : vector<16xf32>
        %parallel_loop3A_613 = arith.constant 1 : i32
        %parallel_loop3A_614 = arith.constant 1 : i32
        %parallel_loop3A_615 = arith.index_cast %parallel_loop3A_613 : i32 to index
        %parallel_loop3A_616 = arith.index_cast %parallel_loop3A_614 : i32 to index
        %parallel_loop3A_617 = arith.index_cast %parallel_loop3A_546 : i32 to index
        %parallel_loop3A_618 = tpu.vector_load %arg8[%parallel_loop3A_615, %parallel_loop3A_616, %parallel_loop3A_617] {strides = array<i32>} : memref<2x8x2048xf32, #tpu.memory_space<vmem>>, vector<1x1x16xf32>,
        %parallel_loop3A_619 = vector.shape_cast %parallel_loop3A_618 : vector<1x1x16xf32> to vector<16xf32>
        %parallel_loop3A_620 = arith.mulf %broadcast_in_dim3A_468, %parallel_loop3A_619 : vector<16xf32>
        %parallel_loop3A_621 = arith.constant 1.000000e+00 : f32
        %parallel_loop3A_622 = vector.broadcast %parallel_loop3A_621 : f32 to vector<16xf32>
        %parallel_loop3A_623 = arith.subf %parallel_loop3A_622, %parallel_loop3A_620 : vector<16xf32>
        %parallel_loop3A_624 = arith.constant 1 : i32
        %parallel_loop3A_625 = arith.constant 2 : i32
        %parallel_loop3A_626 = arith.index_cast %parallel_loop3A_624 : i32 to index
        %parallel_loop3A_627 = arith.index_cast %parallel_loop3A_625 : i32 to index
        %parallel_loop3A_628 = arith.index_cast %parallel_loop3A_546 : i32 to index
        %parallel_loop3A_629 = tpu.vector_load %arg8[%parallel_loop3A_626, %parallel_loop3A_627, %parallel_loop3A_628] {strides = array<i32>} : memref<2x8x2048xf32, #tpu.memory_space<vmem>>, vector<1x1x16xf32>,
        %parallel_loop3A_630 = vector.shape_cast %parallel_loop3A_629 : vector<1x1x16xf32> to vector<16xf32>
        %parallel_loop3A_631 = arith.mulf %broadcast_in_dim3A_471, %parallel_loop3A_630 : vector<16xf32>
        %parallel_loop3A_632 = arith.constant 1.000000e+00 : f32
        %parallel_loop3A_633 = vector.broadcast %parallel_loop3A_632 : f32 to vector<16xf32>
        %parallel_loop3A_634 = arith.subf %parallel_loop3A_633, %parallel_loop3A_631 : vector<16xf32>
        %parallel_loop3A_635 = arith.constant 1 : i32
        %parallel_loop3A_636 = arith.constant 3 : i32
        %parallel_loop3A_637 = arith.index_cast %parallel_loop3A_635 : i32 to index
        %parallel_loop3A_638 = arith.index_cast %parallel_loop3A_636 : i32 to index
        %parallel_loop3A_639 = arith.index_cast %parallel_loop3A_546 : i32 to index
        %parallel_loop3A_640 = tpu.vector_load %arg8[%parallel_loop3A_637, %parallel_loop3A_638, %parallel_loop3A_639] {strides = array<i32>} : memref<2x8x2048xf32, #tpu.memory_space<vmem>>, vector<1x1x16xf32>,
        %parallel_loop3A_641 = vector.shape_cast %parallel_loop3A_640 : vector<1x1x16xf32> to vector<16xf32>
        %parallel_loop3A_642 = arith.mulf %broadcast_in_dim3A_474, %parallel_loop3A_641 : vector<16xf32>
        %parallel_loop3A_643 = arith.constant 1.000000e+00 : f32
        %parallel_loop3A_644 = vector.broadcast %parallel_loop3A_643 : f32 to vector<16xf32>
        %parallel_loop3A_645 = arith.subf %parallel_loop3A_644, %parallel_loop3A_642 : vector<16xf32>
        %parallel_loop3A_646 = arith.constant 1 : i32
        %parallel_loop3A_647 = arith.constant 4 : i32
        %parallel_loop3A_648 = arith.index_cast %parallel_loop3A_646 : i32 to index
        %parallel_loop3A_649 = arith.index_cast %parallel_loop3A_647 : i32 to index
        %parallel_loop3A_650 = arith.index_cast %parallel_loop3A_546 : i32 to index
        %parallel_loop3A_651 = tpu.vector_load %arg8[%parallel_loop3A_648, %parallel_loop3A_649, %parallel_loop3A_650] {strides = array<i32>} : memref<2x8x2048xf32, #tpu.memory_space<vmem>>, vector<1x1x16xf32>,
        %parallel_loop3A_652 = vector.shape_cast %parallel_loop3A_651 : vector<1x1x16xf32> to vector<16xf32>
        %parallel_loop3A_653 = arith.mulf %broadcast_in_dim3A_477, %parallel_loop3A_652 : vector<16xf32>
        %parallel_loop3A_654 = arith.constant 1.000000e+00 : f32
        %parallel_loop3A_655 = vector.broadcast %parallel_loop3A_654 : f32 to vector<16xf32>
        %parallel_loop3A_656 = arith.subf %parallel_loop3A_655, %parallel_loop3A_653 : vector<16xf32>
        %parallel_loop3A_657 = arith.constant 1 : i32
        %parallel_loop3A_658 = arith.constant 5 : i32
        %parallel_loop3A_659 = arith.index_cast %parallel_loop3A_657 : i32 to index
        %parallel_loop3A_660 = arith.index_cast %parallel_loop3A_658 : i32 to index
        %parallel_loop3A_661 = arith.index_cast %parallel_loop3A_546 : i32 to index
        %parallel_loop3A_662 = tpu.vector_load %arg8[%parallel_loop3A_659, %parallel_loop3A_660, %parallel_loop3A_661] {strides = array<i32>} : memref<2x8x2048xf32, #tpu.memory_space<vmem>>, vector<1x1x16xf32>,
        %parallel_loop3A_663 = vector.shape_cast %parallel_loop3A_662 : vector<1x1x16xf32> to vector<16xf32>
        %parallel_loop3A_664 = arith.mulf %broadcast_in_dim3A_480, %parallel_loop3A_663 : vector<16xf32>
        %parallel_loop3A_665 = arith.constant 1.000000e+00 : f32
        %parallel_loop3A_666 = vector.broadcast %parallel_loop3A_665 : f32 to vector<16xf32>
        %parallel_loop3A_667 = arith.subf %parallel_loop3A_666, %parallel_loop3A_664 : vector<16xf32>
        %parallel_loop3A_668 = arith.constant 1 : i32
        %parallel_loop3A_669 = arith.constant 6 : i32
        %parallel_loop3A_670 = arith.index_cast %parallel_loop3A_668 : i32 to index
        %parallel_loop3A_671 = arith.index_cast %parallel_loop3A_669 : i32 to index
        %parallel_loop3A_672 = arith.index_cast %parallel_loop3A_546 : i32 to index
        %parallel_loop3A_673 = tpu.vector_load %arg8[%parallel_loop3A_670, %parallel_loop3A_671, %parallel_loop3A_672] {strides = array<i32>} : memref<2x8x2048xf32, #tpu.memory_space<vmem>>, vector<1x1x16xf32>,
        %parallel_loop3A_674 = vector.shape_cast %parallel_loop3A_673 : vector<1x1x16xf32> to vector<16xf32>
        %parallel_loop3A_675 = arith.mulf %broadcast_in_dim3A_483, %parallel_loop3A_674 : vector<16xf32>
        %parallel_loop3A_676 = arith.constant 1.000000e+00 : f32
        %parallel_loop3A_677 = vector.broadcast %parallel_loop3A_676 : f32 to vector<16xf32>
        %parallel_loop3A_678 = arith.subf %parallel_loop3A_677, %parallel_loop3A_675 : vector<16xf32>
        %parallel_loop3A_679 = arith.constant 1 : i32
        %parallel_loop3A_680 = arith.constant 7 : i32
        %parallel_loop3A_681 = arith.index_cast %parallel_loop3A_679 : i32 to index
        %parallel_loop3A_682 = arith.index_cast %parallel_loop3A_680 : i32 to index
        %parallel_loop3A_683 = arith.index_cast %parallel_loop3A_546 : i32 to index
        %parallel_loop3A_684 = tpu.vector_load %arg8[%parallel_loop3A_681, %parallel_loop3A_682, %parallel_loop3A_683] {strides = array<i32>} : memref<2x8x2048xf32, #tpu.memory_space<vmem>>, vector<1x1x16xf32>,
        %parallel_loop3A_685 = vector.shape_cast %parallel_loop3A_684 : vector<1x1x16xf32> to vector<16xf32>
        %parallel_loop3A_686 = arith.mulf %broadcast_in_dim3A_486, %parallel_loop3A_685 : vector<16xf32>
        %parallel_loop3A_687 = arith.constant 1.000000e+00 : f32
        %parallel_loop3A_688 = vector.broadcast %parallel_loop3A_687 : f32 to vector<16xf32>
        %parallel_loop3A_689 = arith.subf %parallel_loop3A_688, %parallel_loop3A_686 : vector<16xf32>
        %parallel_loop3A_690 = arith.mulf %parallel_loop3A_612, %parallel_loop3A_623 : vector<16xf32>
        %parallel_loop3A_691 = arith.mulf %parallel_loop3A_634, %parallel_loop3A_645 : vector<16xf32>
        %parallel_loop3A_692 = arith.mulf %parallel_loop3A_690, %parallel_loop3A_691 : vector<16xf32>
        %parallel_loop3A_693 = arith.mulf %parallel_loop3A_656, %parallel_loop3A_667 : vector<16xf32>
        %parallel_loop3A_694 = arith.mulf %parallel_loop3A_678, %parallel_loop3A_689 : vector<16xf32>
        %parallel_loop3A_695 = arith.mulf %parallel_loop3A_693, %parallel_loop3A_694 : vector<16xf32>
        %parallel_loop3A_696 = arith.mulf %parallel_loop3A_692, %parallel_loop3A_695 : vector<16xf32>
        %parallel_loop3A_697 = arith.mulf %parallel_loop3A_601, %parallel_loop3A_696 : vector<16xf32>
        %parallel_loop3A_698 = arith.constant 1 : i32
        %parallel_loop3A_699 = arith.index_cast %parallel_loop3A_698 : i32 to index
        %parallel_loop3A_700 = arith.index_cast %parallel_loop3A_546 : i32 to index
        %parallel_loop3A_701 = tpu.vector_load %arg10[%parallel_loop3A_699, %parallel_loop3A_700] {strides = array<i32>} : memref<2x2048xf32, #tpu.memory_space<vmem>>, vector<1x16xf32>,
        %parallel_loop3A_702 = vector.shape_cast %parallel_loop3A_701 : vector<1x16xf32> to vector<16xf32>
        %parallel_loop3A_703 = vector.shape_cast %parallel_loop3A_697 : vector<16xf32> to vector<1x16xf32>
        tpu.vector_store %arg10[%parallel_loop3A_699, %parallel_loop3A_700], %parallel_loop3A_703 {strides = array<i32>} : memref<2x2048xf32, #tpu.memory_space<vmem>>, vector<1x16xf32>,
      } {sc.loop_unroll_factor = 8 : i64, sc.parallel_access}
      %jit3A_490 = arith.constant 8 : i32
      %div3A_491 = arith.divsi %add3A_313, %jit3A_490 : i32
      %sign3A_492 = arith.constant 0 : i32
      %sign3A_493 = arith.cmpi sgt, %add3A_313, %sign3A_492 : i32
      %sign3A_494 = arith.extui %sign3A_493 : i1 to i32
      %sign3A_495 = arith.constant 0 : i32
      %sign3A_496 = arith.cmpi slt, %add3A_313, %sign3A_495 : i32
      %sign3A_497 = arith.extui %sign3A_496 : i1 to i32
      %sign3A_498 = arith.subi %sign3A_494, %sign3A_497 : i32
      %sign3A_499 = arith.constant 0 : i32
      %sign3A_500 = arith.cmpi sgt, %jit3A_490, %sign3A_499 : i32
      %sign3A_501 = arith.extui %sign3A_500 : i1 to i32
      %sign3A_502 = arith.constant 0 : i32
      %sign3A_503 = arith.cmpi slt, %jit3A_490, %sign3A_502 : i32
      %sign3A_504 = arith.extui %sign3A_503 : i1 to i32
      %sign3A_505 = arith.subi %sign3A_501, %sign3A_504 : i32
      %ne3A_506 = arith.cmpi ne, %sign3A_498, %sign3A_505 : i32
      %rem3A_507 = arith.remsi %add3A_313, %jit3A_490 : i32
      %ne3A_508 = arith.constant 0 : i32
      %ne3A_509 = arith.cmpi ne, %rem3A_507, %ne3A_508 : i32
      %and3A_510 = arith.andi %ne3A_506, %ne3A_509 : i1
      %sub3A_511 = arith.constant 1 : i32
      %sub3A_512 = arith.subi %div3A_491, %sub3A_511 : i32
      %select_n3A_513 = arith.select %and3A_510, %sub3A_512, %div3A_491 : i32
      %add3A_514 = arith.addi %mul3A_2, %select_n3A_513 : i32
      %jit3A_515 = arith.constant 8 : i32
      %eq3A_516 = arith.constant 0 : i32
      %eq3A_517 = arith.cmpi eq, %jit3A_515, %eq3A_516 : i32
      %jit3A_518 = arith.constant 1 : i32
      %select_n3A_519 = arith.select %eq3A_517, %jit3A_518, %jit3A_515 : i32
      %rem3A_520 = arith.remsi %add3A_313, %select_n3A_519 : i32
      %ne3A_521 = arith.constant 0 : i32
      %ne3A_522 = arith.cmpi ne, %rem3A_520, %ne3A_521 : i32
      %lt3A_523 = arith.constant 0 : i32
      %lt3A_524 = arith.cmpi slt, %rem3A_520, %lt3A_523 : i32
      %lt3A_525 = arith.constant 0 : i32
      %lt3A_526 = arith.cmpi slt, %select_n3A_519, %lt3A_525 : i32
      %ne3A_527 = arith.xori %lt3A_524, %lt3A_526 : i1
      %and3A_528 = arith.andi %ne3A_527, %ne3A_522 : i1
      %add3A_529 = arith.addi %rem3A_520, %select_n3A_519 : i32
      %select_n3A_530 = arith.select %and3A_528, %add3A_529, %rem3A_520 : i32
      %mul3A_531 = arith.constant 2048 : i32
      %mul3A_532 = arith.muli %select_n3A_530, %mul3A_531 : i32
      %add3A_533 = arith.constant 128 : i32
      %add3A_534 = arith.addi %add3A_514, %add3A_533 : i32
      %dma_start3A_535 = arith.constant 1 : i32
      %dma_start3A_536 = arith.constant 0 : i32
      %dma_start3A_537 = tpu.memref_slice %arg10[%dma_start3A_535, %dma_start3A_536] : memref<2x2048xf32, #tpu.memory_space<vmem>> -> memref<1x2048xf32, #tpu.memory_space<vmem>>
      %dma_start3A_538 = tpu.memref_squeeze %dma_start3A_537 : memref<1x2048xf32, #tpu.memory_space<vmem>> -> memref<2048xf32, #tpu.memory_space<vmem>>
      %dma_start3A_539 = tpu.memref_slice %arg6[%add3A_534, %mul3A_532] : memref<256x16384xf32, #tpu.memory_space<hbm>> -> memref<1x2048xf32, #tpu.memory_space<hbm>>
      %dma_start3A_540 = tpu.memref_squeeze %dma_start3A_539 : memref<1x2048xf32, #tpu.memory_space<hbm>> -> memref<2048xf32, #tpu.memory_space<hbm>>
      %dma_start3A_541 = tpu.memref_slice %arg6[%add3A_534, %mul3A_532] : memref<256x16384xf32, #tpu.memory_space<hbm>> -> memref<1x2048xf32, #tpu.memory_space<hbm>>
      %dma_start3A_542 = tpu.memref_squeeze %dma_start3A_541 : memref<1x2048xf32, #tpu.memory_space<hbm>> -> memref<2048xf32, #tpu.memory_space<hbm>>
      %dma_start3A_543 = arith.constant 0 : i32
      %dma_start3A_544 = tpu.memref_slice %arg10[%dma_start3A_535, %dma_start3A_543] : memref<2x2048xf32, #tpu.memory_space<vmem>> -> memref<1x2048xf32, #tpu.memory_space<vmem>>
      %dma_start3A_545 = tpu.memref_squeeze %dma_start3A_544 : memref<1x2048xf32, #tpu.memory_space<vmem>> -> memref<2048xf32, #tpu.memory_space<vmem>>
      tpu.enqueue_dma source(%dma_start3A_545 : memref<2048xf32, #tpu.memory_space<vmem>>) target(%dma_start3A_542 : memref<2048xf32, #tpu.memory_space<hbm>>) target_semaphore(%arg15 : memref<!tpu.dma_semaphore, #tpu.memory_space<semaphore_mem>>)
    }
    %scan3A_57 = arith.constant 16 : i32
    %add3A_58 = arith.constant 3 : i32
    %add3A_59 = arith.addi %mul3A_2, %add3A_58 : i32
    %add3A_60 = arith.constant 128 : i32
    %add3A_61 = arith.addi %add3A_59, %add3A_60 : i32
    %dma_wait3A = arith.constant 0 : i32
    %dma_wait3A_62 = arith.constant 0 : i32
    %dma_wait3A_63 = tpu.memref_slice %arg10[%dma_wait3A, %dma_wait3A_62] : memref<2x2048xf32, #tpu.memory_space<vmem>> -> memref<1x2048xf32, #tpu.memory_space<vmem>>
    %dma_wait3A_64 = tpu.memref_squeeze %dma_wait3A_63 : memref<1x2048xf32, #tpu.memory_space<vmem>> -> memref<2048xf32, #tpu.memory_space<vmem>>
    %dma_wait3A_65 = arith.constant 12288 : i32
    %dma_wait3A_66 = tpu.memref_slice %arg6[%add3A_61, %dma_wait3A_65] : memref<256x16384xf32, #tpu.memory_space<hbm>> -> memref<1x2048xf32, #tpu.memory_space<hbm>>
    %dma_wait3A_67 = tpu.memref_squeeze %dma_wait3A_66 : memref<1x2048xf32, #tpu.memory_space<hbm>> -> memref<2048xf32, #tpu.memory_space<hbm>>
    %dma_wait3A_68 = arith.constant 12288 : i32
    %dma_wait3A_69 = tpu.memref_slice %arg6[%add3A_61, %dma_wait3A_68] : memref<256x16384xf32, #tpu.memory_space<hbm>> -> memref<1x2048xf32, #tpu.memory_space<hbm>>
    %dma_wait3A_70 = tpu.memref_squeeze %dma_wait3A_69 : memref<1x2048xf32, #tpu.memory_space<hbm>> -> memref<2048xf32, #tpu.memory_space<hbm>>
    %dma_wait3A_71 = arith.constant 0 : i32
    %dma_wait3A_72 = tpu.memref_slice %arg10[%dma_wait3A, %dma_wait3A_71] : memref<2x2048xf32, #tpu.memory_space<vmem>> -> memref<1x2048xf32, #tpu.memory_space<vmem>>
    %dma_wait3A_73 = tpu.memref_squeeze %dma_wait3A_72 : memref<1x2048xf32, #tpu.memory_space<vmem>> -> memref<2048xf32, #tpu.memory_space<vmem>>
    tpu.wait_dma2 semaphore(%arg14 : memref<!tpu.dma_semaphore, #tpu.memory_space<semaphore_mem>>) src(%dma_wait3A_73 : memref<2048xf32, #tpu.memory_space<vmem>>) dst(%dma_wait3A_70 : memref<2048xf32, #tpu.memory_space<hbm>>)
    %add3A_74 = arith.constant 3 : i32
    %add3A_75 = arith.addi %mul3A_2, %add3A_74 : i32
    %add3A_76 = arith.constant 128 : i32
    %add3A_77 = arith.addi %add3A_75, %add3A_76 : i32
    %dma_wait3A_78 = arith.constant 1 : i32
    %dma_wait3A_79 = arith.constant 0 : i32
    %dma_wait3A_80 = tpu.memref_slice %arg10[%dma_wait3A_78, %dma_wait3A_79] : memref<2x2048xf32, #tpu.memory_space<vmem>> -> memref<1x2048xf32, #tpu.memory_space<vmem>>
    %dma_wait3A_81 = tpu.memref_squeeze %dma_wait3A_80 : memref<1x2048xf32, #tpu.memory_space<vmem>> -> memref<2048xf32, #tpu.memory_space<vmem>>
    %dma_wait3A_82 = arith.constant 14336 : i32
    %dma_wait3A_83 = tpu.memref_slice %arg6[%add3A_77, %dma_wait3A_82] : memref<256x16384xf32, #tpu.memory_space<hbm>> -> memref<1x2048xf32, #tpu.memory_space<hbm>>
    %dma_wait3A_84 = tpu.memref_squeeze %dma_wait3A_83 : memref<1x2048xf32, #tpu.memory_space<hbm>> -> memref<2048xf32, #tpu.memory_space<hbm>>
    %dma_wait3A_85 = arith.constant 14336 : i32
    %dma_wait3A_86 = tpu.memref_slice %arg6[%add3A_77, %dma_wait3A_85] : memref<256x16384xf32, #tpu.memory_space<hbm>> -> memref<1x2048xf32, #tpu.memory_space<hbm>>
    %dma_wait3A_87 = tpu.memref_squeeze %dma_wait3A_86 : memref<1x2048xf32, #tpu.memory_space<hbm>> -> memref<2048xf32, #tpu.memory_space<hbm>>
    %dma_wait3A_88 = arith.constant 0 : i32
    %dma_wait3A_89 = tpu.memref_slice %arg10[%dma_wait3A_78, %dma_wait3A_88] : memref<2x2048xf32, #tpu.memory_space<vmem>> -> memref<1x2048xf32, #tpu.memory_space<vmem>>
    %dma_wait3A_90 = tpu.memref_squeeze %dma_wait3A_89 : memref<1x2048xf32, #tpu.memory_space<vmem>> -> memref<2048xf32, #tpu.memory_space<vmem>>
    tpu.wait_dma2 semaphore(%arg15 : memref<!tpu.dma_semaphore, #tpu.memory_space<semaphore_mem>>) src(%dma_wait3A_90 : memref<2048xf32, #tpu.memory_space<vmem>>) dst(%dma_wait3A_87 : memref<2048xf32, #tpu.memory_space<hbm>>)
    return
  }
}

module attributes {stable_mosaic.version = 14 : i64} {
  func.func @_tc_body(%arg0: i32, %arg1: i32, %arg2: memref<32x4x2048xf32, #tpu.memory_space<vmem>>, %arg3: memref<32x8xf32, #tpu.memory_space<vmem>>, %arg4: memref<32x8x2048xf32, #tpu.memory_space<vmem>>, %arg5: memref<32x2048xf32, #tpu.memory_space<vmem>>, %arg6: memref<32x2048xf32, #tpu.memory_space<vmem>>) attributes {dimension_semantics = [#tpu.dimension_semantics<arbitrary>, #tpu.dimension_semantics<arbitrary>], iteration_bounds = array<i64: 4, 8>, scalar_prefetch = 0 : i64, scratch_operands = 0 : i64, tpu.core_type = #tpu.core_type<tc>, window_params = [{transform_indices = @transform_0, window_bounds = array<i64: 32, 4, 2048>}, {transform_indices = @transform_1, window_bounds = array<i64: 32, 8>}, {transform_indices = @transform_2, window_bounds = array<i64: 32, 8, 2048>}, {transform_indices = @transform_3, window_bounds = array<i64: 32, 2048>}, {transform_indices = @transform_4, window_bounds = array<i64: 32, 2048>}]} {
    %get3A = arith.constant 0 : index
    %get3A_0 = arith.constant 0 : index
    %get3A_1 = vector.load %arg5[%get3A, %get3A_0] : memref<32x2048xf32, #tpu.memory_space<vmem>>, vector<32x2048xf32>
    %get3A_2 = arith.constant 0 : index
    %get3A_3 = arith.constant 0 : index
    %get3A_4 = arith.constant 0 : index
    %get3A_5 = vector.load %arg2[%get3A_2, %get3A_3, %get3A_4] : memref<32x4x2048xf32, #tpu.memory_space<vmem>>, vector<32x1x2048xf32>
    %get3A_6 = vector.shape_cast %get3A_5 : vector<32x1x2048xf32> to vector<32x2048xf32>
    %sub3A = arith.constant 1.000000e+00 : f32
    %sub3A_7 = vector.broadcast %sub3A : f32 to vector<32x2048xf32>
    %sub3A_8 = arith.subf %sub3A_7, %get3A_6 : vector<32x2048xf32>
    %get3A_9 = arith.constant 0 : index
    %get3A_10 = arith.constant 1 : index
    %get3A_11 = arith.constant 0 : index
    %get3A_12 = vector.load %arg2[%get3A_9, %get3A_10, %get3A_11] : memref<32x4x2048xf32, #tpu.memory_space<vmem>>, vector<32x1x2048xf32>
    %get3A_13 = vector.shape_cast %get3A_12 : vector<32x1x2048xf32> to vector<32x2048xf32>
    %sub3A_14 = arith.constant 1.000000e+00 : f32
    %sub3A_15 = vector.broadcast %sub3A_14 : f32 to vector<32x2048xf32>
    %sub3A_16 = arith.subf %sub3A_15, %get3A_13 : vector<32x2048xf32>
    %mul3A = arith.mulf %sub3A_8, %sub3A_16 : vector<32x2048xf32>
    %get3A_17 = arith.constant 0 : index
    %get3A_18 = arith.constant 2 : index
    %get3A_19 = arith.constant 0 : index
    %get3A_20 = vector.load %arg2[%get3A_17, %get3A_18, %get3A_19] : memref<32x4x2048xf32, #tpu.memory_space<vmem>>, vector<32x1x2048xf32>
    %get3A_21 = vector.shape_cast %get3A_20 : vector<32x1x2048xf32> to vector<32x2048xf32>
    %sub3A_22 = arith.constant 1.000000e+00 : f32
    %sub3A_23 = vector.broadcast %sub3A_22 : f32 to vector<32x2048xf32>
    %sub3A_24 = arith.subf %sub3A_23, %get3A_21 : vector<32x2048xf32>
    %mul3A_25 = arith.mulf %mul3A, %sub3A_24 : vector<32x2048xf32>
    %get3A_26 = arith.constant 0 : index
    %get3A_27 = arith.constant 3 : index
    %get3A_28 = arith.constant 0 : index
    %get3A_29 = vector.load %arg2[%get3A_26, %get3A_27, %get3A_28] : memref<32x4x2048xf32, #tpu.memory_space<vmem>>, vector<32x1x2048xf32>
    %get3A_30 = vector.shape_cast %get3A_29 : vector<32x1x2048xf32> to vector<32x2048xf32>
    %sub3A_31 = arith.constant 1.000000e+00 : f32
    %sub3A_32 = vector.broadcast %sub3A_31 : f32 to vector<32x2048xf32>
    %sub3A_33 = arith.subf %sub3A_32, %get3A_30 : vector<32x2048xf32>
    %mul3A_34 = arith.mulf %mul3A_25, %sub3A_33 : vector<32x2048xf32>
    %sub3A_35 = arith.constant 1.000000e+00 : f32
    %sub3A_36 = vector.broadcast %sub3A_35 : f32 to vector<32x2048xf32>
    %sub3A_37 = arith.subf %sub3A_36, %get3A_1 : vector<32x2048xf32>
    %mul3A_38 = arith.mulf %sub3A_37, %mul3A_34 : vector<32x2048xf32>
    %sub3A_39 = arith.constant 1.000000e+00 : f32
    %sub3A_40 = vector.broadcast %sub3A_39 : f32 to vector<32x2048xf32>
    %sub3A_41 = arith.subf %sub3A_40, %mul3A_38 : vector<32x2048xf32>
    %get3A_42 = arith.constant 0 : index
    %get3A_43 = arith.constant 0 : index
    %get3A_44 = vector.load %arg3[%get3A_42, %get3A_43] : memref<32x8xf32, #tpu.memory_space<vmem>>, vector<32x8xf32>
    %slice3A = vector.extract_strided_slice %get3A_44 {offsets = [0, 0], sizes = [32, 1], strides = [1, 1]} : vector<32x8xf32> to vector<32x1xf32>
    %get3A_45 = arith.constant 0 : index
    %get3A_46 = arith.constant 0 : index
    %get3A_47 = arith.constant 0 : index
    %get3A_48 = vector.load %arg4[%get3A_45, %get3A_46, %get3A_47] : memref<32x8x2048xf32, #tpu.memory_space<vmem>>, vector<32x1x2048xf32>
    %get3A_49 = vector.shape_cast %get3A_48 : vector<32x1x2048xf32> to vector<32x2048xf32>
    %mul3A_50 = vector.broadcast %slice3A : vector<32x1xf32> to vector<32x2048xf32>
    %mul3A_51 = arith.mulf %mul3A_50, %get3A_49 : vector<32x2048xf32>
    %sub3A_52 = arith.constant 1.000000e+00 : f32
    %sub3A_53 = vector.broadcast %sub3A_52 : f32 to vector<32x2048xf32>
    %sub3A_54 = arith.subf %sub3A_53, %mul3A_51 : vector<32x2048xf32>
    %mul3A_55 = arith.mulf %sub3A_41, %sub3A_54 : vector<32x2048xf32>
    %slice3A_56 = vector.extract_strided_slice %get3A_44 {offsets = [0, 1], sizes = [32, 1], strides = [1, 1]} : vector<32x8xf32> to vector<32x1xf32>
    %get3A_57 = arith.constant 0 : index
    %get3A_58 = arith.constant 1 : index
    %get3A_59 = arith.constant 0 : index
    %get3A_60 = vector.load %arg4[%get3A_57, %get3A_58, %get3A_59] : memref<32x8x2048xf32, #tpu.memory_space<vmem>>, vector<32x1x2048xf32>
    %get3A_61 = vector.shape_cast %get3A_60 : vector<32x1x2048xf32> to vector<32x2048xf32>
    %mul3A_62 = vector.broadcast %slice3A_56 : vector<32x1xf32> to vector<32x2048xf32>
    %mul3A_63 = arith.mulf %mul3A_62, %get3A_61 : vector<32x2048xf32>
    %sub3A_64 = arith.constant 1.000000e+00 : f32
    %sub3A_65 = vector.broadcast %sub3A_64 : f32 to vector<32x2048xf32>
    %sub3A_66 = arith.subf %sub3A_65, %mul3A_63 : vector<32x2048xf32>
    %mul3A_67 = arith.mulf %mul3A_55, %sub3A_66 : vector<32x2048xf32>
    %slice3A_68 = vector.extract_strided_slice %get3A_44 {offsets = [0, 2], sizes = [32, 1], strides = [1, 1]} : vector<32x8xf32> to vector<32x1xf32>
    %get3A_69 = arith.constant 0 : index
    %get3A_70 = arith.constant 2 : index
    %get3A_71 = arith.constant 0 : index
    %get3A_72 = vector.load %arg4[%get3A_69, %get3A_70, %get3A_71] : memref<32x8x2048xf32, #tpu.memory_space<vmem>>, vector<32x1x2048xf32>
    %get3A_73 = vector.shape_cast %get3A_72 : vector<32x1x2048xf32> to vector<32x2048xf32>
    %mul3A_74 = vector.broadcast %slice3A_68 : vector<32x1xf32> to vector<32x2048xf32>
    %mul3A_75 = arith.mulf %mul3A_74, %get3A_73 : vector<32x2048xf32>
    %sub3A_76 = arith.constant 1.000000e+00 : f32
    %sub3A_77 = vector.broadcast %sub3A_76 : f32 to vector<32x2048xf32>
    %sub3A_78 = arith.subf %sub3A_77, %mul3A_75 : vector<32x2048xf32>
    %mul3A_79 = arith.mulf %mul3A_67, %sub3A_78 : vector<32x2048xf32>
    %slice3A_80 = vector.extract_strided_slice %get3A_44 {offsets = [0, 3], sizes = [32, 1], strides = [1, 1]} : vector<32x8xf32> to vector<32x1xf32>
    %get3A_81 = arith.constant 0 : index
    %get3A_82 = arith.constant 3 : index
    %get3A_83 = arith.constant 0 : index
    %get3A_84 = vector.load %arg4[%get3A_81, %get3A_82, %get3A_83] : memref<32x8x2048xf32, #tpu.memory_space<vmem>>, vector<32x1x2048xf32>
    %get3A_85 = vector.shape_cast %get3A_84 : vector<32x1x2048xf32> to vector<32x2048xf32>
    %mul3A_86 = vector.broadcast %slice3A_80 : vector<32x1xf32> to vector<32x2048xf32>
    %mul3A_87 = arith.mulf %mul3A_86, %get3A_85 : vector<32x2048xf32>
    %sub3A_88 = arith.constant 1.000000e+00 : f32
    %sub3A_89 = vector.broadcast %sub3A_88 : f32 to vector<32x2048xf32>
    %sub3A_90 = arith.subf %sub3A_89, %mul3A_87 : vector<32x2048xf32>
    %mul3A_91 = arith.mulf %mul3A_79, %sub3A_90 : vector<32x2048xf32>
    %slice3A_92 = vector.extract_strided_slice %get3A_44 {offsets = [0, 4], sizes = [32, 1], strides = [1, 1]} : vector<32x8xf32> to vector<32x1xf32>
    %get3A_93 = arith.constant 0 : index
    %get3A_94 = arith.constant 4 : index
    %get3A_95 = arith.constant 0 : index
    %get3A_96 = vector.load %arg4[%get3A_93, %get3A_94, %get3A_95] : memref<32x8x2048xf32, #tpu.memory_space<vmem>>, vector<32x1x2048xf32>
    %get3A_97 = vector.shape_cast %get3A_96 : vector<32x1x2048xf32> to vector<32x2048xf32>
    %mul3A_98 = vector.broadcast %slice3A_92 : vector<32x1xf32> to vector<32x2048xf32>
    %mul3A_99 = arith.mulf %mul3A_98, %get3A_97 : vector<32x2048xf32>
    %sub3A_100 = arith.constant 1.000000e+00 : f32
    %sub3A_101 = vector.broadcast %sub3A_100 : f32 to vector<32x2048xf32>
    %sub3A_102 = arith.subf %sub3A_101, %mul3A_99 : vector<32x2048xf32>
    %mul3A_103 = arith.mulf %mul3A_91, %sub3A_102 : vector<32x2048xf32>
    %slice3A_104 = vector.extract_strided_slice %get3A_44 {offsets = [0, 5], sizes = [32, 1], strides = [1, 1]} : vector<32x8xf32> to vector<32x1xf32>
    %get3A_105 = arith.constant 0 : index
    %get3A_106 = arith.constant 5 : index
    %get3A_107 = arith.constant 0 : index
    %get3A_108 = vector.load %arg4[%get3A_105, %get3A_106, %get3A_107] : memref<32x8x2048xf32, #tpu.memory_space<vmem>>, vector<32x1x2048xf32>
    %get3A_109 = vector.shape_cast %get3A_108 : vector<32x1x2048xf32> to vector<32x2048xf32>
    %mul3A_110 = vector.broadcast %slice3A_104 : vector<32x1xf32> to vector<32x2048xf32>
    %mul3A_111 = arith.mulf %mul3A_110, %get3A_109 : vector<32x2048xf32>
    %sub3A_112 = arith.constant 1.000000e+00 : f32
    %sub3A_113 = vector.broadcast %sub3A_112 : f32 to vector<32x2048xf32>
    %sub3A_114 = arith.subf %sub3A_113, %mul3A_111 : vector<32x2048xf32>
    %mul3A_115 = arith.mulf %mul3A_103, %sub3A_114 : vector<32x2048xf32>
    %slice3A_116 = vector.extract_strided_slice %get3A_44 {offsets = [0, 6], sizes = [32, 1], strides = [1, 1]} : vector<32x8xf32> to vector<32x1xf32>
    %get3A_117 = arith.constant 0 : index
    %get3A_118 = arith.constant 6 : index
    %get3A_119 = arith.constant 0 : index
    %get3A_120 = vector.load %arg4[%get3A_117, %get3A_118, %get3A_119] : memref<32x8x2048xf32, #tpu.memory_space<vmem>>, vector<32x1x2048xf32>
    %get3A_121 = vector.shape_cast %get3A_120 : vector<32x1x2048xf32> to vector<32x2048xf32>
    %mul3A_122 = vector.broadcast %slice3A_116 : vector<32x1xf32> to vector<32x2048xf32>
    %mul3A_123 = arith.mulf %mul3A_122, %get3A_121 : vector<32x2048xf32>
    %sub3A_124 = arith.constant 1.000000e+00 : f32
    %sub3A_125 = vector.broadcast %sub3A_124 : f32 to vector<32x2048xf32>
    %sub3A_126 = arith.subf %sub3A_125, %mul3A_123 : vector<32x2048xf32>
    %mul3A_127 = arith.mulf %mul3A_115, %sub3A_126 : vector<32x2048xf32>
    %slice3A_128 = vector.extract_strided_slice %get3A_44 {offsets = [0, 7], sizes = [32, 1], strides = [1, 1]} : vector<32x8xf32> to vector<32x1xf32>
    %get3A_129 = arith.constant 0 : index
    %get3A_130 = arith.constant 7 : index
    %get3A_131 = arith.constant 0 : index
    %get3A_132 = vector.load %arg4[%get3A_129, %get3A_130, %get3A_131] : memref<32x8x2048xf32, #tpu.memory_space<vmem>>, vector<32x1x2048xf32>
    %get3A_133 = vector.shape_cast %get3A_132 : vector<32x1x2048xf32> to vector<32x2048xf32>
    %mul3A_134 = vector.broadcast %slice3A_128 : vector<32x1xf32> to vector<32x2048xf32>
    %mul3A_135 = arith.mulf %mul3A_134, %get3A_133 : vector<32x2048xf32>
    %sub3A_136 = arith.constant 1.000000e+00 : f32
    %sub3A_137 = vector.broadcast %sub3A_136 : f32 to vector<32x2048xf32>
    %sub3A_138 = arith.subf %sub3A_137, %mul3A_135 : vector<32x2048xf32>
    %mul3A_139 = arith.mulf %mul3A_127, %sub3A_138 : vector<32x2048xf32>
    %swap3A = arith.constant 0 : index
    %swap3A_140 = arith.constant 0 : index
    %swap3A_141 = vector.load %arg6[%swap3A, %swap3A_140] : memref<32x2048xf32, #tpu.memory_space<vmem>>, vector<32x2048xf32>
    tpu.vector_store %arg6[%swap3A, %swap3A_140], %mul3A_139 {strides = array<i32>} : memref<32x2048xf32, #tpu.memory_space<vmem>>, vector<32x2048xf32>,
    return
  }
  func.func @transform_0(%arg0: i32, %arg1: i32) -> (i32, i32, i32) {
    %c0_i32 = arith.constant 0 : i32
    %c0_i32_0 = arith.constant 0 : i32
    return %arg0, %c0_i32, %arg1 : i32, i32, i32
  }
  func.func @transform_1(%arg0: i32, %arg1: i32) -> (i32, i32) {
    %c0_i32 = arith.constant 0 : i32
    %c0_i32_0 = arith.constant 0 : i32
    return %arg0, %c0_i32 : i32, i32
  }
  func.func @transform_2(%arg0: i32, %arg1: i32) -> (i32, i32, i32) {
    %c0_i32 = arith.constant 0 : i32
    %c0_i32_0 = arith.constant 0 : i32
    return %arg0, %c0_i32, %arg1 : i32, i32, i32
  }
  func.func @transform_3(%arg0: i32, %arg1: i32) -> (i32, i32) {
    %c0_i32 = arith.constant 0 : i32
    return %arg0, %arg1 : i32, i32
  }
  func.func @transform_4(%arg0: i32, %arg1: i32) -> (i32, i32) {
    %c0_i32 = arith.constant 0 : i32
    return %arg0, %arg1 : i32, i32
  }
}

</mosaic_0001>

<sc_bundles>
// kernel: kernel.4.cloned.1.call-start
scs
__scs_entry_jumppad:
0x0: {  	(pc) =	sbr.rel $0x88, $3  }
0x1: {  	(tag) =	ssettag $0x0;
	lr =	simm.s32 $0x1  }
0x2: {  	[smem:$0x3F9D] =	sst lr;
	_ =	strace $0xD0000000  }
0x3: {  	_ = 	snop  }
0x4: {  	_ = 	snop  }
0x5: {  	_ = 	snop  }
0x6: {  	_ = 	snop  }
0x7: {  	_ = 	snop  }
__scs_overlays_trampoline_lowered:
0x8: {  	[smem:$0x3FAC] =	sst s0  }
0x9: {  	[smem:$0x3FAD] =	sst s1  }
0xa: {  	[smem:$0x3FAE] =	sst s2  }
0xb: {  	[smem:$0x3FAF] =	sst s3  }
0xc: {  	[smem:$0x3FB0] =	sst s4  }
0xd: {  	[smem:$0x3FB1] =	sst s5  }
0xe: {  	[smem:$0x3FB2] =	sst s6  }
0xf: {  	[smem:$0x3FB3] =	sst s7  }
0x10: {  	[smem:$0x3FB4] =	sst s8  }
0x11: {  	[smem:$0x3FB5] =	sst s9;
	s0 =	simm.s32 @!p0 $0x0  }
0x12: {  	s1 =	sld [smem:$0x3F9B];
	s0 =	simm.s32 @p0 $0x1  }
0x13: {  	[smem:$0x3FB6] =	sst s0;
	s0 =	simm.s32 @!p1 $0x0  }
0x14: {  	s2 =	sld [smem:$0x3F9A];
	s0 =	simm.s32 @p1 $0x1  }
0x15: {  	[smem:$0x3FB7] =	sst s0;
	s0 =	simm.s32 @!p2 $0x0  }
0x16: {  	s3 =	sld [smem:$0x3FDB];
	s0 =	simm.s32 @p2 $0x1  }
0x17: {  	s4 =	simm.s32 $0x1BF5;
	[smem:$0x3FB9] =	sst s0  }
0x18: {  	s0 =	sld [smem:$0x3F9C];
	_ =	swait.ge [sflag:s4], $0x0  }
0x19: {  	s7 =	sld [smem:$0x3F9D]  }
0x1a: {  	s8 =	sadd.s32 $0xFFFFE003, lr  }
0x1b: {  	s9 =	sadd.s32 $0xFFFFFEF7, lr;
	s5 =	simm.s32 $0xFFFFFFFF;
	p2 =	slt.u32 s8, $0xFFFFF086  }
0x1c: {  	p1 =	slt.u32 s9, $0xF7A;
	s5 =	simm.s32 @!p2 $0x0  }
0x1d: {  	s5 =	simm.s32 @p1 $0x1;
	p0 =	seq.s32 s7, s2  }
0x1e: {  	s7 =	smul.u32 @!p0 $0xF7A, s2;
	p2 =	seq.s32 @!p0 s5, $0x0  }
0x1f: {  	s9 =	smul.u32 $0xF7A, s1;
	s8 =	simm.s32 @!p0 $0x1BF5;
	p2 =	por !p2, p0  }
0x20: {  	[sflag:s8] =	ssyncset.s32 @!p0 $0xFFFFF086;
	s6 =	sadd.s32 @!p0 s3, s7;
	s7 =	simm.s32 @!p0 $0x108  }
0x21: {  	s3 =	sadd.s32 s3, s9;
	s6 =	sadd.s32 @!p0 $0x88, s6;
	s7 =	simm.s32 @p2 $0x1082  }
0x22: {  	[simem:s7], [sflag:s8] =	dma.local @!p0 [hbm:s6], $0xF7A  }
0x23: {  	s9 =	sor.u32 $0xD0000000, s2;
	s6 =	simm.s32 $0x108;
	_ =	swait.ge @!p0 [sflag:s8], $0x0  }
0x24: {  	s3 =	sadd.s32 $0x88, s3;
	s6 =	simm.s32 @!p1 $0x1082;
	[sflag:s4] =	ssyncset.s32 $0xFFFFF086  }
0x25: {  	[simem:s6], [sflag:s4] =	dma.local [hbm:s3], $0xF7A  }
0x26: {  	[smem:$0x3F9D] =	sst s1;
	(tag) =	ssettag s2;
	_ =	strace s9  }
0x27: {  	s1 =	sld [smem:$0x3FAD]  }
0x28: {  	s2 =	sld [smem:$0x3FAE]  }
0x29: {  	s4 =	sld [smem:$0x3FB0]  }
0x2a: {  	p0 =	seq.s32 s5, $0x0;
	s5 =	sld [smem:$0x3FB1]  }
0x2b: {  	s6 =	sld [smem:$0x3FB2]  }
0x2c: {  	s7 =	sld [smem:$0x3FB3]  }
0x2d: {  	s3 =	simm.s32 $0x108;
	s8 =	sld [smem:$0x3FB4]  }
0x2e: {  	s3 =	simm.s32 @!p0 $0x1082;
	s9 =	sld [smem:$0x3FB5]  }
0x2f: {  	lr =	sadd.s32 s0, s3;
	s0 =	sld [smem:$0x3FAC]  }
0x30: {  	s3 =	sld [smem:$0x3FAF]  }
0x31: {  	[smem:$0x3FB8] =	sst s10  }
0x32: {  	s10 =	sld [smem:$0x3FB6];
	_ =	sdelay $0x3  }
0x33: {  	p0 =	seq.s32 s10, $0x1;
	s10 =	sld [smem:$0x3FB8];
	_ =	sdelay $0x3  }
0x34: {  	[smem:$0x3FB8] =	sst s10  }
0x35: {  	s10 =	sld [smem:$0x3FB7];
	_ =	sdelay $0x3  }
0x36: {  	p1 =	seq.s32 s10, $0x1;
	s10 =	sld [smem:$0x3FB8];
	_ =	sdelay $0x3  }
0x37: {  	[smem:$0x3FB8] =	sst s10  }
0x38: {  	s10 =	sld [smem:$0x3FB9]  }
0x39: {  	_ = 	snop;
	(pc) =	sbr.ind lr, $3  }
0x3a: {  	_ = 	snop  }
0x3b: {  	_ = 	snop  }
0x3c: {  	p2 =	seq.s32 s10, $0x1;
	s10 =	sld [smem:$0x3FB8]  }
0x3d: {  	_ =	shalt  }
0x3e: {  	_ =	shalt  }
0x3f: {  	_ =	shalt  }
0x40: {  	_ =	shalt  }
0x41: {  	_ =	shalt  }
0x42: {  	_ =	shalt  }
0x43: {  	_ =	shalt  }
0x44: {  	_ =	shalt  }
0x45: {  	_ =	shalt  }
0x46: {  	_ =	shalt  }
0x47: {  	_ =	shalt  }
0x48: {  	_ =	shalt  }
0x49: {  	_ =	shalt  }
0x4a: {  	_ =	shalt  }
0x4b: {  	_ =	shalt  }
0x4c: {  	_ =	shalt  }
0x4d: {  	_ =	shalt  }
0x4e: {  	_ =	shalt  }
0x4f: {  	_ =	shalt  }
0x50: {  	_ =	shalt  }
0x51: {  	_ =	shalt  }
0x52: {  	_ =	shalt  }
0x53: {  	_ =	shalt  }
0x54: {  	_ =	shalt  }
0x55: {  	_ =	shalt  }
0x56: {  	_ =	shalt  }
0x57: {  	_ =	shalt  }
0x58: {  	_ =	shalt  }
0x59: {  	_ =	shalt  }
0x5a: {  	_ =	shalt  }
0x5b: {  	_ =	shalt  }
0x5c: {  	_ =	shalt  }
0x5d: {  	_ =	shalt  }
0x5e: {  	_ =	shalt  }
0x5f: {  	_ =	shalt  }
0x60: {  	_ =	shalt  }
0x61: {  	_ =	shalt  }
0x62: {  	_ =	shalt  }
0x63: {  	_ =	shalt  }
0x64: {  	_ =	shalt  }
0x65: {  	_ =	shalt  }
0x66: {  	_ =	shalt  }
0x67: {  	_ =	shalt  }
0x68: {  	_ =	shalt  }
0x69: {  	_ =	shalt  }
0x6a: {  	_ =	shalt  }
0x6b: {  	_ =	shalt  }
0x6c: {  	_ =	shalt  }
0x6d: {  	_ =	shalt  }
0x6e: {  	_ =	shalt  }
0x6f: {  	_ =	shalt  }
0x70: {  	_ =	shalt  }
0x71: {  	_ =	shalt  }
0x72: {  	_ =	shalt  }
0x73: {  	_ =	shalt  }
0x74: {  	_ =	shalt  }
0x75: {  	_ =	shalt  }
0x76: {  	_ =	shalt  }
0x77: {  	_ =	shalt  }
0x78: {  	_ =	shalt  }
0x79: {  	_ =	shalt  }
0x7a: {  	_ =	shalt  }
0x7b: {  	_ =	shalt  }
0x7c: {  	_ =	shalt  }
0x7d: {  	_ =	shalt  }
0x7e: {  	_ =	shalt  }
0x7f: {  	_ =	shalt  }
0x80: {  	_ =	shalt  }
0x81: {  	_ =	shalt  }
0x82: {  	_ =	shalt  }
0x83: {  	_ =	shalt  }
0x84: {  	_ =	shalt  }
0x85: {  	_ =	shalt  }
0x86: {  	_ =	shalt  }
0x87: {  	_ =	shalt  }
.Lfunc_end0:
.L_simem_size_0:
called_computation_lowered:
.L_overlay_start_0:
0x88: {  	s2 =	sld [smem:$0x3FD9]  }
0x89: {  	s3 =	sld [smem:$0x3FFE];
	_ =	sdelay $0x1  }
0x8a: {  	s1 =	srdreg.scid  }
0x8b: {  	s0 =	sand.u32 $0x1, s1  }
0x8c: {  	s17 =	sshll.u32 s0, $0xA;
	s2 =	sadd.s32 s3, s2  }
0x8d: {  	s2 =	sadd.s32 s2, s17  }
0x8e: {  	[smem:$0x3FC4] =	sst s2  }
0x8f: {  	_ = 	snop  }
0x90: {  	s2 =	sld [smem:$0x3FC9]  }
0x91: {  	s18 =	sld [smem:$0x3FC7]  }
0x92: {  	s4 =	sld [smem:$0x3FC6]  }
0x93: {  	s5 =	sld [smem:$0x3FD0];
	(tm) =	ssettm $0x1  }
0x94: {  	s6 =	sld [smem:$0x3FFB];
	_ =	sdelay $0x3  }
0x95: {  	_ =	strace s6  }
0x96: {  	s6 =	sld [smem:$0x3FFC];
	_ =	sdelay $0x3  }
0x97: {  	_ =	strace s6  }
0x98: {  	s6 =	sld [smem:$0x3FFD];
	_ =	sdelay $0x3  }
0x99: {  	_ =	strace s6  }
0x9a: {  	_ =	strace $0x8FFFFFFF  }
0x9b: {  	s19 =	sld [smem:$0x3FDB];
	_ =	sdelay $0x1  }
0x9c: {  	s7 =	simm.s32 $_scs_section_size  }
0x9d: {  	s8 =	simm.s32 $_size__tile_overlayer_lowered;
	s9 =	simm.s32 $_tile_overlayer_lowered  }
0x9e: {  	s22 =	simm.s32 $0x1BFF;
	s21 =	sshll.u32 s9, $0x1;
	s6 =	sadd.s32 s7, s19  }
0x9f: {  	s10 =	simm.s32 $0x0;
	s20 =	sshll.u32 s8, $0x1;
	s8 =	sadd.s32 s21, s6  }
0xa0: {  	[timem:s10], [sflag:s22] =	dma.local [hbm:s8], s20  }
0xa1: {  	_ =	swait.ge [sflag:s22], s20  }
0xa2: {  	s7 =	ssub.s32 $0x0, s20;
	[sflag:s22] =	ssyncset.done $0x0  }
0xa3: {  	[sflag:s22] =	ssyncadd.s32 s7;
	_ =	sdelay $0x1  }
0xa4: {  	s23 =	simm.s32 $0x1B8B  }
0xa5: {  	_ =	swait.ge [sflag:s23], $0x1  }
0xa6: {  	[sflag:s23] =	ssyncset.done $0x0  }
0xa7: {  	s25 =	simm.s32 $0x1B8E;
	s24 =	sld [smem:$0x3FFE];
	[sflag:s23] =	ssyncadd.s32 $0xFFFFFFFF  }
0xa8: {  	s26 =	simm.s32 $execute0_lowered;
	[smem:$0x3FD2] =	sst s25  }
0xa9: {  	s8 =	sshll.u32 s26, $0x1;
	_ =	strace $0x80000046;
	[dreg:$0x1] =	wrdreg $0xFFFFFFFF  }
0xaa: {  	s28 =	simm.s32 $_size_execute0_lowered;
	s6 =	sadd.s32 s6, s8;
	[dreg:$0x0] =	wrdreg $0x0  }
0xab: {  	s8 =	sshll.u32 s28, $0x1;
	[dreg:$0x2] =	wrdreg s6  }
0xac: {  	[dreg:$0x3] =	wrdreg s8  }
0xad: {  	[dreg:$0x4] =	wrdreg $0xC0  }
0xae: {  	_ =	task [dreg:s10], $0x5FFFF  }
0xaf: {  	[dreg:$0x1] =	wrdreg $0xFFFFFFFF  }
0xb0: {  	[dreg:$0x0] =	wrdreg $0x60  }
0xb1: {  	[dreg:$0x2] =	wrdreg s2  }
0xb2: {  	[dreg:$0x3] =	wrdreg s24  }
0xb3: {  	[dreg:$0x4] =	wrdreg s18  }
0xb4: {  	[dreg:$0x5] =	wrdreg s4  }
0xb5: {  	[dreg:$0x6] =	wrdreg s5  }
0xb6: {  	[dreg:$0x7] =	wrdreg $0x9  }
0xb7: {  	_ =	task.clear_ibuf [dreg:s10], $0x8FFFF;
	_ =	strace $0x90000046  }
0xb8: {  	s29 =	simm.s32 $0x9;
	_ =	strace $0x80000048  }
0xb9: {  	_ =	swait.ge [sflag:s29], $0x1  }
0xba: {  	[sflag:s29] =	ssyncadd.s32 $0xFFFFFFFF  }
0xbb: {  	_ =	strace $0x90000048  }
0xbc: {  	_ =	sfence  }
0xbd: {  	s30 =	sld [smem:$0x0];
	_ =	sdelay $0x2  }
0xbe: {  	s31 =	sshll.u32 s1, $0xD;
	s1 =	sshrl.u32 s1, $0x2  }
0xbf: {  	s3 =	sand.u32 $0x4000, s31;
	s1 =	sadd.s32 s1, s30  }
0xc0: {  	s0 =	sor.u32 s3, s0;
	s1 =	sshll.u32 s1, $0x11  }
0xc1: {  	s0 =	sor.u32 s1, s0  }
0xc2: {  	s0 =	sadd.s32 $0x8F2B, s0  }
0xc3: {  	[sflag:s0] =	ssyncadd.remote.s32 $0x1  }
0xc4: {  	_ =	sfence.sel $0xFFFF  }
0xc5: {  	[dreg:$0x0] =	wrdreg $0xFFFFFFFF;
	(pc) =	sbr.abs _section_cstart, $3  }
0xc6: {  	[dreg:$0x1] =	wrdreg $0xFFFFFFFF  }
0xc7: {  	_ =	task.clear_ibuf [dreg:s10], $0x2FFFF;
	_ =	strace $0x9FFFFFFF  }
0xc8: {  	(tm) =	ssettm $0x7FFFFFFF  }
0xc9: {  	_ =	shalt  }
tec
execute0_lowered:
.L_overlay_start_1:
0x0: {  	(tag) =	ssettag $0x1  }
0x1: {  	s1 =	rddreg [dreg:$0x0]  }
0x2: {  	s0 =	rddreg [dreg:$0x1]  }
0x3: {  	s2 =	rddreg [dreg:$0x2]  }
0x4: {  	s4 =	rddreg [dreg:$0x3]  }
0x5: {  	s3 =	srdreg.scid;
	s5 =	stileid.u32;
	s6 =	simm.s32 $0x0  }
0x6: {  	s18 =	simm.s32 $0x2;
	s28 =	simm.s32 $0xD480;
	s29 =	simm.s32 $0xD580  }
0x7: {  	s30 =	simm.s32 $0xD680;
	s31 =	simm.s32 $0xD780;
	s13 =	simm.s32 $0xD980  }
0x8: {  	s11 =	simm.s32 $0xDD80;
	s3 =	sand.u32 $0x1, s3;
	s5 =	sshll.u32 s5, $0x3  }
0x9: {  	[smem:$0x7FF] =	sst s6;
	s0 =	sadd.s32 $0x1800, s0;
	s7 =	sshll.u32 s3, $0x2  }
0xa: {  	_ =	strace $0x80000047;
	s20 =	ssub.s32 $0x2, s3;
	s7 =	sor.u32 s7, s5  }
0xb: {  	[dreg:$0x6] =	wrdreg s0;
	s9 =	sshrl.u32 s20, $0x1;
	s5 =	sor.u32 $0x80, s7  }
0xc: {  	s3 =	sshll.u32 s3, $0x9;
	s0 =	ssub.s32 s20, s9;
	s8 =	sshll.u32 s5, $0xE  }
0xd: {  	s5 =	sshll.u32 s5, $0xD;
	s0 =	smax.u32 s0, $0x1;
	s10 =	sand.u32 $0x3E0000, s8  }
0xe: {  	s5 =	sadd.s32 s1, s5;
	[dreg:$0xa] =	wrdreg s0;
	s3 =	sor.u32 s3, s10  }
0xf: {  	s21 =	sadd.s32 s2, s8;
	[dreg:$0x7] =	wrdreg s5;
	s3 =	sshrl.u32 s3, $0x3  }
0x10: {  	s12 =	simm.s32 $0xDF80;
	[dreg:$0x8] =	wrdreg s21;
	s3 =	sadd.s32 s4, s3  }
0x11: {  	s16 =	simm.s32 $0x0;
	s22 =	sadd.s32 $0x80, s3;
	[dreg:$0x9] =	wrdreg s3  }
0x12: {  	s9 =	simm.s32 $0xDB80;
	s23 =	sadd.s32 $0x100, s3;
	[dreg:$0xb] =	wrdreg s22  }
0x13: {  	s0 =	simm.s32 $0x1;
	s24 =	sadd.s32 $0x180, s3;
	[dreg:$0xc] =	wrdreg s23  }
0x14: {  	s8 =	simm.s32 $0xDA80;
	s25 =	sadd.s32 $0x200, s3;
	[dreg:$0xd] =	wrdreg s24  }
0x15: {  	s10 =	simm.s32 $0xDC80;
	s26 =	sadd.s32 $0x280, s3;
	[dreg:$0xe] =	wrdreg s25  }
0x16: {  	s5 =	simm.s32 $0xDE80;
	s3 =	simm.s32 $0xD880;
	[dreg:$0xf] =	wrdreg s26  }
.LBB2_1:
0x17: {  	[dreg:$0x10] =	wrdreg s16  }
0x18: {  	s14 =	rddreg [dreg:$0x6];
	s15 =	simm.s32 $0xE000;
	s22 =	simm.s32 $0x5  }
0x19: {  	[tilespmem:s15], [sflag:$0x5] =	stream.linear.gather [hbm4b:s14+s6], $0x8000, $0x38;
	[tilespmem:$0x16000] =	vst v63  }
0x1a: {  	_ =	swait.ge [sflag:s22], $0x8000  }
0x1b: {  	[sflag:s22] =	ssyncset.done $0x0  }
0x1c: {  	s23 =	rddreg [dreg:$0x7];
	[sflag:s22] =	ssyncadd.s32 $0xFFFF8000  }
0x1d: {  	[tilespmem:s6], [sflag:$0x1] =	stream.linear.gather [hbm4b:s23+s6], $0x2000, $0x38;
	[tilespmem:$0x16000] =	vst v63  }
0x1e: {  	s25 =	simm.s32 $0x4000;
	s24 =	rddreg [dreg:$0x8]  }
0x1f: {  	[tilespmem:s25], [sflag:$0x1] =	stream.linear.gather [hbm4b:s24+s6], $0x4000, $0x38;
	[tilespmem:$0x16000] =	vst v63  }
0x20: {  	s26 =	simm.s32 $0xC000;
	s15 =	rddreg [dreg:$0x9]  }
0x21: {  	[tilespmem:s26], [sflag:$0x1] =	stream.linear.gather [hbm4b:s15+s6], $0x80, $0x38;
	[tilespmem:$0x16000] =	vst v63  }
0x22: {  	s17 =	simm.s32 $0xC100;
	s16 =	rddreg [dreg:$0xb]  }
0x23: {  	[tilespmem:s17], [sflag:$0x1] =	stream.linear.gather [hbm4b:s16+s6], $0x80, $0x38;
	[tilespmem:$0x16000] =	vst v63  }
0x24: {  	s20 =	simm.s32 $0xC200;
	s19 =	rddreg [dreg:$0xc]  }
0x25: {  	[tilespmem:s20], [sflag:$0x1] =	stream.linear.gather [hbm4b:s19+s6], $0x80, $0x38;
	[tilespmem:$0x16000] =	vst v63  }
0x26: {  	s21 =	rddreg [dreg:$0xd];
	s22 =	simm.s32 $0xC300  }
0x27: {  	[tilespmem:s22], [sflag:$0x1] =	stream.linear.gather [hbm4b:s21+s6], $0x80, $0x38;
	[tilespmem:$0x16000] =	vst v63  }
0x28: {  	s23 =	rddreg [dreg:$0xe];
	s24 =	simm.s32 $0xC400  }
0x29: {  	[tilespmem:s24], [sflag:$0x1] =	stream.linear.gather [hbm4b:s23+s6], $0x80, $0x38;
	[tilespmem:$0x16000] =	vst v63  }
0x2a: {  	s25 =	rddreg [dreg:$0xf];
	s26 =	simm.s32 $0xC500  }
0x2b: {  	[tilespmem:s26], [sflag:$0x1] =	stream.linear.gather [hbm4b:s25+s6], $0x80, $0x38;
	[tilespmem:$0x16000] =	vst v63  }
0x2c: {  	s16 =	sadd.s32 $0x300, s15;
	s17 =	simm.s32 $0xC600  }
0x2d: {  	[tilespmem:s17], [sflag:$0x1] =	stream.linear.gather [hbm4b:s16+s6], $0x80, $0x38;
	[tilespmem:$0x16000] =	vst v63  }
0x2e: {  	s19 =	sadd.s32 $0x380, s15;
	s20 =	simm.s32 $0xC700  }
0x2f: {  	[tilespmem:s20], [sflag:$0x1] =	stream.linear.gather [hbm4b:s19+s6], $0x80, $0x38;
	[tilespmem:$0x16000] =	vst v63  }
0x30: {  	s21 =	sadd.s32 $0x400, s15;
	s22 =	simm.s32 $0xC800  }
0x31: {  	[tilespmem:s22], [sflag:$0x1] =	stream.linear.gather [hbm4b:s21+s6], $0x80, $0x38;
	[tilespmem:$0x16000] =	vst v63  }
0x32: {  	s23 =	sadd.s32 $0x480, s15;
	s24 =	simm.s32 $0xC900  }
0x33: {  	[tilespmem:s24], [sflag:$0x1] =	stream.linear.gather [hbm4b:s23+s6], $0x80, $0x38;
	[tilespmem:$0x16000] =	vst v63  }
0x34: {  	s25 =	sadd.s32 $0x500, s15;
	s26 =	simm.s32 $0xCA00  }
0x35: {  	[tilespmem:s26], [sflag:$0x1] =	stream.linear.gather [hbm4b:s25+s6], $0x80, $0x38;
	[tilespmem:$0x16000] =	vst v63  }
0x36: {  	s16 =	sadd.s32 $0x580, s15;
	s17 =	simm.s32 $0xCB00  }
0x37: {  	[tilespmem:s17], [sflag:$0x1] =	stream.linear.gather [hbm4b:s16+s6], $0x80, $0x38;
	[tilespmem:$0x16000] =	vst v63  }
0x38: {  	s19 =	sadd.s32 $0x600, s15;
	s20 =	simm.s32 $0xCC00  }
0x39: {  	[tilespmem:s20], [sflag:$0x1] =	stream.linear.gather [hbm4b:s19+s6], $0x80, $0x38;
	[tilespmem:$0x16000] =	vst v63  }
0x3a: {  	s21 =	sadd.s32 $0x680, s15;
	s22 =	simm.s32 $0xCD00  }
0x3b: {  	[tilespmem:s22], [sflag:$0x1] =	stream.linear.gather [hbm4b:s21+s6], $0x80, $0x38;
	[tilespmem:$0x16000] =	vst v63  }
0x3c: {  	s23 =	sadd.s32 $0x700, s15;
	s24 =	simm.s32 $0xCE00  }
0x3d: {  	[tilespmem:s24], [sflag:$0x1] =	stream.linear.gather [hbm4b:s23+s6], $0x80, $0x38;
	[tilespmem:$0x16000] =	vst v63  }
0x3e: {  	s25 =	sadd.s32 $0x780, s15;
	s26 =	simm.s32 $0xCF00;
	s17 =	simm.s32 $0x0  }
0x3f: {  	[tilespmem:s26], [sflag:$0x1] =	stream.linear.gather [hbm4b:s25+s6], $0x80, $0x38;
	[tilespmem:$0x16000] =	vst v63  }
.LBB2_2:
0x40: {  	s14 =	sshrl.u32 s17, $0x2  }
0x41: {  	s19 =	sshllo.u32 s17, $0x1;
	s20 =	sor.u32 s7, s14  }
0x42: {  	s25 =	sshll.u32 s19, $0x4;
	s15 =	sor.u32 $0x80, s20  }
0x43: {  	s14 =	sand.u32 $0x70, s25;
	s16 =	sshll.u32 s15, $0xD  }
0x44: {  	s26 =	simm.s32 $0x2000;
	s21 =	sshll.u32 s14, $0x6;
	s16 =	sadd.s32 s1, s16  }
0x45: {  	s22 =	sshll.u32 s15, $0x11;
	s14 =	sshll.u32 s14, $0xA;
	s16 =	sadd.s32 s21, s16  }
0x46: {  	[tilespmem:s26], [sflag:$0x2] =	stream.linear.gather [hbm4b:s16+s6], $0x2000, $0x38;
	[tilespmem:$0x16000] =	vst v63  }
0x47: {  	s16 =	sor.u32 s22, s14  }
0x48: {  	s23 =	simm.s32 $0x8000;
	s16 =	sshrl.u32 s16, $0x3  }
0x49: {  	s25 =	sshll.u32 s20, $0x7;
	s24 =	sshll.u32 s15, $0xE;
	s16 =	sadd.s32 s2, s16  }
0x4a: {  	[tilespmem:s23], [sflag:$0x2] =	stream.linear.gather [hbm4b:s16+s6], $0x4000, $0x38;
	[tilespmem:$0x16000] =	vst v63  }
0x4b: {  	s21 =	sand.u32 $0x380, s25;
	s16 =	sand.u32 $0x7FFE0000, s24  }
0x4c: {  	s16 =	sor.u32 s21, s16  }
0x4d: {  	s14 =	sor.u32 s14, s16  }
0x4e: {  	s14 =	sshrl.u32 s14, $0x3  }
0x4f: {  	s26 =	simm.s32 $0xC080;
	s14 =	sadd.s32 s4, s14  }
0x50: {  	[tilespmem:s26], [sflag:$0x2] =	stream.linear.gather [hbm4b:s14+s6], $0x80, $0x38;
	[tilespmem:$0x16000] =	vst v63  }
0x51: {  	s22 =	simm.s32 $0xC180;
	s21 =	sadd.s32 $0x80, s14  }
0x52: {  	[tilespmem:s22], [sflag:$0x2] =	stream.linear.gather [hbm4b:s21+s6], $0x80, $0x38;
	[tilespmem:$0x16000] =	vst v63  }
0x53: {  	s24 =	simm.s32 $0xC280;
	s23 =	sadd.s32 $0x100, s14  }
0x54: {  	[tilespmem:s24], [sflag:$0x2] =	stream.linear.gather [hbm4b:s23+s6], $0x80, $0x38;
	[tilespmem:$0x16000] =	vst v63  }
0x55: {  	s25 =	sadd.s32 $0x180, s14;
	s26 =	simm.s32 $0xC380  }
0x56: {  	[tilespmem:s26], [sflag:$0x2] =	stream.linear.gather [hbm4b:s25+s6], $0x80, $0x38;
	[tilespmem:$0x16000] =	vst v63  }
0x57: {  	s21 =	sadd.s32 $0x200, s14;
	s22 =	simm.s32 $0xC480  }
0x58: {  	[tilespmem:s22], [sflag:$0x2] =	stream.linear.gather [hbm4b:s21+s6], $0x80, $0x38;
	[tilespmem:$0x16000] =	vst v63  }
0x59: {  	s23 =	sadd.s32 $0x280, s14;
	s24 =	simm.s32 $0xC580  }
0x5a: {  	[tilespmem:s24], [sflag:$0x2] =	stream.linear.gather [hbm4b:s23+s6], $0x80, $0x38;
	[tilespmem:$0x16000] =	vst v63  }
0x5b: {  	s25 =	sadd.s32 $0x300, s14;
	s26 =	simm.s32 $0xC680  }
0x5c: {  	[tilespmem:s26], [sflag:$0x2] =	stream.linear.gather [hbm4b:s25+s6], $0x80, $0x38;
	[tilespmem:$0x16000] =	vst v63  }
0x5d: {  	s21 =	sadd.s32 $0x380, s14;
	s22 =	simm.s32 $0xC780  }
0x5e: {  	[tilespmem:s22], [sflag:$0x2] =	stream.linear.gather [hbm4b:s21+s6], $0x80, $0x38;
	[tilespmem:$0x16000] =	vst v63  }
0x5f: {  	s23 =	sadd.s32 $0x400, s14;
	s24 =	simm.s32 $0xC880  }
0x60: {  	[tilespmem:s24], [sflag:$0x2] =	stream.linear.gather [hbm4b:s23+s6], $0x80, $0x38;
	[tilespmem:$0x16000] =	vst v63  }
0x61: {  	s25 =	sadd.s32 $0x480, s14;
	s26 =	simm.s32 $0xC980  }
0x62: {  	[tilespmem:s26], [sflag:$0x2] =	stream.linear.gather [hbm4b:s25+s6], $0x80, $0x38;
	[tilespmem:$0x16000] =	vst v63  }
0x63: {  	s21 =	sadd.s32 $0x500, s14;
	s22 =	simm.s32 $0xCA80  }
0x64: {  	[tilespmem:s22], [sflag:$0x2] =	stream.linear.gather [hbm4b:s21+s6], $0x80, $0x38;
	[tilespmem:$0x16000] =	vst v63  }
0x65: {  	s23 =	sadd.s32 $0x580, s14;
	s24 =	simm.s32 $0xCB80  }
0x66: {  	[tilespmem:s24], [sflag:$0x2] =	stream.linear.gather [hbm4b:s23+s6], $0x80, $0x38;
	[tilespmem:$0x16000] =	vst v63  }
0x67: {  	s25 =	sadd.s32 $0x600, s14;
	s26 =	simm.s32 $0xCC80  }
0x68: {  	[tilespmem:s26], [sflag:$0x2] =	stream.linear.gather [hbm4b:s25+s6], $0x80, $0x38;
	[tilespmem:$0x16000] =	vst v63  }
0x69: {  	s22 =	sadd.s32 $0x680, s14;
	s23 =	simm.s32 $0xCD80  }
0x6a: {  	[tilespmem:s23], [sflag:$0x2] =	stream.linear.gather [hbm4b:s22+s6], $0x80, $0x38;
	[tilespmem:$0x16000] =	vst v63  }
0x6b: {  	s24 =	sadd.s32 $0x700, s14;
	s25 =	simm.s32 $0xCE80  }
0x6c: {  	[tilespmem:s25], [sflag:$0x2] =	stream.linear.gather [hbm4b:s24+s6], $0x80, $0x38;
	[tilespmem:$0x16000] =	vst v63  }
0x6d: {  	s14 =	sadd.s32 $0x780, s14;
	s26 =	simm.s32 $0xCF80  }
0x6e: {  	[tilespmem:s26], [sflag:$0x2] =	stream.linear.gather [hbm4b:s14+s6], $0x80, $0x38;
	[tilespmem:$0x16000] =	vst v63  }
0x6f: {  	_ =	swait.ge [sflag:s0], $0x2000  }
0x70: {  	[sflag:s0] =	ssyncset.done $0x0  }
0x71: {  	[sflag:s0] =	ssyncadd.s32 $0xFFFFE000  }
0x72: {  	_ =	swait.ge [sflag:s0], $0x4000  }
0x73: {  	[sflag:s0] =	ssyncset.done $0x0  }
0x74: {  	[sflag:s0] =	ssyncadd.s32 $0xFFFFC000  }
0x75: {  	_ =	swait.ge [sflag:s0], $0x800  }
0x76: {  	p0 =	seq.s32 s17, $0x0;
	[sflag:s0] =	ssyncset.done $0x0  }
0x77: {  	s14 =	simm.s32 @!p0 $0x3;
	[sflag:s0] =	ssyncadd.s32 $0xFFFFF800  }
0x78: {  	_ =	swait.ge @!p0 [sflag:s14], $0x800  }
0x79: {  	s21 =	sshll.u32 s15, $0x9;
	[sflag:s14] =	ssyncset.done @!p0 $0x0  }
0x7a: {  	s23 =	sshrl.u32 s21, $0x2;
	[sflag:s14] =	ssyncadd.s32 @!p0 $0xFFFFF800  }
0x7b: {  	s22 =	simm.s32 $0x100;
	v7 =	vld [tilespmem:s23+$0xE000]  }
0x7c: {  	v8 =	vld [tilespmem:s22+$0xFFFFFF70]  }
0x7d: {  	v9 =	vld [tilespmem:s22+$0xFFFFFFF0]  }
0x7e: {  	v10 =	vld [tilespmem:s22+$0x70]  }
0x7f: {  	s25 =	simm.s32 $0x4200;
	v11 =	vld [tilespmem:s22+$0xF0]  }
0x80: {  	v12 =	vld [tilespmem:s25+$0xFFFFFE70]  }
0x81: {  	v13 =	vld [tilespmem:s25+$0xFFFFFEF0]  }
0x82: {  	v14 =	vld [tilespmem:s25+$0xFFFFFF70]  }
0x83: {  	v15 =	vld [tilespmem:s25+$0xFFFFFFF0]  }
0x84: {  	v16 =	vld [tilespmem:s25+$0x70]  }
0x85: {  	v17 =	vld [tilespmem:s25+$0xF0]  }
0x86: {  	v18 =	vld [tilespmem:s25+$0x170]  }
0x87: {  	v19 =	vld [tilespmem:s25+$0x1F0]  }
0x88: {  	v20 =	vld [tilespmem:s22+$0xFFFFFF00]  }
0x89: {  	v21 =	vld [tilespmem:s22+$0xFFFFFF80]  }
0x8a: {  	v22 =	vld [tilespmem:s22+$0x0]  }
0x8b: {  	s14 =	simm.s32 $0xC040;
	v23 =	vld [tilespmem:s22+$0x80]  }
0x8c: {  	v24 =	vld [tilespmem:s14+$0x30];
	v0 =	vbroadcast v7, $0x0;
	v1 =	vbroadcast v7, $0x1  }
0x8d: {  	v25 =	vld [tilespmem:s25+$0xFFFFFE00];
	v2 =	vbroadcast v7, $0x2;
	v3 =	vbroadcast v7, $0x3  }
0x8e: {  	v26 =	vld [tilespmem:s25+$0xFFFFFE80];
	v4 =	vbroadcast v7, $0x4;
	v5 =	vbroadcast v7, $0x5  }
0x8f: {  	v27 =	vld [tilespmem:s25+$0xFFFFFF00];
	v6 =	vbroadcast v7, $0x6;
	v7 =	vbroadcast v7, $0x7;
	v8 =	vsub.f32 $1.000000000e+00, v8  }
0x90: {  	v28 =	vld [tilespmem:s25+$0xFFFFFF80];
	v9 =	vsub.f32 $1.000000000e+00, v9;
	v12 =	vmul.f32 v12, v0;
	v13 =	vmul.f32 v13, v1  }
0x91: {  	v29 =	vld [tilespmem:s25+$0x0];
	v10 =	vsub.f32 $1.000000000e+00, v10;
	v14 =	vmul.f32 v14, v2;
	v15 =	vmul.f32 v15, v3  }
0x92: {  	v30 =	vld [tilespmem:s25+$0x180];
	v11 =	vsub.f32 $1.000000000e+00, v11;
	v16 =	vmul.f32 v16, v4;
	v17 =	vmul.f32 v17, v5  }
0x93: {  	v31 =	vld [tilespmem:s25+$0xFFFFFF50];
	v24 =	vsub.f32 $1.000000000e+00, v24;
	v18 =	vmul.f32 v18, v6;
	v19 =	vmul.f32 v19, v7  }
0x94: {  	v32 =	vld [tilespmem:s25+$0xFFFFFEE0];
	v8 =	vmul.f32 v9, v8;
	v9 =	vsub.f32 $1.000000000e+00, v12;
	v12 =	vsub.f32 $1.000000000e+00, v13  }
0x95: {  	v10 =	vmul.f32 v11, v10;
	v13 =	vld [tilespmem:s25+$0x80];
	v11 =	vsub.f32 $1.000000000e+00, v14;
	v14 =	vsub.f32 $1.000000000e+00, v15  }
0x96: {  	v15 =	vld [tilespmem:s25+$0x100];
	v16 =	vsub.f32 $1.000000000e+00, v16;
	v17 =	vsub.f32 $1.000000000e+00, v17  }
0x97: {  	v8 =	vmul.f32 v10, v8;
	v10 =	vsub.f32 $1.000000000e+00, v18;
	v18 =	vsub.f32 $1.000000000e+00, v19;
	v19 =	vld [tilespmem:s22+$0xFFFFFF10]  }
0x98: {  	v9 =	vmul.f32 v12, v9;
	v11 =	vmul.f32 v14, v11;
	v12 =	vld [tilespmem:s22+$0xFFFFFF90];
	v14 =	vsub.f32 $1.000000000e+00, v20  }
0x99: {  	v16 =	vmul.f32 v17, v16;
	v10 =	vmul.f32 v18, v10;
	v18 =	vld [tilespmem:s22+$0x10];
	v20 =	vsub.f32 $1.000000000e+00, v21  }
0x9a: {  	v8 =	vmul.f32 v8, v24;
	v21 =	vsub.f32 $1.000000000e+00, v22;
	v22 =	vld [tilespmem:s25+$0xFFFFFE10];
	v17 =	vmul.f32 v26, v1  }
0x9b: {  	v26 =	vld [tilespmem:s25+$0xFFFFFF10];
	v9 =	vmul.f32 v11, v9;
	v10 =	vmul.f32 v10, v16  }
0x9c: {  	v23 =	vsub.f32 $1.000000000e+00, v23;
	v24 =	vmul.f32 v27, v2;
	v27 =	vmul.f32 v29, v4;
	v11 =	vld [tilespmem:s22+$0x90]  }
0x9d: {  	v16 =	vmul.f32 v25, v0;
	v25 =	vld [tilespmem:s25+$0xFFFFFE90];
	v8 =	vsub.f32 $1.000000000e+00, v8;
	v9 =	vmul.f32 v10, v9  }
0x9e: {  	v29 =	vsub.f32 $1.000000000e+00, v17;
	v13 =	vmul.f32 v13, v5;
	v10 =	vmul.f32 v28, v3;
	v28 =	vld [tilespmem:s25+$0xFFFFFF90]  }
0x9f: {  	v24 =	vsub.f32 $1.000000000e+00, v24;
	v17 =	vmul.f32 v9, v8;
	v9 =	vmul.f32 v15, v6;
	v15 =	vld [tilespmem:s25+$0x10]  }
0xa0: {  	v19 =	vsub.f32 $1.000000000e+00, v19;
	v16 =	vsub.f32 $1.000000000e+00, v16;
	v8 =	vmul.f32 v20, v14;
	v14 =	vld [tilespmem:s25+$0x90]  }
0xa1: {  	v12 =	vsub.f32 $1.000000000e+00, v12;
	v18 =	vsub.f32 $1.000000000e+00, v18;
	v20 =	vmul.f32 v23, v21;
	v21 =	vld [tilespmem:s25+$0x110]  }
0xa2: {  	v30 =	vmul.f32 v30, v7;
	v13 =	vsub.f32 $1.000000000e+00, v13;
	v23 =	vsub.f32 $1.000000000e+00, v27;
	v27 =	vld [tilespmem:s25+$0x190]  }
0xa3: {  	v10 =	vsub.f32 $1.000000000e+00, v10;
	v12 =	vmul.f32 v12, v19;
	v19 =	vmul.f32 v22, v0;
	v22 =	vld [tilespmem:s22+$0xFFFFFFA0]  }
0xa4: {  	v16 =	vmul.f32 v29, v16;
	v11 =	vsub.f32 $1.000000000e+00, v11;
	v8 =	vmul.f32 v20, v8;
	v20 =	vld [tilespmem:s22+$0xFFFFFF20]  }
0xa5: {  	v29 =	vsub.f32 $1.000000000e+00, v30;
	v24 =	vmul.f32 v10, v24;
	v10 =	vmul.f32 v26, v2;
	v26 =	vld [tilespmem:s22+$0xA0]  }
0xa6: {  	v9 =	vsub.f32 $1.000000000e+00, v9;
	v11 =	vmul.f32 v11, v18;
	v18 =	vmul.f32 v25, v1;
	v25 =	vld [tilespmem:s22+$0x20]  }
0xa7: {  	v13 =	vmul.f32 v13, v23;
	v19 =	vsub.f32 $1.000000000e+00, v19;
	v23 =	vmul.f32 v28, v3;
	v28 =	vld [tilespmem:s25+$0xFFFFFE20]  }
0xa8: {  	v9 =	vmul.f32 v29, v9;
	v29 =	vld [tilespmem:s25+$0xFFFFFEA0];
	v30 =	vsub.f32 $1.000000000e+00, v10;
	v16 =	vmul.f32 v24, v16  }
0xa9: {  	v24 =	vld [tilespmem:s25+$0xA0];
	v18 =	vsub.f32 $1.000000000e+00, v18;
	v15 =	vmul.f32 v15, v4;
	v10 =	vmul.f32 v11, v12  }
0xaa: {  	v11 =	vmul.f32 v14, v5;
	v12 =	vld [tilespmem:s25+$0xFFFFFF20];
	v14 =	vsub.f32 $1.000000000e+00, v23;
	v21 =	vmul.f32 v21, v6  }
0xab: {  	v23 =	vld [tilespmem:s25+$0xFFFFFFA0];
	v9 =	vmul.f32 v9, v13;
	v15 =	vsub.f32 $1.000000000e+00, v15;
	v18 =	vmul.f32 v18, v19  }
0xac: {  	v11 =	vsub.f32 $1.000000000e+00, v11;
	v19 =	vmul.f32 v27, v7;
	v27 =	vld [tilespmem:s25+$0x20];
	v14 =	vmul.f32 v14, v30  }
0xad: {  	v22 =	vsub.f32 $1.000000000e+00, v22;
	v20 =	vsub.f32 $1.000000000e+00, v20;
	v30 =	vld [tilespmem:s25+$0xFFFFFFC0];
	v9 =	vmul.f32 v9, v16  }
0xae: {  	v21 =	vsub.f32 $1.000000000e+00, v21;
	v16 =	vld [tilespmem:s22+$0xFFFFFFB0];
	v11 =	vmul.f32 v11, v15;
	v13 =	vmul.f32 v14, v18  }
0xaf: {  	v19 =	vsub.f32 $1.000000000e+00, v19;
	v15 =	vld [tilespmem:s25+$0x120];
	v20 =	vmul.f32 v22, v20;
	v22 =	vmul.f32 v28, v0  }
0xb0: {  	v14 =	vld [tilespmem:s25+$0x1A0];
	v18 =	vsub.f32 $1.000000000e+00, v25;
	v24 =	vmul.f32 v24, v5;
	v28 =	vmul.f32 v12, v2  }
0xb1: {  	v25 =	vld [tilespmem:s22+$0xFFFFFF30];
	v23 =	vmul.f32 v23, v3;
	v19 =	vmul.f32 v19, v21;
	v21 =	vsub.f32 $1.000000000e+00, v26  }
0xb2: {  	v26 =	vmul.f32 v29, v1;
	v22 =	vsub.f32 $1.000000000e+00, v22;
	v24 =	vsub.f32 $1.000000000e+00, v24;
	v29 =	vld [tilespmem:s25+$0x30]  }
0xb3: {  	v27 =	vmul.f32 v27, v4;
	v23 =	vsub.f32 $1.000000000e+00, v23;
	v18 =	vmul.f32 v21, v18;
	v21 =	vld [tilespmem:s22+$0x30]  }
0xb4: {  	v11 =	vmul.f32 v19, v11;
	v19 =	vld [tilespmem:s22+$0xB0];
	v16 =	vsub.f32 $1.000000000e+00, v16;
	v15 =	vmul.f32 v15, v6  }
0xb5: {  	v27 =	vsub.f32 $1.000000000e+00, v27;
	v14 =	vmul.f32 v14, v7;
	v12 =	vmul.f32 v18, v20;
	v18 =	vld [tilespmem:s25+$0xFFFFFE30]  }
0xb6: {  	v20 =	vsub.f32 $1.000000000e+00, v26;
	v11 =	vmul.f32 v11, v13;
	v13 =	vld [tilespmem:s25+$0xFFFFFEB0];
	v26 =	vsub.f32 $1.000000000e+00, v28  }
0xb7: {  	v28 =	vld [tilespmem:s25+$0xFFFFFF30];
	v15 =	vsub.f32 $1.000000000e+00, v15;
	v14 =	vsub.f32 $1.000000000e+00, v14;
	v24 =	vmul.f32 v24, v27  }
0xb8: {  	v25 =	vsub.f32 $1.000000000e+00, v25;
	v27 =	vld [tilespmem:s25+$0x130];
	v20 =	vmul.f32 v20, v22;
	v23 =	vmul.f32 v23, v26  }
0xb9: {  	v22 =	vld [tilespmem:s25+$0xFFFFFFB0];
	v21 =	vsub.f32 $1.000000000e+00, v21;
	v19 =	vsub.f32 $1.000000000e+00, v19;
	v14 =	vmul.f32 v14, v15  }
0xba: {  	v26 =	vld [tilespmem:s25+$0xB0];
	v15 =	vmul.f32 v16, v25;
	v20 =	vmul.f32 v23, v20  }
0xbb: {  	v16 =	vld [tilespmem:s22+$0xFFFFFF40];
	v18 =	vmul.f32 v18, v0;
	v19 =	vmul.f32 v19, v21  }
0xbc: {  	v23 =	vld [tilespmem:s25+$0x1B0];
	v13 =	vmul.f32 v13, v1;
	v24 =	vmul.f32 v14, v24  }
0xbd: {  	v21 =	vld [tilespmem:s22+$0xFFFFFFC0];
	v28 =	vmul.f32 v28, v2;
	v18 =	vsub.f32 $1.000000000e+00, v18;
	v14 =	vmul.f32 v19, v15  }
0xbe: {  	v15 =	vld [tilespmem:s22+$0xC0];
	v19 =	vsub.f32 $1.000000000e+00, v13;
	v22 =	vmul.f32 v22, v3;
	v13 =	vmul.f32 v24, v20  }
0xbf: {  	v20 =	vld [tilespmem:s25+$0xFFFFFE40];
	v24 =	vsub.f32 $1.000000000e+00, v28;
	v28 =	vmul.f32 v29, v4;
	v26 =	vmul.f32 v26, v5  }
0xc0: {  	v25 =	vld [tilespmem:s22+$0x40];
	v22 =	vsub.f32 $1.000000000e+00, v22;
	v18 =	vmul.f32 v19, v18;
	v19 =	vmul.f32 v27, v6  }
0xc1: {  	v29 =	vld [tilespmem:s25+$0xFFFFFEC0];
	v28 =	vsub.f32 $1.000000000e+00, v28;
	v26 =	vsub.f32 $1.000000000e+00, v26;
	v23 =	vmul.f32 v23, v7  }
0xc2: {  	v16 =	vsub.f32 $1.000000000e+00, v16;
	v27 =	vld [tilespmem:s25+$0xFFFFFF40];
	v21 =	vsub.f32 $1.000000000e+00, v21;
	v22 =	vmul.f32 v22, v24  }
0xc3: {  	v19 =	vsub.f32 $1.000000000e+00, v19;
	v24 =	vld [tilespmem:s25+$0x40];
	v23 =	vsub.f32 $1.000000000e+00, v23;
	v26 =	vmul.f32 v26, v28  }
0xc4: {  	v28 =	vld [tilespmem:s25+$0xC0];
	v15 =	vsub.f32 $1.000000000e+00, v15;
	v16 =	vmul.f32 v21, v16;
	v20 =	vmul.f32 v20, v0  }
0xc5: {  	v21 =	vld [tilespmem:s25+$0x1C0];
	v18 =	vmul.f32 v22, v18;
	v22 =	vsub.f32 $1.000000000e+00, v25;
	v19 =	vmul.f32 v23, v19  }
0xc6: {  	v30 =	vmul.f32 v30, v3;
	v25 =	vld [tilespmem:s25+$0x140];
	v23 =	vmul.f32 v29, v1  }
0xc7: {  	v29 =	vld [tilespmem:s22+$0x50];
	v20 =	vsub.f32 $1.000000000e+00, v20;
	v15 =	vmul.f32 v15, v22;
	v19 =	vmul.f32 v19, v26  }
0xc8: {  	v27 =	vmul.f32 v27, v2;
	v22 =	vld [tilespmem:s22+$0xFFFFFF50];
	v23 =	vsub.f32 $1.000000000e+00, v23;
	v24 =	vmul.f32 v24, v4  }
0xc9: {  	v26 =	vld [tilespmem:s22+$0xFFFFFFD0];
	v16 =	vmul.f32 v15, v16;
	v15 =	vmul.f32 v19, v18  }
0xca: {  	v18 =	vld [tilespmem:s22+$0xD0];
	v19 =	vsub.f32 $1.000000000e+00, v27;
	v27 =	vmul.f32 v28, v5;
	v20 =	vmul.f32 v23, v20  }
0xcb: {  	v30 =	vsub.f32 $1.000000000e+00, v30;
	v28 =	vld [tilespmem:s25+$0xFFFFFE50];
	v21 =	vmul.f32 v21, v7;
	v23 =	vmul.f32 v25, v6  }
0xcc: {  	v25 =	vld [tilespmem:s25+$0xFFFFFED0];
	v24 =	vsub.f32 $1.000000000e+00, v24;
	v27 =	vsub.f32 $1.000000000e+00, v27  }
0xcd: {  	v19 =	vmul.f32 v30, v19;
	v30 =	vld [tilespmem:s25+$0xFFFFFFD0];
	v21 =	vsub.f32 $1.000000000e+00, v21;
	v23 =	vsub.f32 $1.000000000e+00, v23  }
0xce: {  	v22 =	vsub.f32 $1.000000000e+00, v22;
	v26 =	vsub.f32 $1.000000000e+00, v26;
	v24 =	vmul.f32 v27, v24;
	v27 =	vld [tilespmem:s25+$0x50]  }
0xcf: {  	v20 =	vmul.f32 v19, v20;
	v19 =	vsub.f32 $1.000000000e+00, v29;
	v29 =	vld [tilespmem:s25+$0xD0];
	v18 =	vsub.f32 $1.000000000e+00, v18  }
0xd0: {  	v21 =	vmul.f32 v21, v23;
	v22 =	vmul.f32 v26, v22;
	v23 =	vld [tilespmem:s25+$0x150]  }
0xd1: {  	v26 =	vmul.f32 v28, v0;
	v28 =	vld [tilespmem:s25+$0x1D0];
	v18 =	vmul.f32 v18, v19  }
0xd2: {  	v25 =	vmul.f32 v25, v1;
	v21 =	vmul.f32 v21, v24;
	v24 =	vld [tilespmem:s22+$0xFFFFFF60]  }
0xd3: {  	v31 =	vmul.f32 v31, v2;
	v26 =	vsub.f32 $1.000000000e+00, v26;
	v19 =	vmul.f32 v18, v22;
	v22 =	vld [tilespmem:s22+$0xFFFFFFE0]  }
0xd4: {  	v30 =	vmul.f32 v30, v3;
	v25 =	vsub.f32 $1.000000000e+00, v25;
	v18 =	vmul.f32 v21, v20;
	v20 =	vld [tilespmem:s22+$0x60]  }
0xd5: {  	v21 =	vsub.f32 $1.000000000e+00, v31;
	v27 =	vmul.f32 v27, v4;
	v29 =	vmul.f32 v29, v5;
	v31 =	vld [tilespmem:s22+$0xE0]  }
0xd6: {  	v33 =	vld [tilespmem:s14+$0xFFFFFFD0];
	v30 =	vsub.f32 $1.000000000e+00, v30;
	v25 =	vmul.f32 v25, v26;
	v23 =	vmul.f32 v23, v6  }
0xd7: {  	v26 =	vld [tilespmem:s25+$0xFFFFFE60];
	v28 =	vmul.f32 v28, v7;
	v27 =	vsub.f32 $1.000000000e+00, v27;
	v29 =	vsub.f32 $1.000000000e+00, v29  }
0xd8: {  	v21 =	vmul.f32 v30, v21;
	v30 =	vld [tilespmem:s25+$0xFFFFFF60];
	v23 =	vsub.f32 $1.000000000e+00, v23;
	v24 =	vsub.f32 $1.000000000e+00, v24  }
0xd9: {  	v28 =	vsub.f32 $1.000000000e+00, v28;
	v27 =	vmul.f32 v29, v27;
	v29 =	vld [tilespmem:s25+$0xFFFFFFE0];
	v22 =	vsub.f32 $1.000000000e+00, v22  }
0xda: {  	v25 =	vmul.f32 v21, v25;
	v20 =	vsub.f32 $1.000000000e+00, v20;
	v21 =	vsub.f32 $1.000000000e+00, v31;
	v31 =	vld [tilespmem:s25+$0x60]  }
0xdb: {  	v23 =	vmul.f32 v28, v23;
	v22 =	vmul.f32 v22, v24;
	v24 =	vld [tilespmem:s25+$0xE0]  }
0xdc: {  	v32 =	vmul.f32 v32, v1;
	v28 =	vld [tilespmem:s25+$0x160];
	v20 =	vmul.f32 v21, v20  }
0xdd: {  	v26 =	vmul.f32 v26, v0;
	v23 =	vmul.f32 v23, v27;
	v27 =	vld [tilespmem:s25+$0x1E0]  }
0xde: {  	v34 =	vld [tilespmem:s14+$0xFFFFFFE0];
	v32 =	vsub.f32 $1.000000000e+00, v32;
	v30 =	vmul.f32 v30, v2;
	v21 =	vmul.f32 v20, v22  }
0xdf: {  	v26 =	vsub.f32 $1.000000000e+00, v26;
	v29 =	vmul.f32 v29, v3;
	v20 =	vmul.f32 v23, v25  }
0xe0: {  	s24 =	sshll.u32 s17, $0xC;
	v30 =	vsub.f32 $1.000000000e+00, v30;
	v22 =	vld [tilespmem:s14+$0xFFFFFFF0];
	v23 =	vmul.f32 v31, v4;
	v31 =	vmul.f32 v24, v5  }
0xe1: {  	s16 =	sand.u32 $0x3000, s24;
	v25 =	vmul.f32 v32, v26;
	v28 =	vmul.f32 v28, v6;
	v29 =	vsub.f32 $1.000000000e+00, v29;
	v24 =	vld [tilespmem:s14+$0x0]  }
0xe2: {  	s24 =	simm.s32 $0x0;
	s26 =	sshll.u32 s15, $0xB;
	s15 =	sshll.u32 s17, $0x1;
	v35 =	vsub.f32 $1.000000000e+00, v23;
	v23 =	vld [tilespmem:s14+$0x10];
	v27 =	vmul.f32 v27, v7;
	v36 =	vsub.f32 $1.000000000e+00, v31  }
0xe3: {  	s21 =	sand.u32 $0xFFFC000, s26;
	s22 =	sshll.u32 s20, $0x4;
	s20 =	simm.s32 $0xD040;
	v26 =	vld [tilespmem:s14+$0x20];
	v32 =	vsub.f32 $1.000000000e+00, v34;
	v29 =	vmul.f32 v29, v30;
	v30 =	vsub.f32 $1.000000000e+00, v33  }
0xe4: {  	s26 =	simm.s32 $0x300;
	s16 =	sor.u32 s21, s16;
	s22 =	sand.u32 $0x70, s22;
	[tilespmem:s20+$0x30] =	vst v17;
	v17 =	vld [tilespmem:s14+$0xFFFFFFC0];
	v28 =	vsub.f32 $1.000000000e+00, v28;
	v31 =	vsub.f32 $1.000000000e+00, v27;
	v27 =	vmul.f32 v36, v35  }
.LBB2_3:
0xe5: {  	v33 =	vld [tilespmem:s26+$0xFFFFFF70];
	v10 =	vmul.f32 v10, v30;
	v22 =	vsub.f32 $1.000000000e+00, v22;
	v25 =	vmul.f32 v29, v25  }
0xe6: {  	v29 =	vld [tilespmem:s26+$0xFFFFFFF0];
	v12 =	vmul.f32 v12, v32;
	v24 =	vsub.f32 $1.000000000e+00, v24;
	v28 =	vmul.f32 v31, v28  }
0xe7: {  	v30 =	vld [tilespmem:s26+$0x70];
	v10 =	vsub.f32 $1.000000000e+00, v10;
	v14 =	vmul.f32 v14, v22;
	v22 =	vsub.f32 $1.000000000e+00, v23  }
0xe8: {  	s25 =	sadd.s32 $0x400, s25;
	v23 =	vld [tilespmem:s26+$0xF0];
	v16 =	vmul.f32 v16, v24;
	v24 =	vsub.f32 $1.000000000e+00, v26;
	v26 =	vmul.f32 v28, v27  }
0xe9: {  	v12 =	vsub.f32 $1.000000000e+00, v12;
	v27 =	vld [tilespmem:s25+$0xFFFFFE70];
	v17 =	vsub.f32 $1.000000000e+00, v17;
	v19 =	vmul.f32 v19, v22  }
0xea: {  	v14 =	vsub.f32 $1.000000000e+00, v14;
	v22 =	vld [tilespmem:s25+$0xFFFFFEF0];
	v16 =	vsub.f32 $1.000000000e+00, v16;
	v21 =	vmul.f32 v21, v24  }
0xeb: {  	v24 =	vld [tilespmem:s25+$0xFFFFFF70];
	v8 =	vmul.f32 v8, v17;
	v17 =	vsub.f32 $1.000000000e+00, v19;
	v19 =	vmul.f32 v26, v25  }
0xec: {  	v10 =	vmul.f32 v11, v10;
	v11 =	vmul.f32 v13, v12;
	v25 =	vld [tilespmem:s25+$0xFFFFFFF0];
	v12 =	vsub.f32 $1.000000000e+00, v21  }
0xed: {  	v14 =	vmul.f32 v15, v14;
	v15 =	vmul.f32 v18, v16;
	v13 =	vld [tilespmem:s25+$0x70];
	v8 =	vsub.f32 $1.000000000e+00, v8  }
0xee: {  	v16 =	vld [tilespmem:s25+$0xF0];
	[tilespmem:s20+$0xFFFFFFD0] =	vst v10;
	v10 =	vmul.f32 v20, v17;
	v12 =	vmul.f32 v19, v12  }
0xef: {  	v17 =	vld [tilespmem:s25+$0x170];
	v8 =	vmul.f32 v9, v8;
	[tilespmem:s20+$0xFFFFFFE0] =	vst v11  }
0xf0: {  	v9 =	vld [tilespmem:s25+$0x1F0];
	[tilespmem:s20+$0xFFFFFFF0] =	vst v14  }
0xf1: {  	v11 =	vld [tilespmem:s26+$0xFFFFFF00];
	[tilespmem:s20+$0xFFFFFFC0] =	vst v8  }
0xf2: {  	s24 =	sadd.s32 $0x80, s24;
	v18 =	vmul.f32 v27, v0;
	v19 =	vmul.f32 v22, v1;
	v14 =	vsub.f32 $1.000000000e+00, v33;
	v8 =	vld [tilespmem:s26+$0xFFFFFF80];
	[tilespmem:s20+$0x0] =	vst v15  }
0xf3: {  	p1 =	slt.u32 s24, $0x780;
	v20 =	vsub.f32 $1.000000000e+00, v29;
	v21 =	vmul.f32 v24, v2;
	v22 =	vmul.f32 v25, v3;
	v15 =	vld [tilespmem:s26+$0x0];
	[tilespmem:s20+$0x10] =	vst v10  }
0xf4: {  	s14 =	sadd.s32 $0x100, s14;
	v24 =	vsub.f32 $1.000000000e+00, v30;
	v13 =	vmul.f32 v13, v4;
	v16 =	vmul.f32 v16, v5;
	v10 =	vld [tilespmem:s26+$0x80];
	[tilespmem:s20+$0x20] =	vst v12  }
0xf5: {  	v23 =	vsub.f32 $1.000000000e+00, v23;
	v17 =	vmul.f32 v17, v6;
	v12 =	vld [tilespmem:s14+$0x30];
	v9 =	vmul.f32 v9, v7  }
0xf6: {  	v18 =	vsub.f32 $1.000000000e+00, v18;
	v19 =	vsub.f32 $1.000000000e+00, v19;
	v14 =	vmul.f32 v20, v14;
	v25 =	vld [tilespmem:s25+$0xFFFFFE00]  }
0xf7: {  	v23 =	vmul.f32 v23, v24;
	v21 =	vsub.f32 $1.000000000e+00, v21;
	v22 =	vsub.f32 $1.000000000e+00, v22;
	v20 =	vld [tilespmem:s25+$0xFFFFFE80]  }
0xf8: {  	v13 =	vsub.f32 $1.000000000e+00, v13;
	v16 =	vsub.f32 $1.000000000e+00, v16;
	v24 =	vld [tilespmem:s25+$0xFFFFFF00]  }
0xf9: {  	v14 =	vmul.f32 v23, v14;
	v17 =	vsub.f32 $1.000000000e+00, v17;
	v9 =	vsub.f32 $1.000000000e+00, v9;
	v26 =	vld [tilespmem:s25+$0xFFFFFF80]  }
0xfa: {  	v18 =	vmul.f32 v19, v18;
	v19 =	vmul.f32 v22, v21;
	v23 =	vld [tilespmem:s25+$0x0];
	v12 =	vsub.f32 $1.000000000e+00, v12  }
0xfb: {  	v11 =	vsub.f32 $1.000000000e+00, v11;
	v13 =	vmul.f32 v16, v13;
	v9 =	vmul.f32 v9, v17;
	v21 =	vld [tilespmem:s25+$0x80]  }
0xfc: {  	v8 =	vsub.f32 $1.000000000e+00, v8;
	v15 =	vsub.f32 $1.000000000e+00, v15;
	v16 =	vld [tilespmem:s25+$0x100];
	v12 =	vmul.f32 v14, v12  }
0xfd: {  	v10 =	vsub.f32 $1.000000000e+00, v10;
	v17 =	vmul.f32 v19, v18;
	v9 =	vmul.f32 v9, v13;
	v14 =	vld [tilespmem:s25+$0x180]  }
0xfe: {  	v13 =	vmul.f32 v25, v0;
	v18 =	vmul.f32 v20, v1;
	v19 =	vld [tilespmem:s26+$0xFFFFFF10]  }
0xff: {  	v20 =	vmul.f32 v24, v2;
	v9 =	vmul.f32 v9, v17;
	v12 =	vsub.f32 $1.000000000e+00, v12;
	v22 =	vld [tilespmem:s26+$0xFFFFFF90]  }
0x100: {  	v13 =	vsub.f32 $1.000000000e+00, v13;
	v17 =	vmul.f32 v26, v3;
	v23 =	vmul.f32 v23, v4;
	v24 =	vld [tilespmem:s26+$0x10]  }
0x101: {  	v18 =	vsub.f32 $1.000000000e+00, v18;
	v21 =	vmul.f32 v21, v5;
	v9 =	vmul.f32 v9, v12;
	v25 =	vld [tilespmem:s26+$0x90]  }
0x102: {  	s20 =	sadd.s32 $0x100, s20;
	v12 =	vsub.f32 $1.000000000e+00, v20;
	v16 =	vmul.f32 v16, v6;
	v14 =	vmul.f32 v14, v7;
	v20 =	vld [tilespmem:s25+$0xFFFFFE10]  }
0x103: {  	v8 =	vmul.f32 v8, v11;
	v10 =	vmul.f32 v10, v15;
	v11 =	vsub.f32 $1.000000000e+00, v19;
	v15 =	vld [tilespmem:s25+$0xFFFFFE90];
	[tilespmem:s20+$0x30] =	vst v9  }
0x104: {  	v13 =	vmul.f32 v18, v13;
	v9 =	vsub.f32 $1.000000000e+00, v17;
	v17 =	vsub.f32 $1.000000000e+00, v22;
	v18 =	vld [tilespmem:s25+$0xFFFFFF10]  }
0x105: {  	v8 =	vmul.f32 v10, v8;
	v10 =	vsub.f32 $1.000000000e+00, v23;
	v19 =	vsub.f32 $1.000000000e+00, v24;
	v22 =	vld [tilespmem:s25+$0xFFFFFF90]  }
0x106: {  	v21 =	vsub.f32 $1.000000000e+00, v21;
	v11 =	vmul.f32 v17, v11;
	v17 =	vsub.f32 $1.000000000e+00, v25;
	v23 =	vld [tilespmem:s25+$0x10]  }
0x107: {  	v16 =	vsub.f32 $1.000000000e+00, v16;
	v14 =	vsub.f32 $1.000000000e+00, v14;
	v20 =	vmul.f32 v20, v0;
	v24 =	vld [tilespmem:s25+$0x90]  }
0x108: {  	v17 =	vmul.f32 v17, v19;
	v15 =	vmul.f32 v15, v1;
	v19 =	vld [tilespmem:s25+$0x110]  }
0x109: {  	v9 =	vmul.f32 v9, v12;
	v12 =	vsub.f32 $1.000000000e+00, v20;
	v18 =	vmul.f32 v18, v2;
	v20 =	vld [tilespmem:s25+$0x190]  }
0x10a: {  	v21 =	vmul.f32 v21, v10;
	v15 =	vsub.f32 $1.000000000e+00, v15;
	v22 =	vmul.f32 v22, v3;
	v25 =	vld [tilespmem:s26+$0xFFFFFF20]  }
0x10b: {  	v14 =	vmul.f32 v14, v16;
	v16 =	vsub.f32 $1.000000000e+00, v18;
	v18 =	vmul.f32 v23, v4;
	v23 =	vld [tilespmem:s26+$0xFFFFFFA0]  }
0x10c: {  	v10 =	vmul.f32 v17, v11;
	v11 =	vsub.f32 $1.000000000e+00, v22;
	v17 =	vmul.f32 v24, v5;
	v22 =	vld [tilespmem:s26+$0x20]  }
0x10d: {  	v12 =	vmul.f32 v15, v12;
	v18 =	vsub.f32 $1.000000000e+00, v18;
	v19 =	vmul.f32 v19, v6;
	v15 =	vld [tilespmem:s26+$0xA0]  }
0x10e: {  	v17 =	vsub.f32 $1.000000000e+00, v17;
	v20 =	vmul.f32 v20, v7;
	v11 =	vmul.f32 v11, v16;
	v16 =	vld [tilespmem:s25+$0xFFFFFE20]  }
0x10f: {  	v9 =	vmul.f32 v9, v13;
	v13 =	vsub.f32 $1.000000000e+00, v19;
	v19 =	vsub.f32 $1.000000000e+00, v25;
	v24 =	vld [tilespmem:s25+$0xFFFFFEA0]  }
0x110: {  	v20 =	vsub.f32 $1.000000000e+00, v20;
	v17 =	vmul.f32 v17, v18;
	v18 =	vsub.f32 $1.000000000e+00, v23;
	v23 =	vld [tilespmem:s25+$0xFFFFFF20]  }
0x111: {  	v14 =	vmul.f32 v14, v21;
	v11 =	vmul.f32 v11, v12;
	v12 =	vsub.f32 $1.000000000e+00, v22;
	v21 =	vld [tilespmem:s25+$0xFFFFFFA0]  }
0x112: {  	v13 =	vmul.f32 v20, v13;
	v18 =	vmul.f32 v18, v19;
	v15 =	vsub.f32 $1.000000000e+00, v15;
	v19 =	vld [tilespmem:s25+$0x20]  }
0x113: {  	v9 =	vmul.f32 v14, v9;
	v14 =	vmul.f32 v16, v0;
	v16 =	vld [tilespmem:s25+$0xA0]  }
0x114: {  	v12 =	vmul.f32 v15, v12;
	v15 =	vmul.f32 v24, v1;
	v20 =	vld [tilespmem:s25+$0x120]  }
0x115: {  	v13 =	vmul.f32 v13, v17;
	v14 =	vsub.f32 $1.000000000e+00, v14;
	v17 =	vmul.f32 v23, v2;
	v22 =	vld [tilespmem:s25+$0x1A0]  }
0x116: {  	v12 =	vmul.f32 v12, v18;
	v15 =	vsub.f32 $1.000000000e+00, v15;
	v18 =	vmul.f32 v21, v3;
	v21 =	vld [tilespmem:s26+$0xFFFFFF30]  }
0x117: {  	v11 =	vmul.f32 v13, v11;
	v13 =	vsub.f32 $1.000000000e+00, v17;
	v17 =	vmul.f32 v19, v4;
	v19 =	vld [tilespmem:s26+$0xFFFFFFB0]  }
0x118: {  	v18 =	vsub.f32 $1.000000000e+00, v18;
	v16 =	vmul.f32 v16, v5;
	v14 =	vmul.f32 v15, v14;
	v15 =	vld [tilespmem:s26+$0x30]  }
0x119: {  	v17 =	vsub.f32 $1.000000000e+00, v17;
	v20 =	vmul.f32 v20, v6;
	v23 =	vld [tilespmem:s26+$0xB0]  }
0x11a: {  	v16 =	vsub.f32 $1.000000000e+00, v16;
	v22 =	vmul.f32 v22, v7;
	v13 =	vmul.f32 v18, v13;
	v18 =	vld [tilespmem:s25+$0xFFFFFE30]  }
0x11b: {  	v20 =	vsub.f32 $1.000000000e+00, v20;
	v21 =	vsub.f32 $1.000000000e+00, v21;
	v24 =	vld [tilespmem:s25+$0xFFFFFEB0]  }
0x11c: {  	v22 =	vsub.f32 $1.000000000e+00, v22;
	v16 =	vmul.f32 v16, v17;
	v17 =	vsub.f32 $1.000000000e+00, v19;
	v19 =	vld [tilespmem:s25+$0xFFFFFF30]  }
0x11d: {  	v13 =	vmul.f32 v13, v14;
	v14 =	vsub.f32 $1.000000000e+00, v15;
	v15 =	vld [tilespmem:s25+$0xFFFFFFB0]  }
0x11e: {  	v20 =	vmul.f32 v22, v20;
	v17 =	vmul.f32 v17, v21;
	v21 =	vsub.f32 $1.000000000e+00, v23;
	v22 =	vld [tilespmem:s25+$0x30]  }
0x11f: {  	v18 =	vmul.f32 v18, v0;
	v23 =	vld [tilespmem:s25+$0xB0]  }
0x120: {  	v14 =	vmul.f32 v21, v14;
	v21 =	vmul.f32 v24, v1;
	v24 =	vld [tilespmem:s25+$0x130]  }
0x121: {  	v16 =	vmul.f32 v20, v16;
	v18 =	vsub.f32 $1.000000000e+00, v18;
	v19 =	vmul.f32 v19, v2;
	v20 =	vld [tilespmem:s25+$0x1B0]  }
0x122: {  	v14 =	vmul.f32 v14, v17;
	v17 =	vsub.f32 $1.000000000e+00, v21;
	v15 =	vmul.f32 v15, v3;
	v21 =	vld [tilespmem:s26+$0xFFFFFF40]  }
0x123: {  	v13 =	vmul.f32 v16, v13;
	v16 =	vsub.f32 $1.000000000e+00, v19;
	v19 =	vmul.f32 v22, v4;
	v22 =	vld [tilespmem:s26+$0xFFFFFFC0]  }
0x124: {  	v15 =	vsub.f32 $1.000000000e+00, v15;
	v23 =	vmul.f32 v23, v5;
	v17 =	vmul.f32 v17, v18;
	v18 =	vld [tilespmem:s26+$0x40]  }
0x125: {  	v19 =	vsub.f32 $1.000000000e+00, v19;
	v24 =	vmul.f32 v24, v6;
	v25 =	vld [tilespmem:s26+$0xC0]  }
0x126: {  	v23 =	vsub.f32 $1.000000000e+00, v23;
	v20 =	vmul.f32 v20, v7;
	v15 =	vmul.f32 v15, v16;
	v16 =	vld [tilespmem:s25+$0xFFFFFE40]  }
0x127: {  	v24 =	vsub.f32 $1.000000000e+00, v24;
	v21 =	vsub.f32 $1.000000000e+00, v21;
	v26 =	vld [tilespmem:s25+$0xFFFFFEC0]  }
0x128: {  	v20 =	vsub.f32 $1.000000000e+00, v20;
	v19 =	vmul.f32 v23, v19;
	v22 =	vsub.f32 $1.000000000e+00, v22;
	v23 =	vld [tilespmem:s25+$0xFFFFFF40]  }
0x129: {  	v15 =	vmul.f32 v15, v17;
	v17 =	vsub.f32 $1.000000000e+00, v18;
	v18 =	vld [tilespmem:s25+$0xFFFFFFC0]  }
0x12a: {  	v20 =	vmul.f32 v20, v24;
	v21 =	vmul.f32 v22, v21;
	v22 =	vsub.f32 $1.000000000e+00, v25;
	v24 =	vld [tilespmem:s25+$0x40]  }
0x12b: {  	v16 =	vmul.f32 v16, v0;
	v25 =	vld [tilespmem:s25+$0xC0]  }
0x12c: {  	v17 =	vmul.f32 v22, v17;
	v22 =	vmul.f32 v26, v1;
	v26 =	vld [tilespmem:s25+$0x140]  }
0x12d: {  	v19 =	vmul.f32 v20, v19;
	v20 =	vsub.f32 $1.000000000e+00, v16;
	v23 =	vmul.f32 v23, v2;
	v27 =	vld [tilespmem:s25+$0x1C0]  }
0x12e: {  	v16 =	vmul.f32 v17, v21;
	v17 =	vsub.f32 $1.000000000e+00, v22;
	v18 =	vmul.f32 v18, v3;
	v21 =	vld [tilespmem:s26+$0xFFFFFF50]  }
0x12f: {  	v15 =	vmul.f32 v19, v15;
	v19 =	vsub.f32 $1.000000000e+00, v23;
	v22 =	vmul.f32 v24, v4;
	v23 =	vld [tilespmem:s26+$0xFFFFFFD0]  }
0x130: {  	v18 =	vsub.f32 $1.000000000e+00, v18;
	v24 =	vmul.f32 v25, v5;
	v17 =	vmul.f32 v17, v20;
	v20 =	vld [tilespmem:s26+$0x50]  }
0x131: {  	v22 =	vsub.f32 $1.000000000e+00, v22;
	v25 =	vmul.f32 v26, v6;
	v26 =	vld [tilespmem:s26+$0xD0]  }
0x132: {  	v24 =	vsub.f32 $1.000000000e+00, v24;
	v27 =	vmul.f32 v27, v7;
	v18 =	vmul.f32 v18, v19;
	v19 =	vld [tilespmem:s25+$0xFFFFFE50]  }
0x133: {  	v25 =	vsub.f32 $1.000000000e+00, v25;
	v21 =	vsub.f32 $1.000000000e+00, v21;
	v28 =	vld [tilespmem:s25+$0xFFFFFED0]  }
0x134: {  	v27 =	vsub.f32 $1.000000000e+00, v27;
	v22 =	vmul.f32 v24, v22;
	v23 =	vsub.f32 $1.000000000e+00, v23;
	v24 =	vld [tilespmem:s25+$0xFFFFFF50]  }
0x135: {  	v17 =	vmul.f32 v18, v17;
	v18 =	vsub.f32 $1.000000000e+00, v20;
	v20 =	vld [tilespmem:s25+$0xFFFFFFD0]  }
0x136: {  	v25 =	vmul.f32 v27, v25;
	v21 =	vmul.f32 v23, v21;
	v23 =	vsub.f32 $1.000000000e+00, v26;
	v26 =	vld [tilespmem:s25+$0x50]  }
0x137: {  	v19 =	vmul.f32 v19, v0;
	v27 =	vld [tilespmem:s25+$0xD0]  }
0x138: {  	v18 =	vmul.f32 v23, v18;
	v23 =	vmul.f32 v28, v1;
	v28 =	vld [tilespmem:s25+$0x150]  }
0x139: {  	v22 =	vmul.f32 v25, v22;
	v25 =	vsub.f32 $1.000000000e+00, v19;
	v24 =	vmul.f32 v24, v2;
	v29 =	vld [tilespmem:s25+$0x1D0]  }
0x13a: {  	v19 =	vmul.f32 v18, v21;
	v21 =	vsub.f32 $1.000000000e+00, v23;
	v20 =	vmul.f32 v20, v3;
	v23 =	vld [tilespmem:s26+$0xFFFFFF60]  }
0x13b: {  	v18 =	vmul.f32 v22, v17;
	v17 =	vsub.f32 $1.000000000e+00, v24;
	v22 =	vmul.f32 v26, v4;
	v24 =	vld [tilespmem:s26+$0xFFFFFFE0]  }
0x13c: {  	v20 =	vsub.f32 $1.000000000e+00, v20;
	v26 =	vmul.f32 v27, v5;
	v21 =	vmul.f32 v21, v25;
	v25 =	vld [tilespmem:s26+$0x60]  }
0x13d: {  	v22 =	vsub.f32 $1.000000000e+00, v22;
	v27 =	vmul.f32 v28, v6;
	v28 =	vld [tilespmem:s26+$0xE0]  }
0x13e: {  	v26 =	vsub.f32 $1.000000000e+00, v26;
	v29 =	vmul.f32 v29, v7;
	v17 =	vmul.f32 v20, v17;
	v20 =	vld [tilespmem:s25+$0xFFFFFE60]  }
0x13f: {  	v27 =	vsub.f32 $1.000000000e+00, v27;
	v23 =	vsub.f32 $1.000000000e+00, v23;
	v30 =	vld [tilespmem:s25+$0xFFFFFEE0]  }
0x140: {  	v29 =	vsub.f32 $1.000000000e+00, v29;
	v22 =	vmul.f32 v26, v22;
	v24 =	vsub.f32 $1.000000000e+00, v24;
	v26 =	vld [tilespmem:s25+$0xFFFFFF60]  }
0x141: {  	v17 =	vmul.f32 v17, v21;
	v21 =	vsub.f32 $1.000000000e+00, v25;
	v25 =	vld [tilespmem:s25+$0xFFFFFFE0]  }
0x142: {  	v27 =	vmul.f32 v29, v27;
	v23 =	vmul.f32 v24, v23;
	v24 =	vsub.f32 $1.000000000e+00, v28;
	v28 =	vld [tilespmem:s25+$0x60]  }
0x143: {  	v20 =	vmul.f32 v20, v0;
	v29 =	vld [tilespmem:s25+$0xE0]  }
0x144: {  	v21 =	vmul.f32 v24, v21;
	v24 =	vmul.f32 v30, v1;
	v30 =	vld [tilespmem:s25+$0x160]  }
0x145: {  	v22 =	vmul.f32 v27, v22;
	v27 =	vsub.f32 $1.000000000e+00, v20;
	v26 =	vmul.f32 v26, v2;
	v31 =	vld [tilespmem:s25+$0x1E0]  }
0x146: {  	v32 =	vld [tilespmem:s14+$0xFFFFFFD0];
	v21 =	vmul.f32 v21, v23;
	v23 =	vsub.f32 $1.000000000e+00, v24;
	v24 =	vmul.f32 v25, v3  }
0x147: {  	v20 =	vmul.f32 v22, v17;
	v33 =	vld [tilespmem:s14+$0xFFFFFFE0];
	v17 =	vsub.f32 $1.000000000e+00, v26;
	v26 =	vmul.f32 v28, v4  }
.Ltmp0:
0x148: {  	v22 =	vld [tilespmem:s14+$0xFFFFFFF0];
	v28 =	vsub.f32 $1.000000000e+00, v24;
	v29 =	vmul.f32 v29, v5;
	v25 =	vmul.f32 v23, v27;
	(pc) =	sbr.rel @p1 .LBB2_3-.Ltmp0, $4  }
0x149: {  	v24 =	vld [tilespmem:s14+$0x0];
	v27 =	vsub.f32 $1.000000000e+00, v26;
	v34 =	vmul.f32 v30, v6  }
0x14a: {  	v23 =	vld [tilespmem:s14+$0x10];
	v35 =	vsub.f32 $1.000000000e+00, v29;
	v31 =	vmul.f32 v31, v7;
	v29 =	vmul.f32 v28, v17  }
0x14b: {  	v30 =	vsub.f32 $1.000000000e+00, v32;
	v26 =	vld [tilespmem:s14+$0x20];
	v28 =	vsub.f32 $1.000000000e+00, v34  }
0x14c: {  	s26 =	sadd.s32 $0x200, s26;
	v17 =	vld [tilespmem:s14+$0xFFFFFFC0];
	v32 =	vsub.f32 $1.000000000e+00, v33;
	v31 =	vsub.f32 $1.000000000e+00, v31;
	v27 =	vmul.f32 v35, v27  }
0x14d: {  	v0 =	vmul.f32 v10, v30;
	v1 =	vsub.f32 $1.000000000e+00, v22  }
0x14e: {  	v2 =	vmul.f32 v29, v25;
	v3 =	vmul.f32 v12, v32;
	v4 =	vsub.f32 $1.000000000e+00, v24  }
0x14f: {  	v5 =	vmul.f32 v31, v28;
	v0 =	vsub.f32 $1.000000000e+00, v0;
	v1 =	vmul.f32 v14, v1  }
0x150: {  	v7 =	vsub.f32 $1.000000000e+00, v23;
	v4 =	vmul.f32 v16, v4;
	v59 =	vsub.f32 $1.000000000e+00, v26  }
0x151: {  	v3 =	vsub.f32 $1.000000000e+00, v3;
	v5 =	vmul.f32 v5, v27;
	v6 =	vsub.f32 $1.000000000e+00, v17  }
0x152: {  	v1 =	vsub.f32 $1.000000000e+00, v1;
	v0 =	vmul.f32 v11, v0;
	v7 =	vmul.f32 v19, v7  }
0x153: {  	v3 =	vmul.f32 v13, v3;
	v4 =	vsub.f32 $1.000000000e+00, v4;
	v60 =	vmul.f32 v21, v59  }
0x154: {  	v6 =	vmul.f32 v8, v6;
	v1 =	vmul.f32 v15, v1;
	[tilespmem:s20+$0xFFFFFFD0] =	vst v0;
	v61 =	vsub.f32 $1.000000000e+00, v7  }
0x155: {  	v2 =	vmul.f32 v5, v2;
	[tilespmem:s20+$0xFFFFFFE0] =	vst v3;
	v62 =	vsub.f32 $1.000000000e+00, v60;
	v4 =	vmul.f32 v18, v4  }
0x156: {  	v6 =	vsub.f32 $1.000000000e+00, v6;
	[tilespmem:s20+$0xFFFFFFF0] =	vst v1;
	v0 =	vmul.f32 v20, v61  }
0x157: {  	v63 =	vmul.f32 v2, v62;
	[tilespmem:s20+$0x0] =	vst v4  }
0x158: {  	s14 =	rddreg [dreg:$0x4];
	v6 =	vmul.f32 v9, v6;
	[tilespmem:s20+$0x10] =	vst v0  }
0x159: {  	s25 =	sadd.s32 s14, s22;
	[tilespmem:s20+$0x20] =	vst v63  }
0x15a: {  	s22 =	simm.s32 $0xD000;
	s14 =	sadd.s32 s16, s25;
	[tilespmem:s20+$0xFFFFFFC0] =	vst v6  }
0x15b: {  	[hbm4b:s14+s6] =	stream.linear.scatter [tilespmem:s22], [sflag:$0x3], $0x80, $0x38;
	[tilespmem:$0x16000] =	vst v63  }
0x15c: {  	s26 =	simm.s32 $0xD100;
	s24 =	sadd.s32 $0x80, s14  }
0x15d: {  	[hbm4b:s24+s6] =	stream.linear.scatter [tilespmem:s26], [sflag:$0x3], $0x80, $0x38;
	[tilespmem:$0x16000] =	vst v63  }
0x15e: {  	s20 =	sadd.s32 $0x100, s14;
	s22 =	simm.s32 $0xD200  }
0x15f: {  	[hbm4b:s20+s6] =	stream.linear.scatter [tilespmem:s22], [sflag:$0x3], $0x80, $0x38;
	[tilespmem:$0x16000] =	vst v63  }
0x160: {  	s24 =	sadd.s32 $0x180, s14;
	s26 =	simm.s32 $0xD300  }
0x161: {  	[hbm4b:s24+s6] =	stream.linear.scatter [tilespmem:s26], [sflag:$0x3], $0x80, $0x38;
	[tilespmem:$0x16000] =	vst v63  }
0x162: {  	s20 =	sadd.s32 $0x200, s14;
	s22 =	simm.s32 $0xD400  }
0x163: {  	[hbm4b:s20+s6] =	stream.linear.scatter [tilespmem:s22], [sflag:$0x3], $0x80, $0x38;
	[tilespmem:$0x16000] =	vst v63  }
0x164: {  	s24 =	sadd.s32 $0x280, s14;
	s26 =	simm.s32 $0xD500  }
0x165: {  	[hbm4b:s24+s6] =	stream.linear.scatter [tilespmem:s26], [sflag:$0x3], $0x80, $0x38;
	[tilespmem:$0x16000] =	vst v63  }
0x166: {  	s20 =	sadd.s32 $0x300, s14;
	s22 =	simm.s32 $0xD600  }
0x167: {  	[hbm4b:s20+s6] =	stream.linear.scatter [tilespmem:s22], [sflag:$0x3], $0x80, $0x38;
	[tilespmem:$0x16000] =	vst v63  }
0x168: {  	s24 =	sadd.s32 $0x380, s14;
	s26 =	simm.s32 $0xD700  }
0x169: {  	[hbm4b:s24+s6] =	stream.linear.scatter [tilespmem:s26], [sflag:$0x3], $0x80, $0x38;
	[tilespmem:$0x16000] =	vst v63  }
0x16a: {  	s20 =	sadd.s32 $0x400, s14;
	s22 =	simm.s32 $0xD800  }
0x16b: {  	[hbm4b:s20+s6] =	stream.linear.scatter [tilespmem:s22], [sflag:$0x3], $0x80, $0x38;
	[tilespmem:$0x16000] =	vst v63  }
0x16c: {  	s24 =	sadd.s32 $0x480, s14;
	s26 =	simm.s32 $0xD900  }
0x16d: {  	[hbm4b:s24+s6] =	stream.linear.scatter [tilespmem:s26], [sflag:$0x3], $0x80, $0x38;
	[tilespmem:$0x16000] =	vst v63  }
0x16e: {  	s20 =	sadd.s32 $0x500, s14;
	s22 =	simm.s32 $0xDA00  }
0x16f: {  	[hbm4b:s20+s6] =	stream.linear.scatter [tilespmem:s22], [sflag:$0x3], $0x80, $0x38;
	[tilespmem:$0x16000] =	vst v63  }
0x170: {  	s24 =	sadd.s32 $0x580, s14;
	s26 =	simm.s32 $0xDB00  }
0x171: {  	[hbm4b:s24+s6] =	stream.linear.scatter [tilespmem:s26], [sflag:$0x3], $0x80, $0x38;
	[tilespmem:$0x16000] =	vst v63  }
0x172: {  	s20 =	sadd.s32 $0x600, s14;
	s22 =	simm.s32 $0xDC00  }
0x173: {  	[hbm4b:s20+s6] =	stream.linear.scatter [tilespmem:s22], [sflag:$0x3], $0x80, $0x38;
	[tilespmem:$0x16000] =	vst v63  }
0x174: {  	p1 =	seq.s32 s17, $0xF;
	s24 =	sadd.s32 $0x680, s14;
	s26 =	simm.s32 $0xDD00  }
0x175: {  	[hbm4b:s24+s6] =	stream.linear.scatter [tilespmem:s26], [sflag:$0x3], $0x80, $0x38;
	[tilespmem:$0x16000] =	vst v63  }
.Ltmp1:
0x176: {  	_ = 	snop;
	(pc) =	sbr.rel @p1 .LBB2_6-.Ltmp1, $4  }
0x177: {  	s22 =	sadd.s32 $0x700, s14;
	s24 =	simm.s32 $0xDE00  }
0x178: {  	[hbm4b:s22+s6] =	stream.linear.scatter [tilespmem:s24], [sflag:$0x3], $0x80, $0x38;
	[tilespmem:$0x16000] =	vst v63  }
0x179: {  	s14 =	sadd.s32 $0x780, s14;
	s26 =	simm.s32 $0xDF00  }
0x17a: {  	[hbm4b:s14+s6] =	stream.linear.scatter [tilespmem:s26], [sflag:$0x3], $0x80, $0x38;
	[tilespmem:$0x16000] =	vst v63  }
0x17b: {  	s14 =	sadd.s32 $0x2, s15  }
0x17c: {  	s15 =	sshrl.u32 s14, $0x3;
	s14 =	sshll.u32 s14, $0x4  }
0x17d: {  	s15 =	sadd.s32 s7, s15;
	s14 =	sand.u32 $0x60, s14  }
0x17e: {  	s16 =	sadd.s32 $0x80, s15;
	s20 =	sshll.u32 s14, $0x6  }
0x17f: {  	s14 =	sshll.u32 s14, $0xA;
	s15 =	sshll.u32 s15, $0x7;
	s22 =	sshll.u32 s16, $0xD  }
0x180: {  	s20 =	sadd.s32 s1, s20;
	s24 =	sshll.u32 s16, $0x11;
	s16 =	sshll.u32 s16, $0xE  }
0x181: {  	s15 =	sand.u32 $0x380, s15;
	s20 =	sadd.s32 s22, s20;
	s16 =	sand.u32 $0x7FFE0000, s16  }
0x182: {  	[tilespmem:s6], [sflag:$0x1] =	stream.linear.gather [hbm4b:s20+s6], $0x2000, $0x38;
	[tilespmem:$0x16000] =	vst v63  }
0x183: {  	s20 =	sor.u32 s14, s24;
	s15 =	sor.u32 s16, s15  }
0x184: {  	s20 =	sshrl.u32 s20, $0x3;
	s14 =	sor.u32 s14, s15  }
0x185: {  	s26 =	simm.s32 $0x4000;
	s20 =	sadd.s32 s2, s20;
	s14 =	sshrl.u32 s14, $0x3  }
0x186: {  	[tilespmem:s26], [sflag:$0x1] =	stream.linear.gather [hbm4b:s20+s6], $0x4000, $0x38;
	[tilespmem:$0x16000] =	vst v63  }
0x187: {  	s16 =	simm.s32 $0xC000;
	s14 =	sadd.s32 s4, s14  }
0x188: {  	[tilespmem:s16], [sflag:$0x1] =	stream.linear.gather [hbm4b:s14+s6], $0x80, $0x38;
	[tilespmem:$0x16000] =	vst v63  }
0x189: {  	s22 =	simm.s32 $0xC100;
	s20 =	sadd.s32 $0x80, s14  }
0x18a: {  	[tilespmem:s22], [sflag:$0x1] =	stream.linear.gather [hbm4b:s20+s6], $0x80, $0x38;
	[tilespmem:$0x16000] =	vst v63  }
0x18b: {  	s26 =	simm.s32 $0xC200;
	s24 =	sadd.s32 $0x100, s14  }
0x18c: {  	[tilespmem:s26], [sflag:$0x1] =	stream.linear.gather [hbm4b:s24+s6], $0x80, $0x38;
	[tilespmem:$0x16000] =	vst v63  }
0x18d: {  	s20 =	sadd.s32 $0x180, s14;
	s22 =	simm.s32 $0xC300  }
0x18e: {  	[tilespmem:s22], [sflag:$0x1] =	stream.linear.gather [hbm4b:s20+s6], $0x80, $0x38;
	[tilespmem:$0x16000] =	vst v63  }
0x18f: {  	s24 =	sadd.s32 $0x200, s14;
	s26 =	simm.s32 $0xC400  }
0x190: {  	[tilespmem:s26], [sflag:$0x1] =	stream.linear.gather [hbm4b:s24+s6], $0x80, $0x38;
	[tilespmem:$0x16000] =	vst v63  }
0x191: {  	s20 =	sadd.s32 $0x280, s14;
	s22 =	simm.s32 $0xC500  }
0x192: {  	[tilespmem:s22], [sflag:$0x1] =	stream.linear.gather [hbm4b:s20+s6], $0x80, $0x38;
	[tilespmem:$0x16000] =	vst v63  }
0x193: {  	s24 =	sadd.s32 $0x300, s14;
	s26 =	simm.s32 $0xC600  }
0x194: {  	[tilespmem:s26], [sflag:$0x1] =	stream.linear.gather [hbm4b:s24+s6], $0x80, $0x38;
	[tilespmem:$0x16000] =	vst v63  }
0x195: {  	s20 =	sadd.s32 $0x380, s14;
	s22 =	simm.s32 $0xC700  }
0x196: {  	[tilespmem:s22], [sflag:$0x1] =	stream.linear.gather [hbm4b:s20+s6], $0x80, $0x38;
	[tilespmem:$0x16000] =	vst v63  }
0x197: {  	s24 =	sadd.s32 $0x400, s14;
	s26 =	simm.s32 $0xC800  }
0x198: {  	[tilespmem:s26], [sflag:$0x1] =	stream.linear.gather [hbm4b:s24+s6], $0x80, $0x38;
	[tilespmem:$0x16000] =	vst v63  }
0x199: {  	s20 =	sadd.s32 $0x480, s14;
	s22 =	simm.s32 $0xC900  }
0x19a: {  	[tilespmem:s22], [sflag:$0x1] =	stream.linear.gather [hbm4b:s20+s6], $0x80, $0x38;
	[tilespmem:$0x16000] =	vst v63  }
0x19b: {  	s24 =	sadd.s32 $0x500, s14;
	s26 =	simm.s32 $0xCA00  }
0x19c: {  	[tilespmem:s26], [sflag:$0x1] =	stream.linear.gather [hbm4b:s24+s6], $0x80, $0x38;
	[tilespmem:$0x16000] =	vst v63  }
0x19d: {  	s20 =	sadd.s32 $0x580, s14;
	s22 =	simm.s32 $0xCB00  }
0x19e: {  	[tilespmem:s22], [sflag:$0x1] =	stream.linear.gather [hbm4b:s20+s6], $0x80, $0x38;
	[tilespmem:$0x16000] =	vst v63  }
0x19f: {  	s24 =	sadd.s32 $0x600, s14;
	s26 =	simm.s32 $0xCC00  }
0x1a0: {  	[tilespmem:s26], [sflag:$0x1] =	stream.linear.gather [hbm4b:s24+s6], $0x80, $0x38;
	[tilespmem:$0x16000] =	vst v63  }
0x1a1: {  	s16 =	sadd.s32 $0x680, s14;
	s20 =	simm.s32 $0xCD00  }
0x1a2: {  	[tilespmem:s20], [sflag:$0x1] =	stream.linear.gather [hbm4b:s16+s6], $0x80, $0x38;
	[tilespmem:$0x16000] =	vst v63  }
0x1a3: {  	s22 =	sadd.s32 $0x700, s14;
	s24 =	simm.s32 $0xCE00  }
0x1a4: {  	[tilespmem:s24], [sflag:$0x1] =	stream.linear.gather [hbm4b:s22+s6], $0x80, $0x38;
	[tilespmem:$0x16000] =	vst v63  }
0x1a5: {  	s14 =	sadd.s32 $0x780, s14;
	s26 =	simm.s32 $0xCF00  }
0x1a6: {  	[tilespmem:s26], [sflag:$0x1] =	stream.linear.gather [hbm4b:s14+s6], $0x80, $0x38;
	[tilespmem:$0x16000] =	vst v63  }
.LBB2_6:
0x1a7: {  	_ =	swait.ge [sflag:s18], $0x2000  }
0x1a8: {  	[sflag:s18] =	ssyncset.done $0x0  }
0x1a9: {  	[sflag:s18] =	ssyncadd.s32 $0xFFFFE000  }
0x1aa: {  	_ =	swait.ge [sflag:s18], $0x4000  }
0x1ab: {  	[sflag:s18] =	ssyncset.done $0x0  }
0x1ac: {  	[sflag:s18] =	ssyncadd.s32 $0xFFFFC000  }
0x1ad: {  	_ =	swait.ge [sflag:s18], $0x800  }
0x1ae: {  	[sflag:s18] =	ssyncset.done $0x0  }
0x1af: {  	s14 =	simm.s32 @!p0 $0x4;
	[sflag:s18] =	ssyncadd.s32 $0xFFFFF800  }
0x1b0: {  	_ =	swait.ge @!p0 [sflag:s14], $0x800  }
0x1b1: {  	[sflag:s14] =	ssyncset.done @!p0 $0x0  }
0x1b2: {  	[sflag:s14] =	ssyncadd.s32 @!p0 $0xFFFFF800  }
0x1b3: {  	s15 =	simm.s32 $0x21F0;
	v7 =	vld [tilespmem:s23+$0xE000]  }
0x1b4: {  	v8 =	vld [tilespmem:s15+$0xFFFFFE80]  }
0x1b5: {  	v9 =	vld [tilespmem:s15+$0xFFFFFF00]  }
0x1b6: {  	v10 =	vld [tilespmem:s15+$0xFFFFFF80]  }
0x1b7: {  	v11 =	vld [tilespmem:s15+$0x0]  }
0x1b8: {  	v20 =	vld [tilespmem:s15+$0xFFFFFE10]  }
0x1b9: {  	v21 =	vld [tilespmem:s15+$0xFFFFFE90]  }
0x1ba: {  	v22 =	vld [tilespmem:s15+$0xFFFFFF10]  }
0x1bb: {  	s14 =	simm.s32 $0xC0F0;
	v23 =	vld [tilespmem:s15+$0xFFFFFF90]  }
0x1bc: {  	v24 =	vld [tilespmem:s14+$0x0]  }
0x1bd: {  	s23 =	simm.s32 $0x8000;
	v33 =	vld [tilespmem:s14+$0xFFFFFFA0]  }
0x1be: {  	v12 =	vld [tilespmem:s23+$0x70]  }
0x1bf: {  	v13 =	vld [tilespmem:s23+$0xF0]  }
0x1c0: {  	v14 =	vld [tilespmem:s23+$0x170]  }
0x1c1: {  	v15 =	vld [tilespmem:s23+$0x1F0]  }
0x1c2: {  	v16 =	vld [tilespmem:s23+$0x270]  }
0x1c3: {  	v17 =	vld [tilespmem:s23+$0x2F0]  }
0x1c4: {  	v18 =	vld [tilespmem:s23+$0x370];
	v0 =	vbroadcast v7, $0x0;
	v1 =	vbroadcast v7, $0x1  }
0x1c5: {  	v19 =	vld [tilespmem:s23+$0x3F0];
	v2 =	vbroadcast v7, $0x2;
	v3 =	vbroadcast v7, $0x3  }
0x1c6: {  	v25 =	vld [tilespmem:s23+$0x0];
	v4 =	vbroadcast v7, $0x4;
	v5 =	vbroadcast v7, $0x5  }
0x1c7: {  	v26 =	vld [tilespmem:s23+$0x80];
	v6 =	vbroadcast v7, $0x6;
	v7 =	vbroadcast v7, $0x7;
	v8 =	vsub.f32 $1.000000000e+00, v8  }
0x1c8: {  	v27 =	vld [tilespmem:s23+$0x100];
	v9 =	vsub.f32 $1.000000000e+00, v9;
	v12 =	vmul.f32 v12, v0;
	v13 =	vmul.f32 v13, v1  }
0x1c9: {  	v28 =	vld [tilespmem:s23+$0x180];
	v10 =	vsub.f32 $1.000000000e+00, v10;
	v14 =	vmul.f32 v14, v2;
	v15 =	vmul.f32 v15, v3  }
0x1ca: {  	v29 =	vld [tilespmem:s23+$0x200];
	v11 =	vsub.f32 $1.000000000e+00, v11;
	v16 =	vmul.f32 v16, v4;
	v17 =	vmul.f32 v17, v5  }
0x1cb: {  	v30 =	vld [tilespmem:s23+$0x380];
	v24 =	vsub.f32 $1.000000000e+00, v24;
	v18 =	vmul.f32 v18, v6;
	v19 =	vmul.f32 v19, v7  }
0x1cc: {  	v31 =	vld [tilespmem:s23+$0x150];
	v8 =	vmul.f32 v9, v8;
	v9 =	vsub.f32 $1.000000000e+00, v12;
	v12 =	vsub.f32 $1.000000000e+00, v13  }
0x1cd: {  	v10 =	vmul.f32 v11, v10;
	v13 =	vld [tilespmem:s23+$0x280];
	v11 =	vsub.f32 $1.000000000e+00, v14;
	v14 =	vsub.f32 $1.000000000e+00, v15  }
0x1ce: {  	v15 =	vld [tilespmem:s23+$0x300];
	v16 =	vsub.f32 $1.000000000e+00, v16;
	v17 =	vsub.f32 $1.000000000e+00, v17  }
0x1cf: {  	v8 =	vmul.f32 v10, v8;
	v10 =	vsub.f32 $1.000000000e+00, v18;
	v18 =	vsub.f32 $1.000000000e+00, v19;
	v19 =	vld [tilespmem:s15+$0xFFFFFE20]  }
0x1d0: {  	v9 =	vmul.f32 v12, v9;
	v11 =	vmul.f32 v14, v11;
	v12 =	vld [tilespmem:s15+$0xFFFFFEA0];
	v14 =	vsub.f32 $1.000000000e+00, v20  }
0x1d1: {  	v16 =	vmul.f32 v17, v16;
	v10 =	vmul.f32 v18, v10;
	v18 =	vld [tilespmem:s15+$0xFFFFFF20];
	v20 =	vsub.f32 $1.000000000e+00, v21  }
0x1d2: {  	v8 =	vmul.f32 v8, v24;
	v21 =	vsub.f32 $1.000000000e+00, v22;
	v22 =	vld [tilespmem:s23+$0x10];
	v17 =	vmul.f32 v26, v1  }
0x1d3: {  	v26 =	vld [tilespmem:s23+$0x110];
	v9 =	vmul.f32 v11, v9;
	v10 =	vmul.f32 v10, v16  }
0x1d4: {  	v23 =	vsub.f32 $1.000000000e+00, v23;
	v24 =	vmul.f32 v27, v2;
	v27 =	vmul.f32 v29, v4;
	v11 =	vld [tilespmem:s15+$0xFFFFFFA0]  }
0x1d5: {  	v16 =	vmul.f32 v25, v0;
	v25 =	vld [tilespmem:s23+$0x90];
	v8 =	vsub.f32 $1.000000000e+00, v8;
	v9 =	vmul.f32 v10, v9  }
0x1d6: {  	v29 =	vsub.f32 $1.000000000e+00, v17;
	v13 =	vmul.f32 v13, v5;
	v10 =	vmul.f32 v28, v3;
	v28 =	vld [tilespmem:s23+$0x190]  }
0x1d7: {  	v24 =	vsub.f32 $1.000000000e+00, v24;
	v17 =	vmul.f32 v9, v8;
	v9 =	vmul.f32 v15, v6;
	v15 =	vld [tilespmem:s23+$0x210]  }
0x1d8: {  	v19 =	vsub.f32 $1.000000000e+00, v19;
	v16 =	vsub.f32 $1.000000000e+00, v16;
	v8 =	vmul.f32 v20, v14;
	v14 =	vld [tilespmem:s23+$0x290]  }
0x1d9: {  	v12 =	vsub.f32 $1.000000000e+00, v12;
	v18 =	vsub.f32 $1.000000000e+00, v18;
	v20 =	vmul.f32 v23, v21;
	v21 =	vld [tilespmem:s23+$0x310]  }
0x1da: {  	v30 =	vmul.f32 v30, v7;
	v13 =	vsub.f32 $1.000000000e+00, v13;
	v23 =	vsub.f32 $1.000000000e+00, v27;
	v27 =	vld [tilespmem:s23+$0x390]  }
0x1db: {  	v10 =	vsub.f32 $1.000000000e+00, v10;
	v12 =	vmul.f32 v12, v19;
	v19 =	vmul.f32 v22, v0;
	v22 =	vld [tilespmem:s15+$0xFFFFFEB0]  }
0x1dc: {  	v16 =	vmul.f32 v29, v16;
	v11 =	vsub.f32 $1.000000000e+00, v11;
	v8 =	vmul.f32 v20, v8;
	v20 =	vld [tilespmem:s15+$0xFFFFFE30]  }
0x1dd: {  	v29 =	vsub.f32 $1.000000000e+00, v30;
	v24 =	vmul.f32 v10, v24;
	v10 =	vmul.f32 v26, v2;
	v26 =	vld [tilespmem:s15+$0xFFFFFFB0]  }
0x1de: {  	v9 =	vsub.f32 $1.000000000e+00, v9;
	v11 =	vmul.f32 v11, v18;
	v18 =	vmul.f32 v25, v1;
	v25 =	vld [tilespmem:s15+$0xFFFFFF30]  }
0x1df: {  	v13 =	vmul.f32 v13, v23;
	v19 =	vsub.f32 $1.000000000e+00, v19;
	v23 =	vmul.f32 v28, v3;
	v28 =	vld [tilespmem:s23+$0x20]  }
0x1e0: {  	v9 =	vmul.f32 v29, v9;
	v29 =	vld [tilespmem:s23+$0xA0];
	v30 =	vsub.f32 $1.000000000e+00, v10;
	v16 =	vmul.f32 v24, v16  }
0x1e1: {  	v24 =	vld [tilespmem:s23+$0x2A0];
	v18 =	vsub.f32 $1.000000000e+00, v18;
	v15 =	vmul.f32 v15, v4;
	v10 =	vmul.f32 v11, v12  }
0x1e2: {  	v11 =	vmul.f32 v14, v5;
	v12 =	vld [tilespmem:s23+$0x120];
	v14 =	vsub.f32 $1.000000000e+00, v23;
	v21 =	vmul.f32 v21, v6  }
0x1e3: {  	v23 =	vld [tilespmem:s23+$0x1A0];
	v9 =	vmul.f32 v9, v13;
	v15 =	vsub.f32 $1.000000000e+00, v15;
	v18 =	vmul.f32 v18, v19  }
0x1e4: {  	v11 =	vsub.f32 $1.000000000e+00, v11;
	v19 =	vmul.f32 v27, v7;
	v27 =	vld [tilespmem:s23+$0x220];
	v14 =	vmul.f32 v14, v30  }
0x1e5: {  	v22 =	vsub.f32 $1.000000000e+00, v22;
	v20 =	vsub.f32 $1.000000000e+00, v20;
	v30 =	vld [tilespmem:s23+$0x1C0];
	v9 =	vmul.f32 v9, v16  }
0x1e6: {  	v21 =	vsub.f32 $1.000000000e+00, v21;
	v16 =	vld [tilespmem:s15+$0xFFFFFEC0];
	v11 =	vmul.f32 v11, v15;
	v13 =	vmul.f32 v14, v18  }
0x1e7: {  	v19 =	vsub.f32 $1.000000000e+00, v19;
	v15 =	vld [tilespmem:s23+$0x320];
	v20 =	vmul.f32 v22, v20;
	v22 =	vmul.f32 v28, v0  }
0x1e8: {  	v14 =	vld [tilespmem:s23+$0x3A0];
	v18 =	vsub.f32 $1.000000000e+00, v25;
	v24 =	vmul.f32 v24, v5;
	v28 =	vmul.f32 v12, v2  }
0x1e9: {  	v25 =	vld [tilespmem:s15+$0xFFFFFE40];
	v23 =	vmul.f32 v23, v3;
	v19 =	vmul.f32 v19, v21;
	v21 =	vsub.f32 $1.000000000e+00, v26  }
0x1ea: {  	v26 =	vmul.f32 v29, v1;
	v22 =	vsub.f32 $1.000000000e+00, v22;
	v24 =	vsub.f32 $1.000000000e+00, v24;
	v29 =	vld [tilespmem:s23+$0x230]  }
0x1eb: {  	v27 =	vmul.f32 v27, v4;
	v23 =	vsub.f32 $1.000000000e+00, v23;
	v18 =	vmul.f32 v21, v18;
	v21 =	vld [tilespmem:s15+$0xFFFFFF40]  }
0x1ec: {  	v11 =	vmul.f32 v19, v11;
	v19 =	vld [tilespmem:s15+$0xFFFFFFC0];
	v16 =	vsub.f32 $1.000000000e+00, v16;
	v15 =	vmul.f32 v15, v6  }
0x1ed: {  	v27 =	vsub.f32 $1.000000000e+00, v27;
	v14 =	vmul.f32 v14, v7;
	v12 =	vmul.f32 v18, v20;
	v18 =	vld [tilespmem:s23+$0x30]  }
0x1ee: {  	v20 =	vsub.f32 $1.000000000e+00, v26;
	v11 =	vmul.f32 v11, v13;
	v13 =	vld [tilespmem:s23+$0xB0];
	v26 =	vsub.f32 $1.000000000e+00, v28  }
0x1ef: {  	v28 =	vld [tilespmem:s23+$0x130];
	v15 =	vsub.f32 $1.000000000e+00, v15;
	v14 =	vsub.f32 $1.000000000e+00, v14;
	v24 =	vmul.f32 v24, v27  }
0x1f0: {  	v25 =	vsub.f32 $1.000000000e+00, v25;
	v27 =	vld [tilespmem:s23+$0x330];
	v20 =	vmul.f32 v20, v22;
	v23 =	vmul.f32 v23, v26  }
0x1f1: {  	v22 =	vld [tilespmem:s23+$0x1B0];
	v21 =	vsub.f32 $1.000000000e+00, v21;
	v19 =	vsub.f32 $1.000000000e+00, v19;
	v14 =	vmul.f32 v14, v15  }
0x1f2: {  	v26 =	vld [tilespmem:s23+$0x2B0];
	v15 =	vmul.f32 v16, v25;
	v20 =	vmul.f32 v23, v20  }
0x1f3: {  	v16 =	vld [tilespmem:s15+$0xFFFFFE50];
	v18 =	vmul.f32 v18, v0;
	v19 =	vmul.f32 v19, v21  }
0x1f4: {  	v23 =	vld [tilespmem:s23+$0x3B0];
	v13 =	vmul.f32 v13, v1;
	v24 =	vmul.f32 v14, v24  }
0x1f5: {  	v21 =	vld [tilespmem:s15+$0xFFFFFED0];
	v28 =	vmul.f32 v28, v2;
	v18 =	vsub.f32 $1.000000000e+00, v18;
	v14 =	vmul.f32 v19, v15  }
0x1f6: {  	v15 =	vld [tilespmem:s15+$0xFFFFFFD0];
	v19 =	vsub.f32 $1.000000000e+00, v13;
	v22 =	vmul.f32 v22, v3;
	v13 =	vmul.f32 v24, v20  }
0x1f7: {  	v20 =	vld [tilespmem:s23+$0x40];
	v24 =	vsub.f32 $1.000000000e+00, v28;
	v28 =	vmul.f32 v29, v4;
	v26 =	vmul.f32 v26, v5  }
0x1f8: {  	v25 =	vld [tilespmem:s15+$0xFFFFFF50];
	v22 =	vsub.f32 $1.000000000e+00, v22;
	v18 =	vmul.f32 v19, v18;
	v19 =	vmul.f32 v27, v6  }
0x1f9: {  	v29 =	vld [tilespmem:s23+$0xC0];
	v28 =	vsub.f32 $1.000000000e+00, v28;
	v26 =	vsub.f32 $1.000000000e+00, v26;
	v23 =	vmul.f32 v23, v7  }
0x1fa: {  	v16 =	vsub.f32 $1.000000000e+00, v16;
	v27 =	vld [tilespmem:s23+$0x140];
	v21 =	vsub.f32 $1.000000000e+00, v21;
	v22 =	vmul.f32 v22, v24  }
0x1fb: {  	v19 =	vsub.f32 $1.000000000e+00, v19;
	v24 =	vld [tilespmem:s23+$0x240];
	v23 =	vsub.f32 $1.000000000e+00, v23;
	v26 =	vmul.f32 v26, v28  }
0x1fc: {  	v28 =	vld [tilespmem:s23+$0x2C0];
	v15 =	vsub.f32 $1.000000000e+00, v15;
	v16 =	vmul.f32 v21, v16;
	v20 =	vmul.f32 v20, v0  }
0x1fd: {  	v21 =	vld [tilespmem:s23+$0x3C0];
	v18 =	vmul.f32 v22, v18;
	v22 =	vsub.f32 $1.000000000e+00, v25;
	v19 =	vmul.f32 v23, v19  }
0x1fe: {  	v30 =	vmul.f32 v30, v3;
	v25 =	vld [tilespmem:s23+$0x340];
	v23 =	vmul.f32 v29, v1  }
0x1ff: {  	v29 =	vld [tilespmem:s15+$0xFFFFFF60];
	v20 =	vsub.f32 $1.000000000e+00, v20;
	v15 =	vmul.f32 v15, v22;
	v19 =	vmul.f32 v19, v26  }
0x200: {  	v27 =	vmul.f32 v27, v2;
	v22 =	vld [tilespmem:s15+$0xFFFFFE60];
	v23 =	vsub.f32 $1.000000000e+00, v23;
	v24 =	vmul.f32 v24, v4  }
0x201: {  	v26 =	vld [tilespmem:s15+$0xFFFFFEE0];
	v16 =	vmul.f32 v15, v16;
	v15 =	vmul.f32 v19, v18  }
0x202: {  	v18 =	vld [tilespmem:s15+$0xFFFFFFE0];
	v19 =	vsub.f32 $1.000000000e+00, v27;
	v27 =	vmul.f32 v28, v5;
	v20 =	vmul.f32 v23, v20  }
0x203: {  	v30 =	vsub.f32 $1.000000000e+00, v30;
	v28 =	vld [tilespmem:s23+$0x50];
	v21 =	vmul.f32 v21, v7;
	v23 =	vmul.f32 v25, v6  }
0x204: {  	v25 =	vld [tilespmem:s23+$0xD0];
	v24 =	vsub.f32 $1.000000000e+00, v24;
	v27 =	vsub.f32 $1.000000000e+00, v27  }
0x205: {  	v19 =	vmul.f32 v30, v19;
	v30 =	vld [tilespmem:s23+$0x1D0];
	v21 =	vsub.f32 $1.000000000e+00, v21;
	v23 =	vsub.f32 $1.000000000e+00, v23  }
0x206: {  	v22 =	vsub.f32 $1.000000000e+00, v22;
	v26 =	vsub.f32 $1.000000000e+00, v26;
	v24 =	vmul.f32 v27, v24;
	v27 =	vld [tilespmem:s23+$0x250]  }
0x207: {  	v20 =	vmul.f32 v19, v20;
	v19 =	vsub.f32 $1.000000000e+00, v29;
	v29 =	vld [tilespmem:s23+$0x2D0];
	v18 =	vsub.f32 $1.000000000e+00, v18  }
0x208: {  	v21 =	vmul.f32 v21, v23;
	v22 =	vmul.f32 v26, v22;
	v23 =	vld [tilespmem:s23+$0x350]  }
0x209: {  	v26 =	vmul.f32 v28, v0;
	v28 =	vld [tilespmem:s23+$0x3D0];
	v18 =	vmul.f32 v18, v19  }
0x20a: {  	v25 =	vmul.f32 v25, v1;
	v21 =	vmul.f32 v21, v24;
	v24 =	vld [tilespmem:s15+$0xFFFFFE70]  }
0x20b: {  	v31 =	vmul.f32 v31, v2;
	v26 =	vsub.f32 $1.000000000e+00, v26;
	v19 =	vmul.f32 v18, v22;
	v22 =	vld [tilespmem:s15+$0xFFFFFEF0]  }
0x20c: {  	v30 =	vmul.f32 v30, v3;
	v25 =	vsub.f32 $1.000000000e+00, v25;
	v18 =	vmul.f32 v21, v20;
	v20 =	vld [tilespmem:s15+$0xFFFFFF70]  }
0x20d: {  	v21 =	vsub.f32 $1.000000000e+00, v31;
	v27 =	vmul.f32 v27, v4;
	v29 =	vmul.f32 v29, v5;
	v31 =	vld [tilespmem:s15+$0xFFFFFFF0]  }
0x20e: {  	v32 =	vld [tilespmem:s23+$0xE0];
	v30 =	vsub.f32 $1.000000000e+00, v30;
	v25 =	vmul.f32 v25, v26;
	v23 =	vmul.f32 v23, v6  }
0x20f: {  	v26 =	vld [tilespmem:s23+$0x60];
	v28 =	vmul.f32 v28, v7;
	v27 =	vsub.f32 $1.000000000e+00, v27;
	v29 =	vsub.f32 $1.000000000e+00, v29  }
0x210: {  	v21 =	vmul.f32 v30, v21;
	v30 =	vld [tilespmem:s23+$0x160];
	v23 =	vsub.f32 $1.000000000e+00, v23;
	v24 =	vsub.f32 $1.000000000e+00, v24  }
0x211: {  	v28 =	vsub.f32 $1.000000000e+00, v28;
	v27 =	vmul.f32 v29, v27;
	v29 =	vld [tilespmem:s23+$0x1E0];
	v22 =	vsub.f32 $1.000000000e+00, v22  }
0x212: {  	v25 =	vmul.f32 v21, v25;
	v20 =	vsub.f32 $1.000000000e+00, v20;
	v21 =	vsub.f32 $1.000000000e+00, v31;
	v31 =	vld [tilespmem:s23+$0x260]  }
0x213: {  	v23 =	vmul.f32 v28, v23;
	v22 =	vmul.f32 v22, v24;
	v24 =	vld [tilespmem:s23+$0x2E0]  }
0x214: {  	v28 =	vld [tilespmem:s23+$0x360];
	v26 =	vmul.f32 v26, v0;
	v20 =	vmul.f32 v21, v20  }
0x215: {  	v32 =	vmul.f32 v32, v1;
	v23 =	vmul.f32 v23, v27;
	v27 =	vld [tilespmem:s23+$0x3E0]  }
0x216: {  	v63 =	vld [tilespmem:s14+$0xFFFFFFB0];
	v30 =	vmul.f32 v30, v2;
	v26 =	vsub.f32 $1.000000000e+00, v26;
	v21 =	vmul.f32 v20, v22  }
0x217: {  	v22 =	vsub.f32 $1.000000000e+00, v32;
	v29 =	vmul.f32 v29, v3;
	v20 =	vmul.f32 v23, v25  }
0x218: {  	v30 =	vsub.f32 $1.000000000e+00, v30;
	v23 =	vld [tilespmem:s14+$0xFFFFFFC0];
	v31 =	vmul.f32 v31, v4;
	v34 =	vmul.f32 v24, v5  }
0x219: {  	v28 =	vmul.f32 v28, v6;
	v29 =	vsub.f32 $1.000000000e+00, v29;
	v25 =	vmul.f32 v22, v26;
	v24 =	vld [tilespmem:s14+$0xFFFFFFD0]  }
0x21a: {  	s26 =	sshll.u32 s19, $0xB;
	v22 =	vld [tilespmem:s14+$0xFFFFFFE0];
	v35 =	vsub.f32 $1.000000000e+00, v31;
	v27 =	vmul.f32 v27, v7;
	v34 =	vsub.f32 $1.000000000e+00, v34  }
0x21b: {  	s16 =	sand.u32 $0x3800, s26;
	s15 =	simm.s32 $0xD0F0;
	v32 =	vsub.f32 $1.000000000e+00, v63;
	v26 =	vld [tilespmem:s14+$0xFFFFFFF0];
	v29 =	vmul.f32 v29, v30;
	v30 =	vsub.f32 $1.000000000e+00, v33  }
0x21c: {  	s19 =	simm.s32 $0x0;
	s20 =	simm.s32 $0x23F0;
	s16 =	sor.u32 s21, s16;
	[tilespmem:s15+$0x0] =	vst v17;
	v17 =	vld [tilespmem:s14+$0xFFFFFF90];
	v28 =	vsub.f32 $1.000000000e+00, v28;
	v31 =	vsub.f32 $1.000000000e+00, v27;
	v27 =	vmul.f32 v34, v35  }
.LBB2_7:
0x21d: {  	v33 =	vld [tilespmem:s20+$0xFFFFFE80];
	v10 =	vmul.f32 v10, v30;
	v23 =	vsub.f32 $1.000000000e+00, v23;
	v25 =	vmul.f32 v29, v25  }
0x21e: {  	v29 =	vld [tilespmem:s20+$0xFFFFFF00];
	v12 =	vmul.f32 v12, v32;
	v24 =	vsub.f32 $1.000000000e+00, v24;
	v28 =	vmul.f32 v31, v28  }
0x21f: {  	v30 =	vld [tilespmem:s20+$0xFFFFFF80];
	v10 =	vsub.f32 $1.000000000e+00, v10;
	v14 =	vmul.f32 v14, v23;
	v22 =	vsub.f32 $1.000000000e+00, v22  }
0x220: {  	s23 =	sadd.s32 $0x400, s23;
	v23 =	vld [tilespmem:s20+$0x0];
	v16 =	vmul.f32 v16, v24;
	v24 =	vsub.f32 $1.000000000e+00, v26;
	v26 =	vmul.f32 v28, v27  }
0x221: {  	v12 =	vsub.f32 $1.000000000e+00, v12;
	v27 =	vld [tilespmem:s23+$0x70];
	v17 =	vsub.f32 $1.000000000e+00, v17;
	v19 =	vmul.f32 v19, v22  }
0x222: {  	v14 =	vsub.f32 $1.000000000e+00, v14;
	v22 =	vld [tilespmem:s23+$0xF0];
	v16 =	vsub.f32 $1.000000000e+00, v16;
	v21 =	vmul.f32 v21, v24  }
0x223: {  	v24 =	vld [tilespmem:s23+$0x170];
	v8 =	vmul.f32 v8, v17;
	v17 =	vsub.f32 $1.000000000e+00, v19;
	v19 =	vmul.f32 v26, v25  }
0x224: {  	v10 =	vmul.f32 v11, v10;
	v11 =	vmul.f32 v13, v12;
	v25 =	vld [tilespmem:s23+$0x1F0];
	v12 =	vsub.f32 $1.000000000e+00, v21  }
0x225: {  	v14 =	vmul.f32 v15, v14;
	v15 =	vmul.f32 v18, v16;
	v13 =	vld [tilespmem:s23+$0x270];
	v8 =	vsub.f32 $1.000000000e+00, v8  }
0x226: {  	v16 =	vld [tilespmem:s23+$0x2F0];
	[tilespmem:s15+$0xFFFFFFA0] =	vst v10;
	v10 =	vmul.f32 v20, v17;
	v12 =	vmul.f32 v19, v12  }
0x227: {  	v17 =	vld [tilespmem:s23+$0x370];
	v8 =	vmul.f32 v9, v8;
	[tilespmem:s15+$0xFFFFFFB0] =	vst v11  }
0x228: {  	v9 =	vld [tilespmem:s23+$0x3F0];
	[tilespmem:s15+$0xFFFFFFC0] =	vst v14  }
0x229: {  	v11 =	vld [tilespmem:s20+$0xFFFFFE10];
	[tilespmem:s15+$0xFFFFFF90] =	vst v8  }
0x22a: {  	s19 =	sadd.s32 $0x80, s19;
	v18 =	vmul.f32 v27, v0;
	v19 =	vmul.f32 v22, v1;
	v14 =	vsub.f32 $1.000000000e+00, v33;
	v8 =	vld [tilespmem:s20+$0xFFFFFE90];
	[tilespmem:s15+$0xFFFFFFD0] =	vst v15  }
0x22b: {  	p0 =	slt.u32 s19, $0x780;
	v20 =	vsub.f32 $1.000000000e+00, v29;
	v21 =	vmul.f32 v24, v2;
	v22 =	vmul.f32 v25, v3;
	v15 =	vld [tilespmem:s20+$0xFFFFFF10];
	[tilespmem:s15+$0xFFFFFFE0] =	vst v10  }
0x22c: {  	s14 =	sadd.s32 $0x100, s14;
	v24 =	vsub.f32 $1.000000000e+00, v30;
	v13 =	vmul.f32 v13, v4;
	v16 =	vmul.f32 v16, v5;
	v10 =	vld [tilespmem:s20+$0xFFFFFF90];
	[tilespmem:s15+$0xFFFFFFF0] =	vst v12  }
0x22d: {  	v23 =	vsub.f32 $1.000000000e+00, v23;
	v17 =	vmul.f32 v17, v6;
	v12 =	vld [tilespmem:s14+$0x0];
	v9 =	vmul.f32 v9, v7  }
0x22e: {  	v18 =	vsub.f32 $1.000000000e+00, v18;
	v19 =	vsub.f32 $1.000000000e+00, v19;
	v14 =	vmul.f32 v20, v14;
	v25 =	vld [tilespmem:s23+$0x0]  }
0x22f: {  	v23 =	vmul.f32 v23, v24;
	v21 =	vsub.f32 $1.000000000e+00, v21;
	v22 =	vsub.f32 $1.000000000e+00, v22;
	v20 =	vld [tilespmem:s23+$0x80]  }
0x230: {  	v13 =	vsub.f32 $1.000000000e+00, v13;
	v16 =	vsub.f32 $1.000000000e+00, v16;
	v24 =	vld [tilespmem:s23+$0x100]  }
0x231: {  	v14 =	vmul.f32 v23, v14;
	v17 =	vsub.f32 $1.000000000e+00, v17;
	v9 =	vsub.f32 $1.000000000e+00, v9;
	v26 =	vld [tilespmem:s23+$0x180]  }
0x232: {  	v18 =	vmul.f32 v19, v18;
	v19 =	vmul.f32 v22, v21;
	v23 =	vld [tilespmem:s23+$0x200];
	v12 =	vsub.f32 $1.000000000e+00, v12  }
0x233: {  	v11 =	vsub.f32 $1.000000000e+00, v11;
	v13 =	vmul.f32 v16, v13;
	v9 =	vmul.f32 v9, v17;
	v21 =	vld [tilespmem:s23+$0x280]  }
0x234: {  	v8 =	vsub.f32 $1.000000000e+00, v8;
	v15 =	vsub.f32 $1.000000000e+00, v15;
	v16 =	vld [tilespmem:s23+$0x300];
	v12 =	vmul.f32 v14, v12  }
0x235: {  	v10 =	vsub.f32 $1.000000000e+00, v10;
	v17 =	vmul.f32 v19, v18;
	v9 =	vmul.f32 v9, v13;
	v14 =	vld [tilespmem:s23+$0x380]  }
0x236: {  	v13 =	vmul.f32 v25, v0;
	v18 =	vmul.f32 v20, v1;
	v19 =	vld [tilespmem:s20+$0xFFFFFE20]  }
0x237: {  	v20 =	vmul.f32 v24, v2;
	v9 =	vmul.f32 v9, v17;
	v12 =	vsub.f32 $1.000000000e+00, v12;
	v22 =	vld [tilespmem:s20+$0xFFFFFEA0]  }
0x238: {  	v13 =	vsub.f32 $1.000000000e+00, v13;
	v17 =	vmul.f32 v26, v3;
	v23 =	vmul.f32 v23, v4;
	v24 =	vld [tilespmem:s20+$0xFFFFFF20]  }
0x239: {  	v18 =	vsub.f32 $1.000000000e+00, v18;
	v21 =	vmul.f32 v21, v5;
	v9 =	vmul.f32 v9, v12;
	v25 =	vld [tilespmem:s20+$0xFFFFFFA0]  }
0x23a: {  	s15 =	sadd.s32 $0x100, s15;
	v12 =	vsub.f32 $1.000000000e+00, v20;
	v16 =	vmul.f32 v16, v6;
	v14 =	vmul.f32 v14, v7;
	v20 =	vld [tilespmem:s23+$0x10]  }
0x23b: {  	v8 =	vmul.f32 v8, v11;
	v10 =	vmul.f32 v10, v15;
	v11 =	vsub.f32 $1.000000000e+00, v19;
	v15 =	vld [tilespmem:s23+$0x90];
	[tilespmem:s15+$0x0] =	vst v9  }
0x23c: {  	v13 =	vmul.f32 v18, v13;
	v9 =	vsub.f32 $1.000000000e+00, v17;
	v17 =	vsub.f32 $1.000000000e+00, v22;
	v18 =	vld [tilespmem:s23+$0x110]  }
0x23d: {  	v8 =	vmul.f32 v10, v8;
	v10 =	vsub.f32 $1.000000000e+00, v23;
	v19 =	vsub.f32 $1.000000000e+00, v24;
	v22 =	vld [tilespmem:s23+$0x190]  }
0x23e: {  	v21 =	vsub.f32 $1.000000000e+00, v21;
	v11 =	vmul.f32 v17, v11;
	v17 =	vsub.f32 $1.000000000e+00, v25;
	v23 =	vld [tilespmem:s23+$0x210]  }
0x23f: {  	v16 =	vsub.f32 $1.000000000e+00, v16;
	v14 =	vsub.f32 $1.000000000e+00, v14;
	v20 =	vmul.f32 v20, v0;
	v24 =	vld [tilespmem:s23+$0x290]  }
0x240: {  	v17 =	vmul.f32 v17, v19;
	v15 =	vmul.f32 v15, v1;
	v19 =	vld [tilespmem:s23+$0x310]  }
0x241: {  	v9 =	vmul.f32 v9, v12;
	v12 =	vsub.f32 $1.000000000e+00, v20;
	v18 =	vmul.f32 v18, v2;
	v20 =	vld [tilespmem:s23+$0x390]  }
0x242: {  	v21 =	vmul.f32 v21, v10;
	v15 =	vsub.f32 $1.000000000e+00, v15;
	v22 =	vmul.f32 v22, v3;
	v25 =	vld [tilespmem:s20+$0xFFFFFE30]  }
0x243: {  	v14 =	vmul.f32 v14, v16;
	v16 =	vsub.f32 $1.000000000e+00, v18;
	v18 =	vmul.f32 v23, v4;
	v23 =	vld [tilespmem:s20+$0xFFFFFEB0]  }
0x244: {  	v10 =	vmul.f32 v17, v11;
	v11 =	vsub.f32 $1.000000000e+00, v22;
	v17 =	vmul.f32 v24, v5;
	v22 =	vld [tilespmem:s20+$0xFFFFFF30]  }
0x245: {  	v12 =	vmul.f32 v15, v12;
	v18 =	vsub.f32 $1.000000000e+00, v18;
	v19 =	vmul.f32 v19, v6;
	v15 =	vld [tilespmem:s20+$0xFFFFFFB0]  }
0x246: {  	v17 =	vsub.f32 $1.000000000e+00, v17;
	v20 =	vmul.f32 v20, v7;
	v11 =	vmul.f32 v11, v16;
	v16 =	vld [tilespmem:s23+$0x20]  }
0x247: {  	v9 =	vmul.f32 v9, v13;
	v13 =	vsub.f32 $1.000000000e+00, v19;
	v19 =	vsub.f32 $1.000000000e+00, v25;
	v24 =	vld [tilespmem:s23+$0xA0]  }
0x248: {  	v20 =	vsub.f32 $1.000000000e+00, v20;
	v17 =	vmul.f32 v17, v18;
	v18 =	vsub.f32 $1.000000000e+00, v23;
	v23 =	vld [tilespmem:s23+$0x120]  }
0x249: {  	v14 =	vmul.f32 v14, v21;
	v11 =	vmul.f32 v11, v12;
	v12 =	vsub.f32 $1.000000000e+00, v22;
	v21 =	vld [tilespmem:s23+$0x1A0]  }
0x24a: {  	v13 =	vmul.f32 v20, v13;
	v18 =	vmul.f32 v18, v19;
	v15 =	vsub.f32 $1.000000000e+00, v15;
	v19 =	vld [tilespmem:s23+$0x220]  }
0x24b: {  	v9 =	vmul.f32 v14, v9;
	v14 =	vmul.f32 v16, v0;
	v16 =	vld [tilespmem:s23+$0x2A0]  }
0x24c: {  	v12 =	vmul.f32 v15, v12;
	v15 =	vmul.f32 v24, v1;
	v20 =	vld [tilespmem:s23+$0x320]  }
0x24d: {  	v13 =	vmul.f32 v13, v17;
	v14 =	vsub.f32 $1.000000000e+00, v14;
	v17 =	vmul.f32 v23, v2;
	v22 =	vld [tilespmem:s23+$0x3A0]  }
0x24e: {  	v12 =	vmul.f32 v12, v18;
	v15 =	vsub.f32 $1.000000000e+00, v15;
	v18 =	vmul.f32 v21, v3;
	v21 =	vld [tilespmem:s20+$0xFFFFFE40]  }
0x24f: {  	v11 =	vmul.f32 v13, v11;
	v13 =	vsub.f32 $1.000000000e+00, v17;
	v17 =	vmul.f32 v19, v4;
	v19 =	vld [tilespmem:s20+$0xFFFFFEC0]  }
0x250: {  	v18 =	vsub.f32 $1.000000000e+00, v18;
	v16 =	vmul.f32 v16, v5;
	v14 =	vmul.f32 v15, v14;
	v15 =	vld [tilespmem:s20+$0xFFFFFF40]  }
0x251: {  	v17 =	vsub.f32 $1.000000000e+00, v17;
	v20 =	vmul.f32 v20, v6;
	v23 =	vld [tilespmem:s20+$0xFFFFFFC0]  }
0x252: {  	v16 =	vsub.f32 $1.000000000e+00, v16;
	v22 =	vmul.f32 v22, v7;
	v13 =	vmul.f32 v18, v13;
	v18 =	vld [tilespmem:s23+$0x30]  }
0x253: {  	v20 =	vsub.f32 $1.000000000e+00, v20;
	v21 =	vsub.f32 $1.000000000e+00, v21;
	v24 =	vld [tilespmem:s23+$0xB0]  }
0x254: {  	v22 =	vsub.f32 $1.000000000e+00, v22;
	v16 =	vmul.f32 v16, v17;
	v17 =	vsub.f32 $1.000000000e+00, v19;
	v19 =	vld [tilespmem:s23+$0x130]  }
0x255: {  	v13 =	vmul.f32 v13, v14;
	v14 =	vsub.f32 $1.000000000e+00, v15;
	v15 =	vld [tilespmem:s23+$0x1B0]  }
0x256: {  	v20 =	vmul.f32 v22, v20;
	v17 =	vmul.f32 v17, v21;
	v21 =	vsub.f32 $1.000000000e+00, v23;
	v22 =	vld [tilespmem:s23+$0x230]  }
0x257: {  	v18 =	vmul.f32 v18, v0;
	v23 =	vld [tilespmem:s23+$0x2B0]  }
0x258: {  	v14 =	vmul.f32 v21, v14;
	v21 =	vmul.f32 v24, v1;
	v24 =	vld [tilespmem:s23+$0x330]  }
0x259: {  	v16 =	vmul.f32 v20, v16;
	v18 =	vsub.f32 $1.000000000e+00, v18;
	v19 =	vmul.f32 v19, v2;
	v20 =	vld [tilespmem:s23+$0x3B0]  }
0x25a: {  	v14 =	vmul.f32 v14, v17;
	v17 =	vsub.f32 $1.000000000e+00, v21;
	v15 =	vmul.f32 v15, v3;
	v21 =	vld [tilespmem:s20+$0xFFFFFE50]  }
0x25b: {  	v13 =	vmul.f32 v16, v13;
	v16 =	vsub.f32 $1.000000000e+00, v19;
	v19 =	vmul.f32 v22, v4;
	v22 =	vld [tilespmem:s20+$0xFFFFFED0]  }
0x25c: {  	v15 =	vsub.f32 $1.000000000e+00, v15;
	v23 =	vmul.f32 v23, v5;
	v17 =	vmul.f32 v17, v18;
	v18 =	vld [tilespmem:s20+$0xFFFFFF50]  }
0x25d: {  	v19 =	vsub.f32 $1.000000000e+00, v19;
	v24 =	vmul.f32 v24, v6;
	v25 =	vld [tilespmem:s20+$0xFFFFFFD0]  }
0x25e: {  	v23 =	vsub.f32 $1.000000000e+00, v23;
	v20 =	vmul.f32 v20, v7;
	v15 =	vmul.f32 v15, v16;
	v16 =	vld [tilespmem:s23+$0x40]  }
0x25f: {  	v24 =	vsub.f32 $1.000000000e+00, v24;
	v21 =	vsub.f32 $1.000000000e+00, v21;
	v26 =	vld [tilespmem:s23+$0xC0]  }
0x260: {  	v20 =	vsub.f32 $1.000000000e+00, v20;
	v19 =	vmul.f32 v23, v19;
	v22 =	vsub.f32 $1.000000000e+00, v22;
	v23 =	vld [tilespmem:s23+$0x140]  }
0x261: {  	v15 =	vmul.f32 v15, v17;
	v17 =	vsub.f32 $1.000000000e+00, v18;
	v18 =	vld [tilespmem:s23+$0x1C0]  }
0x262: {  	v20 =	vmul.f32 v20, v24;
	v21 =	vmul.f32 v22, v21;
	v22 =	vsub.f32 $1.000000000e+00, v25;
	v24 =	vld [tilespmem:s23+$0x240]  }
0x263: {  	v16 =	vmul.f32 v16, v0;
	v25 =	vld [tilespmem:s23+$0x2C0]  }
0x264: {  	v17 =	vmul.f32 v22, v17;
	v22 =	vmul.f32 v26, v1;
	v26 =	vld [tilespmem:s23+$0x340]  }
0x265: {  	v19 =	vmul.f32 v20, v19;
	v20 =	vsub.f32 $1.000000000e+00, v16;
	v23 =	vmul.f32 v23, v2;
	v27 =	vld [tilespmem:s23+$0x3C0]  }
0x266: {  	v16 =	vmul.f32 v17, v21;
	v17 =	vsub.f32 $1.000000000e+00, v22;
	v18 =	vmul.f32 v18, v3;
	v21 =	vld [tilespmem:s20+$0xFFFFFE60]  }
0x267: {  	v15 =	vmul.f32 v19, v15;
	v19 =	vsub.f32 $1.000000000e+00, v23;
	v22 =	vmul.f32 v24, v4;
	v23 =	vld [tilespmem:s20+$0xFFFFFEE0]  }
0x268: {  	v18 =	vsub.f32 $1.000000000e+00, v18;
	v24 =	vmul.f32 v25, v5;
	v17 =	vmul.f32 v17, v20;
	v20 =	vld [tilespmem:s20+$0xFFFFFF60]  }
0x269: {  	v22 =	vsub.f32 $1.000000000e+00, v22;
	v25 =	vmul.f32 v26, v6;
	v26 =	vld [tilespmem:s20+$0xFFFFFFE0]  }
0x26a: {  	v24 =	vsub.f32 $1.000000000e+00, v24;
	v27 =	vmul.f32 v27, v7;
	v18 =	vmul.f32 v18, v19;
	v19 =	vld [tilespmem:s23+$0x50]  }
0x26b: {  	v25 =	vsub.f32 $1.000000000e+00, v25;
	v21 =	vsub.f32 $1.000000000e+00, v21;
	v28 =	vld [tilespmem:s23+$0xD0]  }
0x26c: {  	v27 =	vsub.f32 $1.000000000e+00, v27;
	v22 =	vmul.f32 v24, v22;
	v23 =	vsub.f32 $1.000000000e+00, v23;
	v24 =	vld [tilespmem:s23+$0x150]  }
0x26d: {  	v17 =	vmul.f32 v18, v17;
	v18 =	vsub.f32 $1.000000000e+00, v20;
	v20 =	vld [tilespmem:s23+$0x1D0]  }
0x26e: {  	v25 =	vmul.f32 v27, v25;
	v21 =	vmul.f32 v23, v21;
	v23 =	vsub.f32 $1.000000000e+00, v26;
	v26 =	vld [tilespmem:s23+$0x250]  }
0x26f: {  	v19 =	vmul.f32 v19, v0;
	v27 =	vld [tilespmem:s23+$0x2D0]  }
0x270: {  	v18 =	vmul.f32 v23, v18;
	v23 =	vmul.f32 v28, v1;
	v28 =	vld [tilespmem:s23+$0x350]  }
0x271: {  	v22 =	vmul.f32 v25, v22;
	v25 =	vsub.f32 $1.000000000e+00, v19;
	v24 =	vmul.f32 v24, v2;
	v29 =	vld [tilespmem:s23+$0x3D0]  }
0x272: {  	v19 =	vmul.f32 v18, v21;
	v21 =	vsub.f32 $1.000000000e+00, v23;
	v20 =	vmul.f32 v20, v3;
	v23 =	vld [tilespmem:s20+$0xFFFFFE70]  }
0x273: {  	v18 =	vmul.f32 v22, v17;
	v17 =	vsub.f32 $1.000000000e+00, v24;
	v22 =	vmul.f32 v26, v4;
	v24 =	vld [tilespmem:s20+$0xFFFFFEF0]  }
0x274: {  	v20 =	vsub.f32 $1.000000000e+00, v20;
	v26 =	vmul.f32 v27, v5;
	v21 =	vmul.f32 v21, v25;
	v25 =	vld [tilespmem:s20+$0xFFFFFF70]  }
0x275: {  	v22 =	vsub.f32 $1.000000000e+00, v22;
	v27 =	vmul.f32 v28, v6;
	v28 =	vld [tilespmem:s20+$0xFFFFFFF0]  }
0x276: {  	v26 =	vsub.f32 $1.000000000e+00, v26;
	v29 =	vmul.f32 v29, v7;
	v17 =	vmul.f32 v20, v17;
	v20 =	vld [tilespmem:s23+$0x60]  }
0x277: {  	v27 =	vsub.f32 $1.000000000e+00, v27;
	v23 =	vsub.f32 $1.000000000e+00, v23;
	v30 =	vld [tilespmem:s23+$0xE0]  }
0x278: {  	v29 =	vsub.f32 $1.000000000e+00, v29;
	v22 =	vmul.f32 v26, v22;
	v24 =	vsub.f32 $1.000000000e+00, v24;
	v26 =	vld [tilespmem:s23+$0x160]  }
0x279: {  	v17 =	vmul.f32 v17, v21;
	v21 =	vsub.f32 $1.000000000e+00, v25;
	v25 =	vld [tilespmem:s23+$0x1E0]  }
0x27a: {  	v27 =	vmul.f32 v29, v27;
	v23 =	vmul.f32 v24, v23;
	v24 =	vsub.f32 $1.000000000e+00, v28;
	v28 =	vld [tilespmem:s23+$0x260]  }
0x27b: {  	v20 =	vmul.f32 v20, v0;
	v29 =	vld [tilespmem:s23+$0x2E0]  }
0x27c: {  	v21 =	vmul.f32 v24, v21;
	v24 =	vmul.f32 v30, v1;
	v30 =	vld [tilespmem:s23+$0x360]  }
0x27d: {  	v22 =	vmul.f32 v27, v22;
	v27 =	vsub.f32 $1.000000000e+00, v20;
	v26 =	vmul.f32 v26, v2;
	v31 =	vld [tilespmem:s23+$0x3E0]  }
0x27e: {  	v32 =	vld [tilespmem:s14+$0xFFFFFFA0];
	v21 =	vmul.f32 v21, v23;
	v24 =	vsub.f32 $1.000000000e+00, v24;
	v25 =	vmul.f32 v25, v3  }
0x27f: {  	v20 =	vmul.f32 v22, v17;
	v33 =	vld [tilespmem:s14+$0xFFFFFFB0];
	v17 =	vsub.f32 $1.000000000e+00, v26;
	v22 =	vmul.f32 v28, v4  }
.Ltmp2:
0x280: {  	v23 =	vld [tilespmem:s14+$0xFFFFFFC0];
	v26 =	vsub.f32 $1.000000000e+00, v25;
	v28 =	vmul.f32 v29, v5;
	v25 =	vmul.f32 v24, v27;
	(pc) =	sbr.rel @p0 .LBB2_7-.Ltmp2, $4  }
0x281: {  	v24 =	vld [tilespmem:s14+$0xFFFFFFD0];
	v27 =	vsub.f32 $1.000000000e+00, v22;
	v34 =	vmul.f32 v30, v6  }
0x282: {  	v22 =	vld [tilespmem:s14+$0xFFFFFFE0];
	v35 =	vsub.f32 $1.000000000e+00, v28;
	v31 =	vmul.f32 v31, v7;
	v29 =	vmul.f32 v26, v17  }
0x283: {  	v30 =	vsub.f32 $1.000000000e+00, v32;
	v26 =	vld [tilespmem:s14+$0xFFFFFFF0];
	v28 =	vsub.f32 $1.000000000e+00, v34  }
0x284: {  	s20 =	sadd.s32 $0x200, s20;
	v17 =	vld [tilespmem:s14+$0xFFFFFF90];
	v32 =	vsub.f32 $1.000000000e+00, v33;
	v31 =	vsub.f32 $1.000000000e+00, v31;
	v27 =	vmul.f32 v35, v27  }
0x285: {  	v0 =	vmul.f32 v10, v30;
	v1 =	vsub.f32 $1.000000000e+00, v23  }
0x286: {  	v2 =	vmul.f32 v29, v25;
	v3 =	vmul.f32 v12, v32;
	v4 =	vsub.f32 $1.000000000e+00, v24  }
0x287: {  	v5 =	vmul.f32 v31, v28;
	v0 =	vsub.f32 $1.000000000e+00, v0;
	v1 =	vmul.f32 v14, v1  }
0x288: {  	v7 =	vsub.f32 $1.000000000e+00, v22;
	v4 =	vmul.f32 v16, v4;
	v59 =	vsub.f32 $1.000000000e+00, v26  }
0x289: {  	v3 =	vsub.f32 $1.000000000e+00, v3;
	v5 =	vmul.f32 v5, v27;
	v6 =	vsub.f32 $1.000000000e+00, v17  }
0x28a: {  	v1 =	vsub.f32 $1.000000000e+00, v1;
	v0 =	vmul.f32 v11, v0;
	v7 =	vmul.f32 v19, v7  }
0x28b: {  	v3 =	vmul.f32 v13, v3;
	v4 =	vsub.f32 $1.000000000e+00, v4;
	v60 =	vmul.f32 v21, v59  }
0x28c: {  	v6 =	vmul.f32 v8, v6;
	v1 =	vmul.f32 v15, v1;
	[tilespmem:s15+$0xFFFFFFA0] =	vst v0;
	v61 =	vsub.f32 $1.000000000e+00, v7  }
0x28d: {  	v2 =	vmul.f32 v5, v2;
	[tilespmem:s15+$0xFFFFFFB0] =	vst v3;
	v62 =	vsub.f32 $1.000000000e+00, v60;
	v4 =	vmul.f32 v18, v4  }
0x28e: {  	v6 =	vsub.f32 $1.000000000e+00, v6;
	[tilespmem:s15+$0xFFFFFFC0] =	vst v1;
	v0 =	vmul.f32 v20, v61  }
0x28f: {  	v63 =	vmul.f32 v2, v62;
	[tilespmem:s15+$0xFFFFFFD0] =	vst v4  }
0x290: {  	v6 =	vmul.f32 v9, v6;
	[tilespmem:s15+$0xFFFFFFE0] =	vst v0  }
0x291: {  	[tilespmem:s15+$0xFFFFFFF0] =	vst v63  }
0x292: {  	s14 =	sadd.s32 s16, s25;
	s16 =	simm.s32 $0xD080;
	[tilespmem:s15+$0xFFFFFF90] =	vst v6  }
0x293: {  	[hbm4b:s14+s6] =	stream.linear.scatter [tilespmem:s16], [sflag:$0x4], $0x80, $0x38;
	[tilespmem:$0x16000] =	vst v63  }
0x294: {  	s20 =	simm.s32 $0xD180;
	s19 =	sadd.s32 $0x80, s14  }
0x295: {  	[hbm4b:s19+s6] =	stream.linear.scatter [tilespmem:s20], [sflag:$0x4], $0x80, $0x38;
	[tilespmem:$0x16000] =	vst v63  }
0x296: {  	s22 =	simm.s32 $0xD280;
	s21 =	sadd.s32 $0x100, s14  }
0x297: {  	[hbm4b:s21+s6] =	stream.linear.scatter [tilespmem:s22], [sflag:$0x4], $0x80, $0x38;
	[tilespmem:$0x16000] =	vst v63  }
0x298: {  	s24 =	simm.s32 $0xD380;
	s23 =	sadd.s32 $0x180, s14  }
0x299: {  	[hbm4b:s23+s6] =	stream.linear.scatter [tilespmem:s24], [sflag:$0x4], $0x80, $0x38;
	[tilespmem:$0x16000] =	vst v63  }
0x29a: {  	s25 =	sadd.s32 $0x200, s14  }
0x29b: {  	[hbm4b:s25+s6] =	stream.linear.scatter [tilespmem:s28], [sflag:$0x4], $0x80, $0x38;
	[tilespmem:$0x16000] =	vst v63  }
0x29c: {  	s26 =	sadd.s32 $0x280, s14  }
0x29d: {  	[hbm4b:s26+s6] =	stream.linear.scatter [tilespmem:s29], [sflag:$0x4], $0x80, $0x38;
	[tilespmem:$0x16000] =	vst v63  }
0x29e: {  	s16 =	sadd.s32 $0x300, s14  }
0x29f: {  	[hbm4b:s16+s6] =	stream.linear.scatter [tilespmem:s30], [sflag:$0x4], $0x80, $0x38;
	[tilespmem:$0x16000] =	vst v63  }
0x2a0: {  	s19 =	sadd.s32 $0x380, s14  }
0x2a1: {  	[hbm4b:s19+s6] =	stream.linear.scatter [tilespmem:s31], [sflag:$0x4], $0x80, $0x38;
	[tilespmem:$0x16000] =	vst v63  }
0x2a2: {  	s20 =	sadd.s32 $0x400, s14  }
0x2a3: {  	[hbm4b:s20+s6] =	stream.linear.scatter [tilespmem:s3], [sflag:$0x4], $0x80, $0x38;
	[tilespmem:$0x16000] =	vst v63  }
0x2a4: {  	s21 =	sadd.s32 $0x480, s14  }
0x2a5: {  	[hbm4b:s21+s6] =	stream.linear.scatter [tilespmem:s13], [sflag:$0x4], $0x80, $0x38;
	[tilespmem:$0x16000] =	vst v63  }
0x2a6: {  	s22 =	sadd.s32 $0x500, s14  }
0x2a7: {  	[hbm4b:s22+s6] =	stream.linear.scatter [tilespmem:s8], [sflag:$0x4], $0x80, $0x38;
	[tilespmem:$0x16000] =	vst v63  }
0x2a8: {  	s23 =	sadd.s32 $0x580, s14  }
0x2a9: {  	[hbm4b:s23+s6] =	stream.linear.scatter [tilespmem:s9], [sflag:$0x4], $0x80, $0x38;
	[tilespmem:$0x16000] =	vst v63  }
0x2aa: {  	s17 =	sadd.s32 $0x1, s17;
	s24 =	sadd.s32 $0x600, s14  }
0x2ab: {  	[hbm4b:s24+s6] =	stream.linear.scatter [tilespmem:s10], [sflag:$0x4], $0x80, $0x38;
	[tilespmem:$0x16000] =	vst v63  }
0x2ac: {  	p0 =	sne.s32 s17, $0x10;
	s25 =	sadd.s32 $0x680, s14  }
0x2ad: {  	[hbm4b:s25+s6] =	stream.linear.scatter [tilespmem:s11], [sflag:$0x4], $0x80, $0x38;
	[tilespmem:$0x16000] =	vst v63  }
.Ltmp3:
0x2ae: {  	_ = 	snop;
	(pc) =	sbr.rel @p0 .LBB2_2-.Ltmp3, $4  }
0x2af: {  	s26 =	sadd.s32 $0x700, s14  }
0x2b0: {  	[hbm4b:s26+s6] =	stream.linear.scatter [tilespmem:s5], [sflag:$0x4], $0x80, $0x38;
	[tilespmem:$0x16000] =	vst v63  }
0x2b1: {  	s14 =	sadd.s32 $0x780, s14  }
0x2b2: {  	[hbm4b:s14+s6] =	stream.linear.scatter [tilespmem:s12], [sflag:$0x4], $0x80, $0x38;
	[tilespmem:$0x16000] =	vst v63  }
0x2b3: {  	s14 =	simm.s32 $0x3  }
0x2b4: {  	_ =	swait.ge [sflag:s14], $0x800  }
0x2b5: {  	[sflag:s14] =	ssyncset.done $0x0  }
0x2b6: {  	s15 =	simm.s32 $0x4;
	[sflag:s14] =	ssyncadd.s32 $0xFFFFF800  }
0x2b7: {  	_ =	swait.ge [sflag:s15], $0x800  }
0x2b8: {  	s16 =	rddreg [dreg:$0x10]  }
0x2b9: {  	s26 =	rddreg [dreg:$0xa];
	s16 =	sadd.s32 $0x1, s16  }
0x2ba: {  	p0 =	sne.s32 s16, s26  }
.Ltmp4:
0x2bb: {  	_ = 	snop;
	(pc) =	sbr.rel @p0 .LBB2_1-.Ltmp4, $3  }
0x2bc: {  	_ =	sdelay $0x1  }
0x2bd: {  	[sflag:s15] =	ssyncset.done $0x0  }
0x2be: {  	[sflag:s15] =	ssyncadd.s32 $0xFFFFF800  }
0x2bf: {  	_ =	sfence.sel $0x180000  }
0x2c0: {  	[bflag:$0x0] =	sbarrier.arrive $0xFFFF  }
0x2c1: {  	_ =	strace $0x90000047  }
0x2c2: {  	s0 =	stileid.u32;
	[bflag:$0x2] =	sbarrier.arrive $0xFFFF  }
0x2c3: {  	p0 =	sne.s32 s0, $0x0;
	s0 =	rddreg [dreg:$0x5]  }
0x2c4: {  	s0 =	sadd.s32 @!p0 $0x100000, s0  }
0x2c5: {  	[sflag:s0] =	ssyncadd.tile.s32 @!p0 $0x1;
	_ =	shalt  }
.Lfunc_end2:
_tile_overlayer_lowered:
.L_overlay_start_2:
0x2c6: {  	(tag) =	ssettag $0x2  }
0x2c7: {  	s0 =	rddreg [dreg:$0x0];
	s2 =	stileid.u32  }
0x2c8: {  	s1 =	rddreg [dreg:$0x1];
	p0 =	sne.s32 s2, $0x0  }
0x2c9: {  	s3 =	rddreg [dreg:$0x2];
	[bflag:$0x3] =	sbarrier.arrive $0xFFFF;
	s2 =	simm.s32 @!p0 $0x1C05  }
0x2ca: {  	[timem:s3], [sflag:s2] =	dma.local @!p0 [hbm:s0], s1  }
0x2cb: {  	s0 =	simm.s32 @!p0 $0x5  }
0x2cc: {  	_ =	swait.ge @!p0 [sflag:s0], s1  }
0x2cd: {  	s1 =	ssub.s32 @!p0 $0x0, s1;
	[sflag:s0] =	ssyncset.done @!p0 $0x0  }
0x2ce: {  	[sflag:s0] =	ssyncadd.s32 @!p0 s1  }
0x2cf: {  	[bflag:$0x3] =	sbarrier.arrive $0xFFFF  }
0x2d0: {  	_ =	shalt  }

</sc_bundles>
